<compile_context>
chip_gen: v7x
topology: tpu7x:2x2x1
jax: 0.10.2.dev20260603
libtpu: 0.0.44.dev20260713+nightly
codegen_flags: <defaults>
</compile_context>

<pallas_src>
import jax
import jax.numpy as jnp
from jax import lax
from jax.experimental import pallas as pl
from jax.experimental.pallas import tpu as pltpu
from jax.experimental.pallas import tpu_sc as plsc

N_PTS = 524288
C_DIM = 96
N_CELLS = 262144
NG = 8
G_SHIFT = 15
GB = 4
NB = NG * GB
BUCKET = N_CELLS // NB
L_SHIFT = 13
NC = 2
NS = 16
P = N_PTS // NS
GCAP = P + 16
FB = 128
MCAP = 2 * FB
TS = BUCKET // NS
DC = 64
SB = 2048


def _body(feat_hbm, gi_hbm, sums_hbm, cnts_hbm,
          gbuf, glist, mptr, lcnt, idbuf,
          gidxa0, gidxb0, lidx0, rowbuf0,
          gidxa1, gidxb1, lidx1, rowbuf1,
          dbuf, zc, zlbuf, acc, scnt, sem_g, sem_s, sem_d):
    c = lax.axis_index("c")
    s = lax.axis_index("s")
    tbase = s * P
    iota16 = lax.iota(jnp.int32, 16)
    zeros16 = jnp.zeros((16,), jnp.float32)
    ones16 = jnp.ones((16,), jnp.float32)
    neg16 = jnp.full((16,), -1, jnp.int32)

    def zdrow(r, _):
        for q in range(C_DIM // 16):
            dbuf[r, pl.ds(q * 16, 16)] = zeros16
        return 0
    lax.fori_loop(0, DC, zdrow, 0)

    def zcrow(r, _):
        zc[r] = zeros16
        return 0
    lax.fori_loop(0, 32, zcrow, 0)
    pltpu.sync_copy(zc, zlbuf.at[pl.ds(s * 32, 32)])
    plsc.subcore_barrier()

    def idrow(q, _):
        for i in range(8):
            idbuf[q, pl.ds(i * 16, 16)] = q * 128 + i * 16 + iota16
        return 0
    lax.fori_loop(0, (BUCKET // 16) // 128, idrow, 0)

    SLOTS = ((gidxa0, gidxb0, lidx0, rowbuf0),
             (gidxa1, gidxb1, lidx1, rowbuf1))

    def wait_scatter(rowb, lidxb):
        pltpu.make_async_copy(rowb, acc.at[lidxb], sem_s).wait()

    def issue_scatter(rowb, lidxb):
        pltpu.async_copy(rowb, acc.at[lidxb], sem_s, add=True)

    def wait_gathers(ga, gb, rowb):
        pltpu.make_async_copy(
            feat_hbm.at[ga], rowb.at[pl.ds(0, FB // 2)], sem_g).wait()
        pltpu.make_async_copy(
            feat_hbm.at[gb], rowb.at[pl.ds(FB // 2, FB // 2)], sem_g).wait()

    def issue_gathers(ga, gb, rowb):
        pltpu.async_copy(feat_hbm.at[ga], rowb.at[pl.ds(0, FB // 2)], sem_g)
        pltpu.async_copy(
            feat_hbm.at[gb], rowb.at[pl.ds(FB // 2, FB // 2)], sem_g)

    def flush_slot(slot, fcnt):
        ga, gb, lidxb, rowb = SLOTS[slot]
        oga, ogb, olidx, orow = SLOTS[1 - slot]

        @pl.when(fcnt >= 2)
        def _():
            wait_scatter(rowb, lidxb)
        for q in range(FB // 16):
            r16 = mptr[pl.ds(q * 16, 16)]
            valid = r16 >= 0
            loc = jnp.where(valid,
                            jnp.right_shift(r16, 15),
                            jnp.int32(BUCKET))
            rel = jnp.bitwise_and(r16, 32767)
            gi_half = ga if q < (FB // 32) else gb
            gi_half[pl.ds((q % (FB // 32)) * 16, 16)] = tbase + rel
            lidxb[pl.ds(q * 16, 16)] = loc

        @pl.when(fcnt >= 1)
        def _():
            wait_gathers(oga, ogb, orow)
            issue_scatter(orow, olidx)
        issue_gathers(ga, gb, rowb)

    def do_flush(fcnt):
        even = jnp.bitwise_and(fcnt, 1) == 0

        @pl.when(even)
        def _():
            flush_slot(0, fcnt)

        @pl.when(jnp.logical_not(even))
        def _():
            flush_slot(1, fcnt)

    def group_body(gi, _):
        g = c * (NG // NC) + gi

        def stream_issue(ch):
            p = jnp.bitwise_and(ch, 1)
            pltpu.async_copy(gi_hbm.at[pl.ds(tbase + ch * SB, SB)],
                             gbuf.at[pl.ds(p * SB, SB)], sem_d)

        def stream_wait(ch):
            p = jnp.bitwise_and(ch, 1)
            pltpu.make_async_copy(gi_hbm.at[pl.ds(tbase + ch * SB, SB)],
                                  gbuf.at[pl.ds(p * SB, SB)], sem_d).wait()

        stream_issue(jnp.int32(0))

        def stream_body(ch, gcnt):
            stream_wait(ch)

            @pl.when(ch + 1 < P // SB)
            def _():
                stream_issue(ch + 1)
            p = jnp.bitwise_and(ch, 1)

            def scan_body(i, cnt):
                v = gbuf[pl.ds(p * SB + i * 16, 16)]
                m = jnp.right_shift(v, G_SHIFT) == g
                rel = ch * SB + i * 16 + iota16
                e = jnp.bitwise_or(
                    jnp.left_shift(jnp.bitwise_and(v, 32767), 15), rel)
                pos = cnt + plsc.cumsum(m.astype(jnp.int32)) - 1
                plsc.store_scatter(glist, [pos], e, mask=m)
                return cnt + jnp.sum(m.astype(jnp.int32))
            return lax.fori_loop(0, SB // 16, scan_body, gcnt)
        gcnt = lax.fori_loop(0, P // SB, stream_body, jnp.int32(0))
        plsc.store_scatter(glist, [gcnt + iota16], neg16)
        gsteps = jnp.right_shift(gcnt + 15, 4)

        def bucket_body(sub, _):
            b = g * GB + sub

            pltpu.sync_copy(zlbuf, lcnt)
            for kk in range(TS // DC):
                pltpu.sync_copy(dbuf, acc.at[pl.ds(s * TS + kk * DC, DC)])
            pltpu.sync_copy(lcnt.at[pl.ds(0, 32)],
                            scnt.at[pl.ds(s * 32, 32)])
            plsc.subcore_barrier()

            def bscan(i, carry):
                cnt, fcnt = carry
                e = glist[pl.ds(i * 16, 16)]
                cell15 = jnp.right_shift(e, 15)
                m = jnp.logical_and(
                    jnp.right_shift(cell15, L_SHIFT) == sub, e >= 0)
                loc = jnp.bitwise_and(cell15, BUCKET - 1)
                plsc.addupdate_scatter(
                    lcnt, [jnp.right_shift(loc, 4),
                           jnp.bitwise_and(loc, 15)], ones16, mask=m)
                packed = jnp.bitwise_or(
                    jnp.left_shift(loc, 15), jnp.bitwise_and(e, 32767))
                pos = cnt + plsc.cumsum(m.astype(jnp.int32)) - 1
                plsc.store_scatter(mptr, [pos], packed, mask=m)
                cnt2 = cnt + jnp.sum(m.astype(jnp.int32))
                full = cnt2 >= FB

                @pl.when(full)
                def _():
                    do_flush(fcnt)
                    ov = mptr[pl.ds(FB, 16)]
                    mptr[pl.ds(0, 16)] = ov
                cnt3 = jnp.where(full, cnt2 - FB, cnt2)
                return cnt3, fcnt + full.astype(jnp.int32)
            cnt, fcnt = lax.fori_loop(0, gsteps, bscan,
                                      (jnp.int32(0), jnp.int32(0)))

            def pad_body(q, _):
                plsc.store_scatter(mptr, [cnt + q * 16 + iota16], neg16)
                return 0
            lax.fori_loop(0, 8, pad_body, 0)

            @pl.when(cnt > 0)
            def _():
                do_flush(fcnt)
            ftot = fcnt + (cnt > 0).astype(jnp.int32)

            def drain_par(slot, nf):
                ga, gb, lidxb, rowb = SLOTS[slot]
                oga, ogb, olidx, orow = SLOTS[1 - slot]
                wait_gathers(ga, gb, rowb)
                issue_scatter(rowb, lidxb)

                @pl.when(nf >= 2)
                def _():
                    wait_scatter(orow, olidx)
                wait_scatter(rowb, lidxb)

            lastp = jnp.bitwise_and(ftot - 1, 1)

            @pl.when(jnp.logical_and(ftot >= 1, lastp == 0))
            def _():
                drain_par(0, ftot)

            @pl.when(jnp.logical_and(ftot >= 1, lastp == 1))
            def _():
                drain_par(1, ftot)

            for q in range((BUCKET // 16) // 128):
                pltpu.sync_copy(lcnt.at[pl.ds(q * 128, 128)],
                                scnt.at[idbuf.at[q]], add=True)
            plsc.subcore_barrier()

            def dchunk(kk, _):
                row0 = s * TS + kk * DC
                pltpu.sync_copy(acc.at[pl.ds(row0, DC)],
                                sums_hbm.at[pl.ds(b * BUCKET + row0, DC)])
                return 0
            lax.fori_loop(0, TS // DC, dchunk, 0)
            pltpu.sync_copy(scnt.at[pl.ds(s * 32, 32)],
                            cnts_hbm.at[pl.ds(b * (BUCKET // 16) + s * 32,
                                              32)])
            return 0
        lax.fori_loop(0, GB, bucket_body, 0)
        return 0
    lax.fori_loop(0, NG // NC, group_body, 0)


def _div_body(s_ref, c_ref, o_ref):
    o_ref[...] = s_ref[...] / jnp.maximum(c_ref[...], 1.0)


@jax.jit
def kernel(feat, grid_index):
    run = pl.kernel(
        _body,
        out_type=(
            jax.ShapeDtypeStruct((N_CELLS, C_DIM), jnp.float32),
            jax.ShapeDtypeStruct((N_CELLS // 16, 16), jnp.float32),
        ),
        mesh=plsc.VectorSubcoreMesh(core_axis_name="c", subcore_axis_name="s"),
        compiler_params=pltpu.CompilerParams(
            needs_layout_passes=False, use_tc_tiling_on_sc=False),
        scratch_types=[
            pltpu.VMEM((2 * SB,), jnp.int32),
            pltpu.VMEM((GCAP,), jnp.int32),
            pltpu.VMEM((MCAP,), jnp.int32),
            pltpu.VMEM((BUCKET // 16, 16), jnp.float32),
            pltpu.VMEM(((BUCKET // 16) // 128, 128), jnp.int32),
            pltpu.VMEM((FB // 2,), jnp.int32),
            pltpu.VMEM((FB // 2,), jnp.int32),
            pltpu.VMEM((FB,), jnp.int32),
            pltpu.VMEM((FB, C_DIM), jnp.float32),
            pltpu.VMEM((FB // 2,), jnp.int32),
            pltpu.VMEM((FB // 2,), jnp.int32),
            pltpu.VMEM((FB,), jnp.int32),
            pltpu.VMEM((FB, C_DIM), jnp.float32),
            pltpu.VMEM((DC, C_DIM), jnp.float32),
            pltpu.VMEM((32, 16), jnp.float32),
            pltpu.VMEM_SHARED((BUCKET // 16, 16), jnp.float32),
            pltpu.VMEM_SHARED((BUCKET + 8, C_DIM), jnp.float32),
            pltpu.VMEM_SHARED((BUCKET // 16, 16), jnp.float32),
            pltpu.SemaphoreType.DMA,
            pltpu.SemaphoreType.DMA,
            pltpu.SemaphoreType.DMA,
        ],
    )
    sums, cnts = run(feat, grid_index)
    cnts_col = cnts.reshape(N_CELLS, 1)
    RB = 2048
    return pl.pallas_call(
        _div_body,
        out_shape=jax.ShapeDtypeStruct((N_CELLS, C_DIM), jnp.float32),
        grid=(N_CELLS // RB,),
        in_specs=[
            pl.BlockSpec((RB, C_DIM), lambda i: (i, 0)),
            pl.BlockSpec((RB, 1), lambda i: (i, 0)),
        ],
        out_specs=pl.BlockSpec((RB, C_DIM), lambda i: (i, 0)),
    )(sums, cnts_col)

# --- scband reference (transcript-rebuilt; emitter-appended) ---
"""Pipeline reference for scband-ponder-indoor-44186623541472 (READ-ONLY COPY).

The authoritative reference and input builder live on the scoring server;
editing this copy changes nothing except your own understanding.
"""

import jax, jax.numpy as jnp
import numpy as np

GRID_SHAPE = (64, 64, 64)
NUM_CELLS = int(np.prod(GRID_SHAPE))  # 262144
C_DIM = 96
N_POINTS = 524288


def setup_inputs(seed: int = 0) -> dict:
    key = jax.random.key(seed)
    k1, k2 = jax.random.split(key)
    feat = jax.random.normal(k1, (N_POINTS, C_DIM), dtype=jnp.float32)
    grid_index = jax.random.randint(k2, (N_POINTS,), 0, NUM_CELLS, dtype=jnp.int32)
    return {"feat": feat, "grid_index": grid_index}


def reference(feat, grid_index):
    # Faithful translation of PonderIndoor.to_dense scatter path:
    #   fea_grid = scatter(feat, grid_index, dim=0, reduce='mean', out=zeros(prod(grid_shape), c_dim))
    # scatter-mean = segment_sum(feat) / max(segment_count, 1) (cells with no points stay 0).
    sums = jax.ops.segment_sum(feat, grid_index, num_segments=NUM_CELLS)
    counts = jax.ops.segment_sum(jnp.ones((feat.shape[0],), dtype=feat.dtype), grid_index, num_segments=NUM_CELLS)
    fea_grid = sums / jnp.clip(counts, 1.0, None)[:, None]
    return fea_grid

if __name__ == "__main__":
    import jax
    _d = setup_inputs()
    print(jax.jit(kernel)(*tuple(_d.values())))

</pallas_src>

<mosaic_0001>
#map = affine_map<(d0, d1) -> (0, 0)>
#map1 = affine_map<(d0, d1) -> (0)>
module attributes {stable_mosaic.version = 14 : i64} {
  func.func @_body(%arg0: i32, %arg1: i32, %arg2: memref<524288x96xf32, #tpu.memory_space<hbm>>, %arg3: memref<524288xi32, #tpu.memory_space<hbm>>, %arg4: memref<262144x96xf32, #tpu.memory_space<hbm>>, %arg5: memref<16384x16xf32, #tpu.memory_space<hbm>>, %arg6: memref<4096xi32, #tpu.memory_space<vmem>>, %arg7: memref<32784xi32, #tpu.memory_space<vmem>>, %arg8: memref<256xi32, #tpu.memory_space<vmem>>, %arg9: memref<512x16xf32, #tpu.memory_space<vmem>>, %arg10: memref<4x128xi32, #tpu.memory_space<vmem>>, %arg11: memref<64xi32, #tpu.memory_space<vmem>>, %arg12: memref<64xi32, #tpu.memory_space<vmem>>, %arg13: memref<128xi32, #tpu.memory_space<vmem>>, %arg14: memref<128x96xf32, #tpu.memory_space<vmem>>, %arg15: memref<64xi32, #tpu.memory_space<vmem>>, %arg16: memref<64xi32, #tpu.memory_space<vmem>>, %arg17: memref<128xi32, #tpu.memory_space<vmem>>, %arg18: memref<128x96xf32, #tpu.memory_space<vmem>>, %arg19: memref<64x96xf32, #tpu.memory_space<vmem>>, %arg20: memref<32x16xf32, #tpu.memory_space<vmem>>, %arg21: memref<512x16xf32, #tpu.memory_space<vmem_shared>>, %arg22: memref<8200x96xf32, #tpu.memory_space<vmem_shared>>, %arg23: memref<512x16xf32, #tpu.memory_space<vmem_shared>>, %arg24: memref<!tpu.dma_semaphore, #tpu.memory_space<semaphore_mem>>, %arg25: memref<!tpu.dma_semaphore, #tpu.memory_space<semaphore_mem>>, %arg26: memref<!tpu.dma_semaphore, #tpu.memory_space<semaphore_mem>>) attributes {dimension_semantics = [#tpu.dimension_semantics<core_parallel>, #tpu.dimension_semantics<subcore_parallel>], iteration_bounds = array<i64: 2, 16>, scalar_prefetch = 0 : i64, scratch_operands = 21 : i64, tpu.core_type = #tpu.core_type<sc_vector_subcore>, window_params = [{transform_indices = #map}, {transform_indices = #map1}, {transform_indices = #map}, {transform_indices = #map}]} {
    %mul3A = arith.constant 32768 : i32
    %mul3A_0 = arith.muli %arg1, %mul3A : i32
    %iota3A = tpu.iota {dimensions = array<i32: 0>} : vector<16xi32>
    %broadcast_in_dim3A = arith.constant 0.000000e+00 : f32
    %broadcast_in_dim3A_1 = vector.broadcast %broadcast_in_dim3A : f32 to vector<16xf32>
    %broadcast_in_dim3A_2 = arith.constant 1.000000e+00 : f32
    %broadcast_in_dim3A_3 = vector.broadcast %broadcast_in_dim3A_2 : f32 to vector<16xf32>
    %broadcast_in_dim3A_4 = arith.constant -1 : i32
    %broadcast_in_dim3A_5 = vector.broadcast %broadcast_in_dim3A_4 : i32 to vector<16xi32>
    %scan3A = arith.constant 0 : i32
    %scan3A_6 = arith.constant 0 : i32
    %scan3A_7 = arith.constant 64 : i32
    %scan3A_8 = arith.addi %scan3A_6, %scan3A_7 : i32
    %scan3A_9 = arith.constant 1 : i32
    %scan3A_10 = scf.for %scan3A_35 = %scan3A_6 to %scan3A_8 step %scan3A_9 iter_args(%scan3A_36 = %scan3A) -> (i32)  : i32 {
      %swap3A = arith.index_cast %scan3A_35 : i32 to index
      %swap3A_37 = arith.constant 0 : index
      %swap3A_38 = tpu.vector_load %arg19[%swap3A, %swap3A_37] {strides = array<i32>} : memref<64x96xf32, #tpu.memory_space<vmem>>, vector<16xf32>,
      tpu.vector_store %arg19[%swap3A, %swap3A_37], %broadcast_in_dim3A_1 {strides = array<i32>} : memref<64x96xf32, #tpu.memory_space<vmem>>, vector<16xf32>,
      %swap3A_39 = arith.index_cast %scan3A_35 : i32 to index
      %swap3A_40 = arith.constant 16 : index
      %swap3A_41 = tpu.vector_load %arg19[%swap3A_39, %swap3A_40] {strides = array<i32>} : memref<64x96xf32, #tpu.memory_space<vmem>>, vector<16xf32>,
      tpu.vector_store %arg19[%swap3A_39, %swap3A_40], %broadcast_in_dim3A_1 {strides = array<i32>} : memref<64x96xf32, #tpu.memory_space<vmem>>, vector<16xf32>,
      %swap3A_42 = arith.index_cast %scan3A_35 : i32 to index
      %swap3A_43 = arith.constant 32 : index
      %swap3A_44 = tpu.vector_load %arg19[%swap3A_42, %swap3A_43] {strides = array<i32>} : memref<64x96xf32, #tpu.memory_space<vmem>>, vector<16xf32>,
      tpu.vector_store %arg19[%swap3A_42, %swap3A_43], %broadcast_in_dim3A_1 {strides = array<i32>} : memref<64x96xf32, #tpu.memory_space<vmem>>, vector<16xf32>,
      %swap3A_45 = arith.index_cast %scan3A_35 : i32 to index
      %swap3A_46 = arith.constant 48 : index
      %swap3A_47 = tpu.vector_load %arg19[%swap3A_45, %swap3A_46] {strides = array<i32>} : memref<64x96xf32, #tpu.memory_space<vmem>>, vector<16xf32>,
      tpu.vector_store %arg19[%swap3A_45, %swap3A_46], %broadcast_in_dim3A_1 {strides = array<i32>} : memref<64x96xf32, #tpu.memory_space<vmem>>, vector<16xf32>,
      %swap3A_48 = arith.index_cast %scan3A_35 : i32 to index
      %swap3A_49 = arith.constant 64 : index
      %swap3A_50 = tpu.vector_load %arg19[%swap3A_48, %swap3A_49] {strides = array<i32>} : memref<64x96xf32, #tpu.memory_space<vmem>>, vector<16xf32>,
      tpu.vector_store %arg19[%swap3A_48, %swap3A_49], %broadcast_in_dim3A_1 {strides = array<i32>} : memref<64x96xf32, #tpu.memory_space<vmem>>, vector<16xf32>,
      %swap3A_51 = arith.index_cast %scan3A_35 : i32 to index
      %swap3A_52 = arith.constant 80 : index
      %swap3A_53 = tpu.vector_load %arg19[%swap3A_51, %swap3A_52] {strides = array<i32>} : memref<64x96xf32, #tpu.memory_space<vmem>>, vector<16xf32>,
      tpu.vector_store %arg19[%swap3A_51, %swap3A_52], %broadcast_in_dim3A_1 {strides = array<i32>} : memref<64x96xf32, #tpu.memory_space<vmem>>, vector<16xf32>,
      %scan3A_54 = arith.constant 0 : i32
      scf.yield %scan3A_54 : i32
    }
    %scan3A_11 = arith.constant 64 : i32
    %scan3A_12 = arith.constant 0 : i32
    %scan3A_13 = arith.constant 0 : i32
    %scan3A_14 = arith.constant 32 : i32
    %scan3A_15 = arith.addi %scan3A_13, %scan3A_14 : i32
    %scan3A_16 = arith.constant 1 : i32
    %scan3A_17 = scf.for %scan3A_35 = %scan3A_13 to %scan3A_15 step %scan3A_16 iter_args(%scan3A_36 = %scan3A_12) -> (i32)  : i32 {
      %swap3A = arith.index_cast %scan3A_35 : i32 to index
      %swap3A_37 = arith.constant 0 : index
      %swap3A_38 = tpu.vector_load %arg20[%swap3A, %swap3A_37] {strides = array<i32>} : memref<32x16xf32, #tpu.memory_space<vmem>>, vector<16xf32>,
      tpu.vector_store %arg20[%swap3A, %swap3A_37], %broadcast_in_dim3A_1 {strides = array<i32>} : memref<32x16xf32, #tpu.memory_space<vmem>>, vector<16xf32>,
      %scan3A_39 = arith.constant 0 : i32
      scf.yield %scan3A_39 : i32
    }
    %scan3A_18 = arith.constant 32 : i32
    %mul3A_19 = arith.constant 32 : i32
    %mul3A_20 = arith.muli %arg1, %mul3A_19 : i32
    "tpu.region"() ({
      %run_scoped3A = tpu.sem_alloc : memref<!tpu.dma_semaphore, #tpu.memory_space<semaphore_mem>>
      %dma_start3A = arith.constant 0 : i32
      %dma_start3A_35 = tpu.memref_slice %arg21[%mul3A_20, %dma_start3A] : memref<512x16xf32, #tpu.memory_space<vmem_shared>> -> memref<32x16xf32, #tpu.memory_space<vmem_shared>>
      %dma_start3A_36 = arith.constant 0 : i32
      %dma_start3A_37 = tpu.memref_slice %arg21[%mul3A_20, %dma_start3A_36] : memref<512x16xf32, #tpu.memory_space<vmem_shared>> -> memref<32x16xf32, #tpu.memory_space<vmem_shared>>
      tpu.enqueue_dma source(%arg20 : memref<32x16xf32, #tpu.memory_space<vmem>>) target(%dma_start3A_37 : memref<32x16xf32, #tpu.memory_space<vmem_shared>>) target_semaphore(%run_scoped3A : memref<!tpu.dma_semaphore, #tpu.memory_space<semaphore_mem>>)
      %dma_wait3A = arith.constant 0 : i32
      %dma_wait3A_38 = tpu.memref_slice %arg21[%mul3A_20, %dma_wait3A] : memref<512x16xf32, #tpu.memory_space<vmem_shared>> -> memref<32x16xf32, #tpu.memory_space<vmem_shared>>
      %dma_wait3A_39 = arith.constant 0 : i32
      %dma_wait3A_40 = tpu.memref_slice %arg21[%mul3A_20, %dma_wait3A_39] : memref<512x16xf32, #tpu.memory_space<vmem_shared>> -> memref<32x16xf32, #tpu.memory_space<vmem_shared>>
      tpu.wait_dma2 semaphore(%run_scoped3A : memref<!tpu.dma_semaphore, #tpu.memory_space<semaphore_mem>>) src(%arg20 : memref<32x16xf32, #tpu.memory_space<vmem>>) dst(%dma_wait3A_40 : memref<32x16xf32, #tpu.memory_space<vmem_shared>>)
      tpu.yield
    }) : () -> ()
    %barrier3A = arith.constant 0 : index
    tpu.barrier barrier_id(%barrier3A)
    %scan3A_21 = arith.constant 0 : i32
    %scan3A_22 = arith.constant 0 : i32
    %scan3A_23 = arith.constant 4 : i32
    %scan3A_24 = arith.addi %scan3A_22, %scan3A_23 : i32
    %scan3A_25 = arith.constant 1 : i32
    %scan3A_26 = scf.for %scan3A_35 = %scan3A_22 to %scan3A_24 step %scan3A_25 iter_args(%scan3A_36 = %scan3A_21) -> (i32)  : i32 {
      %mul3A_37 = arith.constant 128 : i32
      %mul3A_38 = arith.muli %scan3A_35, %mul3A_37 : i32
      %add3A = arith.constant 0 : i32
      %add3A_39 = arith.addi %mul3A_38, %add3A : i32
      %add3A_40 = vector.broadcast %add3A_39 : i32 to vector<16xi32>
      %add3A_41 = arith.addi %add3A_40, %iota3A : vector<16xi32>
      %swap3A = arith.index_cast %scan3A_35 : i32 to index
      %swap3A_42 = arith.constant 0 : index
      %swap3A_43 = tpu.vector_load %arg10[%swap3A, %swap3A_42] {strides = array<i32>} : memref<4x128xi32, #tpu.memory_space<vmem>>, vector<16xi32>,
      tpu.vector_store %arg10[%swap3A, %swap3A_42], %add3A_41 {strides = array<i32>} : memref<4x128xi32, #tpu.memory_space<vmem>>, vector<16xi32>,
      %mul3A_44 = arith.constant 128 : i32
      %mul3A_45 = arith.muli %scan3A_35, %mul3A_44 : i32
      %add3A_46 = arith.constant 16 : i32
      %add3A_47 = arith.addi %mul3A_45, %add3A_46 : i32
      %add3A_48 = vector.broadcast %add3A_47 : i32 to vector<16xi32>
      %add3A_49 = arith.addi %add3A_48, %iota3A : vector<16xi32>
      %swap3A_50 = arith.index_cast %scan3A_35 : i32 to index
      %swap3A_51 = arith.constant 16 : index
      %swap3A_52 = tpu.vector_load %arg10[%swap3A_50, %swap3A_51] {strides = array<i32>} : memref<4x128xi32, #tpu.memory_space<vmem>>, vector<16xi32>,
      tpu.vector_store %arg10[%swap3A_50, %swap3A_51], %add3A_49 {strides = array<i32>} : memref<4x128xi32, #tpu.memory_space<vmem>>, vector<16xi32>,
      %mul3A_53 = arith.constant 128 : i32
      %mul3A_54 = arith.muli %scan3A_35, %mul3A_53 : i32
      %add3A_55 = arith.constant 32 : i32
      %add3A_56 = arith.addi %mul3A_54, %add3A_55 : i32
      %add3A_57 = vector.broadcast %add3A_56 : i32 to vector<16xi32>
      %add3A_58 = arith.addi %add3A_57, %iota3A : vector<16xi32>
      %swap3A_59 = arith.index_cast %scan3A_35 : i32 to index
      %swap3A_60 = arith.constant 32 : index
      %swap3A_61 = tpu.vector_load %arg10[%swap3A_59, %swap3A_60] {strides = array<i32>} : memref<4x128xi32, #tpu.memory_space<vmem>>, vector<16xi32>,
      tpu.vector_store %arg10[%swap3A_59, %swap3A_60], %add3A_58 {strides = array<i32>} : memref<4x128xi32, #tpu.memory_space<vmem>>, vector<16xi32>,
      %mul3A_62 = arith.constant 128 : i32
      %mul3A_63 = arith.muli %scan3A_35, %mul3A_62 : i32
      %add3A_64 = arith.constant 48 : i32
      %add3A_65 = arith.addi %mul3A_63, %add3A_64 : i32
      %add3A_66 = vector.broadcast %add3A_65 : i32 to vector<16xi32>
      %add3A_67 = arith.addi %add3A_66, %iota3A : vector<16xi32>
      %swap3A_68 = arith.index_cast %scan3A_35 : i32 to index
      %swap3A_69 = arith.constant 48 : index
      %swap3A_70 = tpu.vector_load %arg10[%swap3A_68, %swap3A_69] {strides = array<i32>} : memref<4x128xi32, #tpu.memory_space<vmem>>, vector<16xi32>,
      tpu.vector_store %arg10[%swap3A_68, %swap3A_69], %add3A_67 {strides = array<i32>} : memref<4x128xi32, #tpu.memory_space<vmem>>, vector<16xi32>,
      %mul3A_71 = arith.constant 128 : i32
      %mul3A_72 = arith.muli %scan3A_35, %mul3A_71 : i32
      %add3A_73 = arith.constant 64 : i32
      %add3A_74 = arith.addi %mul3A_72, %add3A_73 : i32
      %add3A_75 = vector.broadcast %add3A_74 : i32 to vector<16xi32>
      %add3A_76 = arith.addi %add3A_75, %iota3A : vector<16xi32>
      %swap3A_77 = arith.index_cast %scan3A_35 : i32 to index
      %swap3A_78 = arith.constant 64 : index
      %swap3A_79 = tpu.vector_load %arg10[%swap3A_77, %swap3A_78] {strides = array<i32>} : memref<4x128xi32, #tpu.memory_space<vmem>>, vector<16xi32>,
      tpu.vector_store %arg10[%swap3A_77, %swap3A_78], %add3A_76 {strides = array<i32>} : memref<4x128xi32, #tpu.memory_space<vmem>>, vector<16xi32>,
      %mul3A_80 = arith.constant 128 : i32
      %mul3A_81 = arith.muli %scan3A_35, %mul3A_80 : i32
      %add3A_82 = arith.constant 80 : i32
      %add3A_83 = arith.addi %mul3A_81, %add3A_82 : i32
      %add3A_84 = vector.broadcast %add3A_83 : i32 to vector<16xi32>
      %add3A_85 = arith.addi %add3A_84, %iota3A : vector<16xi32>
      %swap3A_86 = arith.index_cast %scan3A_35 : i32 to index
      %swap3A_87 = arith.constant 80 : index
      %swap3A_88 = tpu.vector_load %arg10[%swap3A_86, %swap3A_87] {strides = array<i32>} : memref<4x128xi32, #tpu.memory_space<vmem>>, vector<16xi32>,
      tpu.vector_store %arg10[%swap3A_86, %swap3A_87], %add3A_85 {strides = array<i32>} : memref<4x128xi32, #tpu.memory_space<vmem>>, vector<16xi32>,
      %mul3A_89 = arith.constant 128 : i32
      %mul3A_90 = arith.muli %scan3A_35, %mul3A_89 : i32
      %add3A_91 = arith.constant 96 : i32
      %add3A_92 = arith.addi %mul3A_90, %add3A_91 : i32
      %add3A_93 = vector.broadcast %add3A_92 : i32 to vector<16xi32>
      %add3A_94 = arith.addi %add3A_93, %iota3A : vector<16xi32>
      %swap3A_95 = arith.index_cast %scan3A_35 : i32 to index
      %swap3A_96 = arith.constant 96 : index
      %swap3A_97 = tpu.vector_load %arg10[%swap3A_95, %swap3A_96] {strides = array<i32>} : memref<4x128xi32, #tpu.memory_space<vmem>>, vector<16xi32>,
      tpu.vector_store %arg10[%swap3A_95, %swap3A_96], %add3A_94 {strides = array<i32>} : memref<4x128xi32, #tpu.memory_space<vmem>>, vector<16xi32>,
      %mul3A_98 = arith.constant 128 : i32
      %mul3A_99 = arith.muli %scan3A_35, %mul3A_98 : i32
      %add3A_100 = arith.constant 112 : i32
      %add3A_101 = arith.addi %mul3A_99, %add3A_100 : i32
      %add3A_102 = vector.broadcast %add3A_101 : i32 to vector<16xi32>
      %add3A_103 = arith.addi %add3A_102, %iota3A : vector<16xi32>
      %swap3A_104 = arith.index_cast %scan3A_35 : i32 to index
      %swap3A_105 = arith.constant 112 : index
      %swap3A_106 = tpu.vector_load %arg10[%swap3A_104, %swap3A_105] {strides = array<i32>} : memref<4x128xi32, #tpu.memory_space<vmem>>, vector<16xi32>,
      tpu.vector_store %arg10[%swap3A_104, %swap3A_105], %add3A_103 {strides = array<i32>} : memref<4x128xi32, #tpu.memory_space<vmem>>, vector<16xi32>,
      %scan3A_107 = arith.constant 0 : i32
      scf.yield %scan3A_107 : i32
    }
    %scan3A_27 = arith.constant 4 : i32
    %scan3A_28 = arith.constant 0 : i32
    %scan3A_29 = arith.constant 0 : i32
    %scan3A_30 = arith.constant 4 : i32
    %scan3A_31 = arith.addi %scan3A_29, %scan3A_30 : i32
    %scan3A_32 = arith.constant 1 : i32
    %scan3A_33 = scf.for %scan3A_35 = %scan3A_29 to %scan3A_31 step %scan3A_32 iter_args(%scan3A_36 = %scan3A_28) -> (i32)  : i32 {
      %mul3A_37 = arith.constant 4 : i32
      %mul3A_38 = arith.muli %arg0, %mul3A_37 : i32
      %add3A = arith.addi %mul3A_38, %scan3A_35 : i32
      %and3A = arith.constant 0 : i32
      %and3A_39 = arith.constant 1 : i32
      %and3A_40 = arith.andi %and3A, %and3A_39 : i32
      %mul3A_41 = arith.constant 0 : i32
      %mul3A_42 = arith.constant 2048 : i32
      %mul3A_43 = arith.muli %mul3A_41, %mul3A_42 : i32
      %add3A_44 = arith.addi %mul3A_0, %mul3A_43 : i32
      %mul3A_45 = arith.constant 2048 : i32
      %mul3A_46 = arith.muli %and3A_40, %mul3A_45 : i32
      %dma_start3A = tpu.memref_slice %arg6[%mul3A_46] : memref<4096xi32, #tpu.memory_space<vmem>> -> memref<2048xi32, #tpu.memory_space<vmem>>
      %dma_start3A_47 = tpu.memref_slice %arg3[%add3A_44] : memref<524288xi32, #tpu.memory_space<hbm>> -> memref<2048xi32, #tpu.memory_space<hbm>>
      %dma_start3A_48 = tpu.memref_slice %arg6[%mul3A_46] : memref<4096xi32, #tpu.memory_space<vmem>> -> memref<2048xi32, #tpu.memory_space<vmem>>
      %dma_start3A_49 = tpu.memref_slice %arg3[%add3A_44] : memref<524288xi32, #tpu.memory_space<hbm>> -> memref<2048xi32, #tpu.memory_space<hbm>>
      tpu.enqueue_dma source(%dma_start3A_49 : memref<2048xi32, #tpu.memory_space<hbm>>) target(%dma_start3A_48 : memref<2048xi32, #tpu.memory_space<vmem>>) target_semaphore(%arg26 : memref<!tpu.dma_semaphore, #tpu.memory_space<semaphore_mem>>)
      %scan3A_50 = arith.constant 0 : i32
      %scan3A_51 = arith.constant 0 : i32
      %scan3A_52 = arith.constant 16 : i32
      %scan3A_53 = arith.addi %scan3A_51, %scan3A_52 : i32
      %scan3A_54 = arith.constant 1 : i32
      %scan3A_55 = scf.for %scan3A_70 = %scan3A_51 to %scan3A_53 step %scan3A_54 iter_args(%scan3A_71 = %scan3A_50) -> (i32)  : i32 {
        %and3A_72 = arith.constant 1 : i32
        %and3A_73 = arith.andi %scan3A_70, %and3A_72 : i32
        %mul3A_74 = arith.constant 2048 : i32
        %mul3A_75 = arith.muli %scan3A_70, %mul3A_74 : i32
        %add3A_76 = arith.addi %mul3A_0, %mul3A_75 : i32
        %mul3A_77 = arith.constant 2048 : i32
        %mul3A_78 = arith.muli %and3A_73, %mul3A_77 : i32
        %dma_wait3A = tpu.memref_slice %arg6[%mul3A_78] : memref<4096xi32, #tpu.memory_space<vmem>> -> memref<2048xi32, #tpu.memory_space<vmem>>
        %dma_wait3A_79 = tpu.memref_slice %arg3[%add3A_76] : memref<524288xi32, #tpu.memory_space<hbm>> -> memref<2048xi32, #tpu.memory_space<hbm>>
        %dma_wait3A_80 = tpu.memref_slice %arg6[%mul3A_78] : memref<4096xi32, #tpu.memory_space<vmem>> -> memref<2048xi32, #tpu.memory_space<vmem>>
        %dma_wait3A_81 = tpu.memref_slice %arg3[%add3A_76] : memref<524288xi32, #tpu.memory_space<hbm>> -> memref<2048xi32, #tpu.memory_space<hbm>>
        tpu.wait_dma2 semaphore(%arg26 : memref<!tpu.dma_semaphore, #tpu.memory_space<semaphore_mem>>) src(%dma_wait3A_81 : memref<2048xi32, #tpu.memory_space<hbm>>) dst(%dma_wait3A_80 : memref<2048xi32, #tpu.memory_space<vmem>>)
        %add3A_82 = arith.constant 1 : i32
        %add3A_83 = arith.addi %scan3A_70, %add3A_82 : i32
        %lt3A = arith.constant 16 : i32
        %lt3A_84 = arith.cmpi slt, %add3A_83, %lt3A : i32
        %convert_element_type3A = arith.extui %lt3A_84 : i1 to i32
        %cond3A = arith.constant 0 : i32
        %cond3A_85 = arith.cmpi ne, %convert_element_type3A, %cond3A : i32
        scf.if %cond3A_85 {
          %add3A_94 = arith.constant 1 : i32
          %add3A_95 = arith.addi %scan3A_70, %add3A_94 : i32
          %and3A_96 = arith.constant 1 : i32
          %and3A_97 = arith.andi %add3A_95, %and3A_96 : i32
          %mul3A_98 = arith.constant 2048 : i32
          %mul3A_99 = arith.muli %add3A_95, %mul3A_98 : i32
          %add3A_100 = arith.addi %mul3A_0, %mul3A_99 : i32
          %mul3A_101 = arith.constant 2048 : i32
          %mul3A_102 = arith.muli %and3A_97, %mul3A_101 : i32
          %dma_start3A_103 = tpu.memref_slice %arg6[%mul3A_102] : memref<4096xi32, #tpu.memory_space<vmem>> -> memref<2048xi32, #tpu.memory_space<vmem>>
          %dma_start3A_104 = tpu.memref_slice %arg3[%add3A_100] : memref<524288xi32, #tpu.memory_space<hbm>> -> memref<2048xi32, #tpu.memory_space<hbm>>
          %dma_start3A_105 = tpu.memref_slice %arg6[%mul3A_102] : memref<4096xi32, #tpu.memory_space<vmem>> -> memref<2048xi32, #tpu.memory_space<vmem>>
          %dma_start3A_106 = tpu.memref_slice %arg3[%add3A_100] : memref<524288xi32, #tpu.memory_space<hbm>> -> memref<2048xi32, #tpu.memory_space<hbm>>
          tpu.enqueue_dma source(%dma_start3A_106 : memref<2048xi32, #tpu.memory_space<hbm>>) target(%dma_start3A_105 : memref<2048xi32, #tpu.memory_space<vmem>>) target_semaphore(%arg26 : memref<!tpu.dma_semaphore, #tpu.memory_space<semaphore_mem>>)
        } else {
        }
        %and3A_86 = arith.constant 1 : i32
        %and3A_87 = arith.andi %scan3A_70, %and3A_86 : i32
        %scan3A_88 = arith.constant 0 : i32
        %scan3A_89 = arith.constant 128 : i32
        %scan3A_90 = arith.addi %scan3A_88, %scan3A_89 : i32
        %scan3A_91 = arith.constant 1 : i32
        %scan3A_92 = scf.for %scan3A_94 = %scan3A_88 to %scan3A_90 step %scan3A_91 iter_args(%scan3A_95 = %scan3A_71) -> (i32)  : i32 {
          %mul3A_96 = arith.constant 2048 : i32
          %mul3A_97 = arith.muli %and3A_87, %mul3A_96 : i32
          %mul3A_98 = arith.constant 16 : i32
          %mul3A_99 = arith.muli %scan3A_94, %mul3A_98 : i32
          %add3A_100 = arith.addi %mul3A_97, %mul3A_99 : i32
          %get3A = arith.index_cast %add3A_100 : i32 to index
          %get3A_101 = tpu.vector_load %arg6[%get3A] {strides = array<i32>} : memref<4096xi32, #tpu.memory_space<vmem>>, vector<16xi32>,
          %shift_right_arithmetic3A_102 = arith.constant 15 : i32
          %shift_right_arithmetic3A_103 = vector.broadcast %shift_right_arithmetic3A_102 : i32 to vector<16xi32>
          %shift_right_arithmetic3A_104 = arith.shrsi %get3A_101, %shift_right_arithmetic3A_103 : vector<16xi32>
          %eq3A = vector.broadcast %add3A : i32 to vector<16xi32>
          %eq3A_105 = arith.cmpi eq, %shift_right_arithmetic3A_104, %eq3A : vector<16xi32>
          %mul3A_106 = arith.constant 2048 : i32
          %mul3A_107 = arith.muli %scan3A_70, %mul3A_106 : i32
          %mul3A_108 = arith.constant 16 : i32
          %mul3A_109 = arith.muli %scan3A_94, %mul3A_108 : i32
          %add3A_110 = arith.addi %mul3A_107, %mul3A_109 : i32
          %add3A_111 = vector.broadcast %add3A_110 : i32 to vector<16xi32>
          %add3A_112 = arith.addi %add3A_111, %iota3A : vector<16xi32>
          %and3A_113 = arith.constant 32767 : i32
          %and3A_114 = vector.broadcast %and3A_113 : i32 to vector<16xi32>
          %and3A_115 = arith.andi %get3A_101, %and3A_114 : vector<16xi32>
          %shift_left3A = arith.constant 15 : i32
          %shift_left3A_116 = vector.broadcast %shift_left3A : i32 to vector<16xi32>
          %shift_left3A_117 = arith.shli %and3A_115, %shift_left3A_116 : vector<16xi32>
          %or3A = arith.ori %shift_left3A_117, %add3A_112 : vector<16xi32>
          %convert_element_type3A_118 = arith.extui %eq3A_105 : vector<16xi1> to vector<16xi32>
          %broadcast_in_dim3A_119 = arith.constant true
          %broadcast_in_dim3A_120 = vector.broadcast %broadcast_in_dim3A_119 : i1 to vector<16xi1>
          %masked_cumsum3A = tpu.scan <sum>, %convert_element_type3A_118 masked %broadcast_in_dim3A_120 : vector<16xi32>, vector<16xi1> -> vector<16xi32>
          %add3A_121 = vector.broadcast %scan3A_95 : i32 to vector<16xi32>
          %add3A_122 = arith.addi %add3A_121, %masked_cumsum3A : vector<16xi32>
          %sub3A = arith.constant 1 : i32
          %sub3A_123 = vector.broadcast %sub3A : i32 to vector<16xi32>
          %sub3A_124 = arith.subi %add3A_122, %sub3A_123 : vector<16xi32>
          tpu.vector_store_idx %arg7[%sub3A_124], %or3A masked %eq3A_105 : memref<32784xi32, #tpu.memory_space<vmem>>[vector<16xi32>], vector<16xi32>, vector<16xi1>
          %convert_element_type3A_125 = arith.extui %eq3A_105 : vector<16xi1> to vector<16xi32>
          %reduce_sum3A = arith.constant true
          %reduce_sum3A_126 = vector.broadcast %reduce_sum3A : i1 to vector<16xi1>
          %reduce_sum3A_127 = tpu.scan <sum>, %convert_element_type3A_125 masked %reduce_sum3A_126 : vector<16xi32>, vector<16xi1> -> vector<16xi32>
          %reduce_sum3A_128 = vector.extract %reduce_sum3A_127[15] : i32 from vector<16xi32>
          %add3A_129 = arith.addi %scan3A_95, %reduce_sum3A_128 : i32
          scf.yield %add3A_129 : i32
        }
        %scan3A_93 = arith.constant 128 : i32
        scf.yield %scan3A_92 : i32
      }
      %scan3A_56 = arith.constant 16 : i32
      %add3A_57 = vector.broadcast %scan3A_55 : i32 to vector<16xi32>
      %add3A_58 = arith.addi %add3A_57, %iota3A : vector<16xi32>
      tpu.vector_store_idx %arg7[%add3A_58], %broadcast_in_dim3A_5 : memref<32784xi32, #tpu.memory_space<vmem>>[vector<16xi32>], vector<16xi32>,
      %add3A_59 = arith.constant 15 : i32
      %add3A_60 = arith.addi %scan3A_55, %add3A_59 : i32
      %shift_right_arithmetic3A = arith.constant 4 : i32
      %shift_right_arithmetic3A_61 = arith.shrsi %add3A_60, %shift_right_arithmetic3A : i32
      %scan3A_62 = arith.constant 0 : i32
      %scan3A_63 = arith.constant 0 : i32
      %scan3A_64 = arith.constant 4 : i32
      %scan3A_65 = arith.addi %scan3A_63, %scan3A_64 : i32
      %scan3A_66 = arith.constant 1 : i32
      %scan3A_67 = scf.for %scan3A_70 = %scan3A_63 to %scan3A_65 step %scan3A_66 iter_args(%scan3A_71 = %scan3A_62) -> (i32)  : i32 {
        %mul3A_72 = arith.constant 4 : i32
        %mul3A_73 = arith.muli %add3A, %mul3A_72 : i32
        %add3A_74 = arith.addi %mul3A_73, %scan3A_70 : i32
        "tpu.region"() ({
          %run_scoped3A_171 = tpu.sem_alloc : memref<!tpu.dma_semaphore, #tpu.memory_space<semaphore_mem>>
          tpu.enqueue_dma source(%arg21 : memref<512x16xf32, #tpu.memory_space<vmem_shared>>) target(%arg9 : memref<512x16xf32, #tpu.memory_space<vmem>>) target_semaphore(%run_scoped3A_171 : memref<!tpu.dma_semaphore, #tpu.memory_space<semaphore_mem>>)
          tpu.wait_dma2 semaphore(%run_scoped3A_171 : memref<!tpu.dma_semaphore, #tpu.memory_space<semaphore_mem>>) src(%arg21 : memref<512x16xf32, #tpu.memory_space<vmem_shared>>) dst(%arg9 : memref<512x16xf32, #tpu.memory_space<vmem>>)
          tpu.yield
        }) : () -> ()
        %mul3A_75 = arith.constant 512 : i32
        %mul3A_76 = arith.muli %arg1, %mul3A_75 : i32
        %add3A_77 = arith.constant 0 : i32
        %add3A_78 = arith.addi %mul3A_76, %add3A_77 : i32
        "tpu.region"() ({
          %run_scoped3A_171 = tpu.sem_alloc : memref<!tpu.dma_semaphore, #tpu.memory_space<semaphore_mem>>
          %dma_start3A_172 = arith.constant 0 : i32
          %dma_start3A_173 = tpu.memref_slice %arg22[%add3A_78, %dma_start3A_172] : memref<8200x96xf32, #tpu.memory_space<vmem_shared>> -> memref<64x96xf32, #tpu.memory_space<vmem_shared>>
          %dma_start3A_174 = arith.constant 0 : i32
          %dma_start3A_175 = tpu.memref_slice %arg22[%add3A_78, %dma_start3A_174] : memref<8200x96xf32, #tpu.memory_space<vmem_shared>> -> memref<64x96xf32, #tpu.memory_space<vmem_shared>>
          tpu.enqueue_dma source(%arg19 : memref<64x96xf32, #tpu.memory_space<vmem>>) target(%dma_start3A_175 : memref<64x96xf32, #tpu.memory_space<vmem_shared>>) target_semaphore(%run_scoped3A_171 : memref<!tpu.dma_semaphore, #tpu.memory_space<semaphore_mem>>)
          %dma_wait3A = arith.constant 0 : i32
          %dma_wait3A_176 = tpu.memref_slice %arg22[%add3A_78, %dma_wait3A] : memref<8200x96xf32, #tpu.memory_space<vmem_shared>> -> memref<64x96xf32, #tpu.memory_space<vmem_shared>>
          %dma_wait3A_177 = arith.constant 0 : i32
          %dma_wait3A_178 = tpu.memref_slice %arg22[%add3A_78, %dma_wait3A_177] : memref<8200x96xf32, #tpu.memory_space<vmem_shared>> -> memref<64x96xf32, #tpu.memory_space<vmem_shared>>
          tpu.wait_dma2 semaphore(%run_scoped3A_171 : memref<!tpu.dma_semaphore, #tpu.memory_space<semaphore_mem>>) src(%arg19 : memref<64x96xf32, #tpu.memory_space<vmem>>) dst(%dma_wait3A_178 : memref<64x96xf32, #tpu.memory_space<vmem_shared>>)
          tpu.yield
        }) : () -> ()
        %mul3A_79 = arith.constant 512 : i32
        %mul3A_80 = arith.muli %arg1, %mul3A_79 : i32
        %add3A_81 = arith.constant 64 : i32
        %add3A_82 = arith.addi %mul3A_80, %add3A_81 : i32
        "tpu.region"() ({
          %run_scoped3A_171 = tpu.sem_alloc : memref<!tpu.dma_semaphore, #tpu.memory_space<semaphore_mem>>
          %dma_start3A_172 = arith.constant 0 : i32
          %dma_start3A_173 = tpu.memref_slice %arg22[%add3A_82, %dma_start3A_172] : memref<8200x96xf32, #tpu.memory_space<vmem_shared>> -> memref<64x96xf32, #tpu.memory_space<vmem_shared>>
          %dma_start3A_174 = arith.constant 0 : i32
          %dma_start3A_175 = tpu.memref_slice %arg22[%add3A_82, %dma_start3A_174] : memref<8200x96xf32, #tpu.memory_space<vmem_shared>> -> memref<64x96xf32, #tpu.memory_space<vmem_shared>>
          tpu.enqueue_dma source(%arg19 : memref<64x96xf32, #tpu.memory_space<vmem>>) target(%dma_start3A_175 : memref<64x96xf32, #tpu.memory_space<vmem_shared>>) target_semaphore(%run_scoped3A_171 : memref<!tpu.dma_semaphore, #tpu.memory_space<semaphore_mem>>)
          %dma_wait3A = arith.constant 0 : i32
          %dma_wait3A_176 = tpu.memref_slice %arg22[%add3A_82, %dma_wait3A] : memref<8200x96xf32, #tpu.memory_space<vmem_shared>> -> memref<64x96xf32, #tpu.memory_space<vmem_shared>>
          %dma_wait3A_177 = arith.constant 0 : i32
          %dma_wait3A_178 = tpu.memref_slice %arg22[%add3A_82, %dma_wait3A_177] : memref<8200x96xf32, #tpu.memory_space<vmem_shared>> -> memref<64x96xf32, #tpu.memory_space<vmem_shared>>
          tpu.wait_dma2 semaphore(%run_scoped3A_171 : memref<!tpu.dma_semaphore, #tpu.memory_space<semaphore_mem>>) src(%arg19 : memref<64x96xf32, #tpu.memory_space<vmem>>) dst(%dma_wait3A_178 : memref<64x96xf32, #tpu.memory_space<vmem_shared>>)
          tpu.yield
        }) : () -> ()
        %mul3A_83 = arith.constant 512 : i32
        %mul3A_84 = arith.muli %arg1, %mul3A_83 : i32
        %add3A_85 = arith.constant 128 : i32
        %add3A_86 = arith.addi %mul3A_84, %add3A_85 : i32
        "tpu.region"() ({
          %run_scoped3A_171 = tpu.sem_alloc : memref<!tpu.dma_semaphore, #tpu.memory_space<semaphore_mem>>
          %dma_start3A_172 = arith.constant 0 : i32
          %dma_start3A_173 = tpu.memref_slice %arg22[%add3A_86, %dma_start3A_172] : memref<8200x96xf32, #tpu.memory_space<vmem_shared>> -> memref<64x96xf32, #tpu.memory_space<vmem_shared>>
          %dma_start3A_174 = arith.constant 0 : i32
          %dma_start3A_175 = tpu.memref_slice %arg22[%add3A_86, %dma_start3A_174] : memref<8200x96xf32, #tpu.memory_space<vmem_shared>> -> memref<64x96xf32, #tpu.memory_space<vmem_shared>>
          tpu.enqueue_dma source(%arg19 : memref<64x96xf32, #tpu.memory_space<vmem>>) target(%dma_start3A_175 : memref<64x96xf32, #tpu.memory_space<vmem_shared>>) target_semaphore(%run_scoped3A_171 : memref<!tpu.dma_semaphore, #tpu.memory_space<semaphore_mem>>)
          %dma_wait3A = arith.constant 0 : i32
          %dma_wait3A_176 = tpu.memref_slice %arg22[%add3A_86, %dma_wait3A] : memref<8200x96xf32, #tpu.memory_space<vmem_shared>> -> memref<64x96xf32, #tpu.memory_space<vmem_shared>>
          %dma_wait3A_177 = arith.constant 0 : i32
          %dma_wait3A_178 = tpu.memref_slice %arg22[%add3A_86, %dma_wait3A_177] : memref<8200x96xf32, #tpu.memory_space<vmem_shared>> -> memref<64x96xf32, #tpu.memory_space<vmem_shared>>
          tpu.wait_dma2 semaphore(%run_scoped3A_171 : memref<!tpu.dma_semaphore, #tpu.memory_space<semaphore_mem>>) src(%arg19 : memref<64x96xf32, #tpu.memory_space<vmem>>) dst(%dma_wait3A_178 : memref<64x96xf32, #tpu.memory_space<vmem_shared>>)
          tpu.yield
        }) : () -> ()
        %mul3A_87 = arith.constant 512 : i32
        %mul3A_88 = arith.muli %arg1, %mul3A_87 : i32
        %add3A_89 = arith.constant 192 : i32
        %add3A_90 = arith.addi %mul3A_88, %add3A_89 : i32
        "tpu.region"() ({
          %run_scoped3A_171 = tpu.sem_alloc : memref<!tpu.dma_semaphore, #tpu.memory_space<semaphore_mem>>
          %dma_start3A_172 = arith.constant 0 : i32
          %dma_start3A_173 = tpu.memref_slice %arg22[%add3A_90, %dma_start3A_172] : memref<8200x96xf32, #tpu.memory_space<vmem_shared>> -> memref<64x96xf32, #tpu.memory_space<vmem_shared>>
          %dma_start3A_174 = arith.constant 0 : i32
          %dma_start3A_175 = tpu.memref_slice %arg22[%add3A_90, %dma_start3A_174] : memref<8200x96xf32, #tpu.memory_space<vmem_shared>> -> memref<64x96xf32, #tpu.memory_space<vmem_shared>>
          tpu.enqueue_dma source(%arg19 : memref<64x96xf32, #tpu.memory_space<vmem>>) target(%dma_start3A_175 : memref<64x96xf32, #tpu.memory_space<vmem_shared>>) target_semaphore(%run_scoped3A_171 : memref<!tpu.dma_semaphore, #tpu.memory_space<semaphore_mem>>)
          %dma_wait3A = arith.constant 0 : i32
          %dma_wait3A_176 = tpu.memref_slice %arg22[%add3A_90, %dma_wait3A] : memref<8200x96xf32, #tpu.memory_space<vmem_shared>> -> memref<64x96xf32, #tpu.memory_space<vmem_shared>>
          %dma_wait3A_177 = arith.constant 0 : i32
          %dma_wait3A_178 = tpu.memref_slice %arg22[%add3A_90, %dma_wait3A_177] : memref<8200x96xf32, #tpu.memory_space<vmem_shared>> -> memref<64x96xf32, #tpu.memory_space<vmem_shared>>
          tpu.wait_dma2 semaphore(%run_scoped3A_171 : memref<!tpu.dma_semaphore, #tpu.memory_space<semaphore_mem>>) src(%arg19 : memref<64x96xf32, #tpu.memory_space<vmem>>) dst(%dma_wait3A_178 : memref<64x96xf32, #tpu.memory_space<vmem_shared>>)
          tpu.yield
        }) : () -> ()
        %mul3A_91 = arith.constant 512 : i32
        %mul3A_92 = arith.muli %arg1, %mul3A_91 : i32
        %add3A_93 = arith.constant 256 : i32
        %add3A_94 = arith.addi %mul3A_92, %add3A_93 : i32
        "tpu.region"() ({
          %run_scoped3A_171 = tpu.sem_alloc : memref<!tpu.dma_semaphore, #tpu.memory_space<semaphore_mem>>
          %dma_start3A_172 = arith.constant 0 : i32
          %dma_start3A_173 = tpu.memref_slice %arg22[%add3A_94, %dma_start3A_172] : memref<8200x96xf32, #tpu.memory_space<vmem_shared>> -> memref<64x96xf32, #tpu.memory_space<vmem_shared>>
          %dma_start3A_174 = arith.constant 0 : i32
          %dma_start3A_175 = tpu.memref_slice %arg22[%add3A_94, %dma_start3A_174] : memref<8200x96xf32, #tpu.memory_space<vmem_shared>> -> memref<64x96xf32, #tpu.memory_space<vmem_shared>>
          tpu.enqueue_dma source(%arg19 : memref<64x96xf32, #tpu.memory_space<vmem>>) target(%dma_start3A_175 : memref<64x96xf32, #tpu.memory_space<vmem_shared>>) target_semaphore(%run_scoped3A_171 : memref<!tpu.dma_semaphore, #tpu.memory_space<semaphore_mem>>)
          %dma_wait3A = arith.constant 0 : i32
          %dma_wait3A_176 = tpu.memref_slice %arg22[%add3A_94, %dma_wait3A] : memref<8200x96xf32, #tpu.memory_space<vmem_shared>> -> memref<64x96xf32, #tpu.memory_space<vmem_shared>>
          %dma_wait3A_177 = arith.constant 0 : i32
          %dma_wait3A_178 = tpu.memref_slice %arg22[%add3A_94, %dma_wait3A_177] : memref<8200x96xf32, #tpu.memory_space<vmem_shared>> -> memref<64x96xf32, #tpu.memory_space<vmem_shared>>
          tpu.wait_dma2 semaphore(%run_scoped3A_171 : memref<!tpu.dma_semaphore, #tpu.memory_space<semaphore_mem>>) src(%arg19 : memref<64x96xf32, #tpu.memory_space<vmem>>) dst(%dma_wait3A_178 : memref<64x96xf32, #tpu.memory_space<vmem_shared>>)
          tpu.yield
        }) : () -> ()
        %mul3A_95 = arith.constant 512 : i32
        %mul3A_96 = arith.muli %arg1, %mul3A_95 : i32
        %add3A_97 = arith.constant 320 : i32
        %add3A_98 = arith.addi %mul3A_96, %add3A_97 : i32
        "tpu.region"() ({
          %run_scoped3A_171 = tpu.sem_alloc : memref<!tpu.dma_semaphore, #tpu.memory_space<semaphore_mem>>
          %dma_start3A_172 = arith.constant 0 : i32
          %dma_start3A_173 = tpu.memref_slice %arg22[%add3A_98, %dma_start3A_172] : memref<8200x96xf32, #tpu.memory_space<vmem_shared>> -> memref<64x96xf32, #tpu.memory_space<vmem_shared>>
          %dma_start3A_174 = arith.constant 0 : i32
          %dma_start3A_175 = tpu.memref_slice %arg22[%add3A_98, %dma_start3A_174] : memref<8200x96xf32, #tpu.memory_space<vmem_shared>> -> memref<64x96xf32, #tpu.memory_space<vmem_shared>>
          tpu.enqueue_dma source(%arg19 : memref<64x96xf32, #tpu.memory_space<vmem>>) target(%dma_start3A_175 : memref<64x96xf32, #tpu.memory_space<vmem_shared>>) target_semaphore(%run_scoped3A_171 : memref<!tpu.dma_semaphore, #tpu.memory_space<semaphore_mem>>)
          %dma_wait3A = arith.constant 0 : i32
          %dma_wait3A_176 = tpu.memref_slice %arg22[%add3A_98, %dma_wait3A] : memref<8200x96xf32, #tpu.memory_space<vmem_shared>> -> memref<64x96xf32, #tpu.memory_space<vmem_shared>>
          %dma_wait3A_177 = arith.constant 0 : i32
          %dma_wait3A_178 = tpu.memref_slice %arg22[%add3A_98, %dma_wait3A_177] : memref<8200x96xf32, #tpu.memory_space<vmem_shared>> -> memref<64x96xf32, #tpu.memory_space<vmem_shared>>
          tpu.wait_dma2 semaphore(%run_scoped3A_171 : memref<!tpu.dma_semaphore, #tpu.memory_space<semaphore_mem>>) src(%arg19 : memref<64x96xf32, #tpu.memory_space<vmem>>) dst(%dma_wait3A_178 : memref<64x96xf32, #tpu.memory_space<vmem_shared>>)
          tpu.yield
        }) : () -> ()
        %mul3A_99 = arith.constant 512 : i32
        %mul3A_100 = arith.muli %arg1, %mul3A_99 : i32
        %add3A_101 = arith.constant 384 : i32
        %add3A_102 = arith.addi %mul3A_100, %add3A_101 : i32
        "tpu.region"() ({
          %run_scoped3A_171 = tpu.sem_alloc : memref<!tpu.dma_semaphore, #tpu.memory_space<semaphore_mem>>
          %dma_start3A_172 = arith.constant 0 : i32
          %dma_start3A_173 = tpu.memref_slice %arg22[%add3A_102, %dma_start3A_172] : memref<8200x96xf32, #tpu.memory_space<vmem_shared>> -> memref<64x96xf32, #tpu.memory_space<vmem_shared>>
          %dma_start3A_174 = arith.constant 0 : i32
          %dma_start3A_175 = tpu.memref_slice %arg22[%add3A_102, %dma_start3A_174] : memref<8200x96xf32, #tpu.memory_space<vmem_shared>> -> memref<64x96xf32, #tpu.memory_space<vmem_shared>>
          tpu.enqueue_dma source(%arg19 : memref<64x96xf32, #tpu.memory_space<vmem>>) target(%dma_start3A_175 : memref<64x96xf32, #tpu.memory_space<vmem_shared>>) target_semaphore(%run_scoped3A_171 : memref<!tpu.dma_semaphore, #tpu.memory_space<semaphore_mem>>)
          %dma_wait3A = arith.constant 0 : i32
          %dma_wait3A_176 = tpu.memref_slice %arg22[%add3A_102, %dma_wait3A] : memref<8200x96xf32, #tpu.memory_space<vmem_shared>> -> memref<64x96xf32, #tpu.memory_space<vmem_shared>>
          %dma_wait3A_177 = arith.constant 0 : i32
          %dma_wait3A_178 = tpu.memref_slice %arg22[%add3A_102, %dma_wait3A_177] : memref<8200x96xf32, #tpu.memory_space<vmem_shared>> -> memref<64x96xf32, #tpu.memory_space<vmem_shared>>
          tpu.wait_dma2 semaphore(%run_scoped3A_171 : memref<!tpu.dma_semaphore, #tpu.memory_space<semaphore_mem>>) src(%arg19 : memref<64x96xf32, #tpu.memory_space<vmem>>) dst(%dma_wait3A_178 : memref<64x96xf32, #tpu.memory_space<vmem_shared>>)
          tpu.yield
        }) : () -> ()
        %mul3A_103 = arith.constant 512 : i32
        %mul3A_104 = arith.muli %arg1, %mul3A_103 : i32
        %add3A_105 = arith.constant 448 : i32
        %add3A_106 = arith.addi %mul3A_104, %add3A_105 : i32
        "tpu.region"() ({
          %run_scoped3A_171 = tpu.sem_alloc : memref<!tpu.dma_semaphore, #tpu.memory_space<semaphore_mem>>
          %dma_start3A_172 = arith.constant 0 : i32
          %dma_start3A_173 = tpu.memref_slice %arg22[%add3A_106, %dma_start3A_172] : memref<8200x96xf32, #tpu.memory_space<vmem_shared>> -> memref<64x96xf32, #tpu.memory_space<vmem_shared>>
          %dma_start3A_174 = arith.constant 0 : i32
          %dma_start3A_175 = tpu.memref_slice %arg22[%add3A_106, %dma_start3A_174] : memref<8200x96xf32, #tpu.memory_space<vmem_shared>> -> memref<64x96xf32, #tpu.memory_space<vmem_shared>>
          tpu.enqueue_dma source(%arg19 : memref<64x96xf32, #tpu.memory_space<vmem>>) target(%dma_start3A_175 : memref<64x96xf32, #tpu.memory_space<vmem_shared>>) target_semaphore(%run_scoped3A_171 : memref<!tpu.dma_semaphore, #tpu.memory_space<semaphore_mem>>)
          %dma_wait3A = arith.constant 0 : i32
          %dma_wait3A_176 = tpu.memref_slice %arg22[%add3A_106, %dma_wait3A] : memref<8200x96xf32, #tpu.memory_space<vmem_shared>> -> memref<64x96xf32, #tpu.memory_space<vmem_shared>>
          %dma_wait3A_177 = arith.constant 0 : i32
          %dma_wait3A_178 = tpu.memref_slice %arg22[%add3A_106, %dma_wait3A_177] : memref<8200x96xf32, #tpu.memory_space<vmem_shared>> -> memref<64x96xf32, #tpu.memory_space<vmem_shared>>
          tpu.wait_dma2 semaphore(%run_scoped3A_171 : memref<!tpu.dma_semaphore, #tpu.memory_space<semaphore_mem>>) src(%arg19 : memref<64x96xf32, #tpu.memory_space<vmem>>) dst(%dma_wait3A_178 : memref<64x96xf32, #tpu.memory_space<vmem_shared>>)
          tpu.yield
        }) : () -> ()
        %mul3A_107 = arith.constant 32 : i32
        %mul3A_108 = arith.muli %arg1, %mul3A_107 : i32
        "tpu.region"() ({
          %run_scoped3A_171 = tpu.sem_alloc : memref<!tpu.dma_semaphore, #tpu.memory_space<semaphore_mem>>
          %dma_start3A_172 = arith.constant 0 : i32
          %dma_start3A_173 = arith.constant 0 : i32
          %dma_start3A_174 = tpu.memref_slice %arg9[%dma_start3A_172, %dma_start3A_173] : memref<512x16xf32, #tpu.memory_space<vmem>> -> memref<32x16xf32, #tpu.memory_space<vmem>>
          %dma_start3A_175 = arith.constant 0 : i32
          %dma_start3A_176 = tpu.memref_slice %arg23[%mul3A_108, %dma_start3A_175] : memref<512x16xf32, #tpu.memory_space<vmem_shared>> -> memref<32x16xf32, #tpu.memory_space<vmem_shared>>
          %dma_start3A_177 = arith.constant 0 : i32
          %dma_start3A_178 = tpu.memref_slice %arg23[%mul3A_108, %dma_start3A_177] : memref<512x16xf32, #tpu.memory_space<vmem_shared>> -> memref<32x16xf32, #tpu.memory_space<vmem_shared>>
          %dma_start3A_179 = arith.constant 0 : i32
          %dma_start3A_180 = arith.constant 0 : i32
          %dma_start3A_181 = tpu.memref_slice %arg9[%dma_start3A_179, %dma_start3A_180] : memref<512x16xf32, #tpu.memory_space<vmem>> -> memref<32x16xf32, #tpu.memory_space<vmem>>
          tpu.enqueue_dma source(%dma_start3A_181 : memref<32x16xf32, #tpu.memory_space<vmem>>) target(%dma_start3A_178 : memref<32x16xf32, #tpu.memory_space<vmem_shared>>) target_semaphore(%run_scoped3A_171 : memref<!tpu.dma_semaphore, #tpu.memory_space<semaphore_mem>>)
          %dma_wait3A = arith.constant 0 : i32
          %dma_wait3A_182 = arith.constant 0 : i32
          %dma_wait3A_183 = tpu.memref_slice %arg9[%dma_wait3A, %dma_wait3A_182] : memref<512x16xf32, #tpu.memory_space<vmem>> -> memref<32x16xf32, #tpu.memory_space<vmem>>
          %dma_wait3A_184 = arith.constant 0 : i32
          %dma_wait3A_185 = tpu.memref_slice %arg23[%mul3A_108, %dma_wait3A_184] : memref<512x16xf32, #tpu.memory_space<vmem_shared>> -> memref<32x16xf32, #tpu.memory_space<vmem_shared>>
          %dma_wait3A_186 = arith.constant 0 : i32
          %dma_wait3A_187 = tpu.memref_slice %arg23[%mul3A_108, %dma_wait3A_186] : memref<512x16xf32, #tpu.memory_space<vmem_shared>> -> memref<32x16xf32, #tpu.memory_space<vmem_shared>>
          %dma_wait3A_188 = arith.constant 0 : i32
          %dma_wait3A_189 = arith.constant 0 : i32
          %dma_wait3A_190 = tpu.memref_slice %arg9[%dma_wait3A_188, %dma_wait3A_189] : memref<512x16xf32, #tpu.memory_space<vmem>> -> memref<32x16xf32, #tpu.memory_space<vmem>>
          tpu.wait_dma2 semaphore(%run_scoped3A_171 : memref<!tpu.dma_semaphore, #tpu.memory_space<semaphore_mem>>) src(%dma_wait3A_190 : memref<32x16xf32, #tpu.memory_space<vmem>>) dst(%dma_wait3A_187 : memref<32x16xf32, #tpu.memory_space<vmem_shared>>)
          tpu.yield
        }) : () -> ()
        %barrier3A_109 = arith.constant 0 : index
        tpu.barrier barrier_id(%barrier3A_109)
        %while3A = arith.constant 0 : i32
        %while3A_110 = arith.constant 0 : i32
        %while3A_111 = arith.constant 0 : i32
        %while3A_112 = arith.subi %shift_right_arithmetic3A_61, %while3A : i32
        %while3A_113 = arith.addi %while3A, %while3A_112 : i32
        %while3A_114 = arith.constant 1 : i32
        %while3A_115 = arith.divsi %while3A_112, %while3A_114 : i32
        %while3A_116 = arith.muli %while3A_115, %while3A_114 : i32
        %while3A_117 = arith.addi %while3A, %while3A_116 : i32
        %while3A_118 = arith.constant 1 : i32
        %while3A_119:2 = scf.for %while3A_171 = %while3A to %while3A_117 step %while3A_118 iter_args(%while3A_172 = %while3A_110, %while3A_173 = %while3A_111) -> (i32, i32)  : i32 {
          %mul3A_174 = arith.constant 16 : i32
          %mul3A_175 = arith.muli %while3A_171, %mul3A_174 : i32
          %get3A = arith.index_cast %mul3A_175 : i32 to index
          %get3A_176 = tpu.vector_load %arg7[%get3A] {strides = array<i32>} : memref<32784xi32, #tpu.memory_space<vmem>>, vector<16xi32>,
          %shift_right_arithmetic3A_177 = arith.constant 15 : i32
          %shift_right_arithmetic3A_178 = vector.broadcast %shift_right_arithmetic3A_177 : i32 to vector<16xi32>
          %shift_right_arithmetic3A_179 = arith.shrsi %get3A_176, %shift_right_arithmetic3A_178 : vector<16xi32>
          %shift_right_arithmetic3A_180 = arith.constant 13 : i32
          %shift_right_arithmetic3A_181 = vector.broadcast %shift_right_arithmetic3A_180 : i32 to vector<16xi32>
          %shift_right_arithmetic3A_182 = arith.shrsi %shift_right_arithmetic3A_179, %shift_right_arithmetic3A_181 : vector<16xi32>
          %eq3A_183 = vector.broadcast %scan3A_70 : i32 to vector<16xi32>
          %eq3A_184 = arith.cmpi eq, %shift_right_arithmetic3A_182, %eq3A_183 : vector<16xi32>
          %ge3A_185 = arith.constant 0 : i32
          %ge3A_186 = vector.broadcast %ge3A_185 : i32 to vector<16xi32>
          %ge3A_187 = arith.cmpi sge, %get3A_176, %ge3A_186 : vector<16xi32>
          %and3A_188 = arith.andi %eq3A_184, %ge3A_187 : vector<16xi1>
          %and3A_189 = arith.constant 8191 : i32
          %and3A_190 = vector.broadcast %and3A_189 : i32 to vector<16xi32>
          %and3A_191 = arith.andi %shift_right_arithmetic3A_179, %and3A_190 : vector<16xi32>
          %shift_right_arithmetic3A_192 = arith.constant 4 : i32
          %shift_right_arithmetic3A_193 = vector.broadcast %shift_right_arithmetic3A_192 : i32 to vector<16xi32>
          %shift_right_arithmetic3A_194 = arith.shrsi %and3A_191, %shift_right_arithmetic3A_193 : vector<16xi32>
          %and3A_195 = arith.constant 15 : i32
          %and3A_196 = vector.broadcast %and3A_195 : i32 to vector<16xi32>
          %and3A_197 = arith.andi %and3A_191, %and3A_196 : vector<16xi32>
          tpu.vector_store_idx %arg9[%shift_right_arithmetic3A_194, %and3A_197], %broadcast_in_dim3A_3 masked %and3A_188 {add = true} : memref<512x16xf32, #tpu.memory_space<vmem>>[vector<16xi32>, vector<16xi32>], vector<16xf32>, vector<16xi1>
          %shift_left3A = arith.constant 15 : i32
          %shift_left3A_198 = vector.broadcast %shift_left3A : i32 to vector<16xi32>
          %shift_left3A_199 = arith.shli %and3A_191, %shift_left3A_198 : vector<16xi32>
          %and3A_200 = arith.constant 32767 : i32
          %and3A_201 = vector.broadcast %and3A_200 : i32 to vector<16xi32>
          %and3A_202 = arith.andi %get3A_176, %and3A_201 : vector<16xi32>
          %or3A = arith.ori %shift_left3A_199, %and3A_202 : vector<16xi32>
          %convert_element_type3A_203 = arith.extui %and3A_188 : vector<16xi1> to vector<16xi32>
          %broadcast_in_dim3A_204 = arith.constant true
          %broadcast_in_dim3A_205 = vector.broadcast %broadcast_in_dim3A_204 : i1 to vector<16xi1>
          %masked_cumsum3A = tpu.scan <sum>, %convert_element_type3A_203 masked %broadcast_in_dim3A_205 : vector<16xi32>, vector<16xi1> -> vector<16xi32>
          %add3A_206 = vector.broadcast %while3A_172 : i32 to vector<16xi32>
          %add3A_207 = arith.addi %add3A_206, %masked_cumsum3A : vector<16xi32>
          %sub3A_208 = arith.constant 1 : i32
          %sub3A_209 = vector.broadcast %sub3A_208 : i32 to vector<16xi32>
          %sub3A_210 = arith.subi %add3A_207, %sub3A_209 : vector<16xi32>
          tpu.vector_store_idx %arg8[%sub3A_210], %or3A masked %and3A_188 : memref<256xi32, #tpu.memory_space<vmem>>[vector<16xi32>], vector<16xi32>, vector<16xi1>
          %convert_element_type3A_211 = arith.extui %and3A_188 : vector<16xi1> to vector<16xi32>
          %reduce_sum3A = arith.constant true
          %reduce_sum3A_212 = vector.broadcast %reduce_sum3A : i1 to vector<16xi1>
          %reduce_sum3A_213 = tpu.scan <sum>, %convert_element_type3A_211 masked %reduce_sum3A_212 : vector<16xi32>, vector<16xi1> -> vector<16xi32>
          %reduce_sum3A_214 = vector.extract %reduce_sum3A_213[15] : i32 from vector<16xi32>
          %add3A_215 = arith.addi %while3A_172, %reduce_sum3A_214 : i32
          %ge3A_216 = arith.constant 128 : i32
          %ge3A_217 = arith.cmpi sge, %add3A_215, %ge3A_216 : i32
          %convert_element_type3A_218 = arith.extui %ge3A_217 : i1 to i32
          %cond3A_219 = arith.constant 0 : i32
          %cond3A_220 = arith.cmpi ne, %convert_element_type3A_218, %cond3A_219 : i32
          scf.if %cond3A_220 {
            %and3A_225 = arith.constant 1 : i32
            %and3A_226 = arith.andi %while3A_173, %and3A_225 : i32
            %eq3A_227 = arith.constant 0 : i32
            %eq3A_228 = arith.cmpi eq, %and3A_226, %eq3A_227 : i32
            %convert_element_type3A_229 = arith.extui %eq3A_228 : i1 to i32
            %cond3A_230 = arith.constant 0 : i32
            %cond3A_231 = arith.cmpi ne, %convert_element_type3A_229, %cond3A_230 : i32
            scf.if %cond3A_231 {
              %ge3A_239 = arith.constant 2 : i32
              %ge3A_240 = arith.cmpi sge, %while3A_173, %ge3A_239 : i32
              %convert_element_type3A_241 = arith.extui %ge3A_240 : i1 to i32
              %cond3A_242 = arith.constant 0 : i32
              %cond3A_243 = arith.cmpi ne, %convert_element_type3A_241, %cond3A_242 : i32
              scf.if %cond3A_243 {
                %dma_wait3A = arith.constant 0 : i32
                %dma_wait3A_420 = arith.constant 0 : i32
                %dma_wait3A_421 = tpu.memref_slice %arg22[%dma_wait3A, %dma_wait3A_420] : memref<8200x96xf32, #tpu.memory_space<vmem_shared>> -> memref<8200x96xf32, #tpu.memory_space<vmem_shared>>
                tpu.wait_indirect_dma semaphore(%arg25 : memref<!tpu.dma_semaphore, #tpu.memory_space<semaphore_mem>>) src(%arg14 : memref<128x96xf32, #tpu.memory_space<vmem>>) dst(%dma_wait3A_421 : memref<8200x96xf32, #tpu.memory_space<vmem_shared>>)
              } else {
              }
              %get3A_244 = arith.constant 0 : index
              %get3A_245 = tpu.vector_load %arg8[%get3A_244] {strides = array<i32>} : memref<256xi32, #tpu.memory_space<vmem>>, vector<16xi32>,
              %ge3A_246 = arith.constant 0 : i32
              %ge3A_247 = vector.broadcast %ge3A_246 : i32 to vector<16xi32>
              %ge3A_248 = arith.cmpi sge, %get3A_245, %ge3A_247 : vector<16xi32>
              %shift_right_arithmetic3A_249 = arith.constant 15 : i32
              %shift_right_arithmetic3A_250 = vector.broadcast %shift_right_arithmetic3A_249 : i32 to vector<16xi32>
              %shift_right_arithmetic3A_251 = arith.shrsi %get3A_245, %shift_right_arithmetic3A_250 : vector<16xi32>
              %jit3A = arith.constant 8192 : i32
              %broadcast_in_dim3A_252 = vector.broadcast %jit3A : i32 to vector<16xi32>
              %select_n3A_253 = arith.select %ge3A_248, %shift_right_arithmetic3A_251, %broadcast_in_dim3A_252 : vector<16xi1>, vector<16xi32>
              %and3A_254 = arith.constant 32767 : i32
              %and3A_255 = vector.broadcast %and3A_254 : i32 to vector<16xi32>
              %and3A_256 = arith.andi %get3A_245, %and3A_255 : vector<16xi32>
              %add3A_257 = vector.broadcast %mul3A_0 : i32 to vector<16xi32>
              %add3A_258 = arith.addi %add3A_257, %and3A_256 : vector<16xi32>
              %swap3A_259 = arith.constant 0 : index
              %swap3A_260 = tpu.vector_load %arg11[%swap3A_259] {strides = array<i32>} : memref<64xi32, #tpu.memory_space<vmem>>, vector<16xi32>,
              tpu.vector_store %arg11[%swap3A_259], %add3A_258 {strides = array<i32>} : memref<64xi32, #tpu.memory_space<vmem>>, vector<16xi32>,
              %swap3A_261 = arith.constant 0 : index
              %swap3A_262 = tpu.vector_load %arg13[%swap3A_261] {strides = array<i32>} : memref<128xi32, #tpu.memory_space<vmem>>, vector<16xi32>,
              tpu.vector_store %arg13[%swap3A_261], %select_n3A_253 {strides = array<i32>} : memref<128xi32, #tpu.memory_space<vmem>>, vector<16xi32>,
              %get3A_263 = arith.constant 16 : index
              %get3A_264 = tpu.vector_load %arg8[%get3A_263] {strides = array<i32>} : memref<256xi32, #tpu.memory_space<vmem>>, vector<16xi32>,
              %ge3A_265 = arith.constant 0 : i32
              %ge3A_266 = vector.broadcast %ge3A_265 : i32 to vector<16xi32>
              %ge3A_267 = arith.cmpi sge, %get3A_264, %ge3A_266 : vector<16xi32>
              %shift_right_arithmetic3A_268 = arith.constant 15 : i32
              %shift_right_arithmetic3A_269 = vector.broadcast %shift_right_arithmetic3A_268 : i32 to vector<16xi32>
              %shift_right_arithmetic3A_270 = arith.shrsi %get3A_264, %shift_right_arithmetic3A_269 : vector<16xi32>
              %jit3A_271 = arith.constant 8192 : i32
              %broadcast_in_dim3A_272 = vector.broadcast %jit3A_271 : i32 to vector<16xi32>
              %select_n3A_273 = arith.select %ge3A_267, %shift_right_arithmetic3A_270, %broadcast_in_dim3A_272 : vector<16xi1>, vector<16xi32>
              %and3A_274 = arith.constant 32767 : i32
              %and3A_275 = vector.broadcast %and3A_274 : i32 to vector<16xi32>
              %and3A_276 = arith.andi %get3A_264, %and3A_275 : vector<16xi32>
              %add3A_277 = vector.broadcast %mul3A_0 : i32 to vector<16xi32>
              %add3A_278 = arith.addi %add3A_277, %and3A_276 : vector<16xi32>
              %swap3A_279 = arith.constant 16 : index
              %swap3A_280 = tpu.vector_load %arg11[%swap3A_279] {strides = array<i32>} : memref<64xi32, #tpu.memory_space<vmem>>, vector<16xi32>,
              tpu.vector_store %arg11[%swap3A_279], %add3A_278 {strides = array<i32>} : memref<64xi32, #tpu.memory_space<vmem>>, vector<16xi32>,
              %swap3A_281 = arith.constant 16 : index
              %swap3A_282 = tpu.vector_load %arg13[%swap3A_281] {strides = array<i32>} : memref<128xi32, #tpu.memory_space<vmem>>, vector<16xi32>,
              tpu.vector_store %arg13[%swap3A_281], %select_n3A_273 {strides = array<i32>} : memref<128xi32, #tpu.memory_space<vmem>>, vector<16xi32>,
              %get3A_283 = arith.constant 32 : index
              %get3A_284 = tpu.vector_load %arg8[%get3A_283] {strides = array<i32>} : memref<256xi32, #tpu.memory_space<vmem>>, vector<16xi32>,
              %ge3A_285 = arith.constant 0 : i32
              %ge3A_286 = vector.broadcast %ge3A_285 : i32 to vector<16xi32>
              %ge3A_287 = arith.cmpi sge, %get3A_284, %ge3A_286 : vector<16xi32>
              %shift_right_arithmetic3A_288 = arith.constant 15 : i32
              %shift_right_arithmetic3A_289 = vector.broadcast %shift_right_arithmetic3A_288 : i32 to vector<16xi32>
              %shift_right_arithmetic3A_290 = arith.shrsi %get3A_284, %shift_right_arithmetic3A_289 : vector<16xi32>
              %jit3A_291 = arith.constant 8192 : i32
              %broadcast_in_dim3A_292 = vector.broadcast %jit3A_291 : i32 to vector<16xi32>
              %select_n3A_293 = arith.select %ge3A_287, %shift_right_arithmetic3A_290, %broadcast_in_dim3A_292 : vector<16xi1>, vector<16xi32>
              %and3A_294 = arith.constant 32767 : i32
              %and3A_295 = vector.broadcast %and3A_294 : i32 to vector<16xi32>
              %and3A_296 = arith.andi %get3A_284, %and3A_295 : vector<16xi32>
              %add3A_297 = vector.broadcast %mul3A_0 : i32 to vector<16xi32>
              %add3A_298 = arith.addi %add3A_297, %and3A_296 : vector<16xi32>
              %swap3A_299 = arith.constant 32 : index
              %swap3A_300 = tpu.vector_load %arg11[%swap3A_299] {strides = array<i32>} : memref<64xi32, #tpu.memory_space<vmem>>, vector<16xi32>,
              tpu.vector_store %arg11[%swap3A_299], %add3A_298 {strides = array<i32>} : memref<64xi32, #tpu.memory_space<vmem>>, vector<16xi32>,
              %swap3A_301 = arith.constant 32 : index
              %swap3A_302 = tpu.vector_load %arg13[%swap3A_301] {strides = array<i32>} : memref<128xi32, #tpu.memory_space<vmem>>, vector<16xi32>,
              tpu.vector_store %arg13[%swap3A_301], %select_n3A_293 {strides = array<i32>} : memref<128xi32, #tpu.memory_space<vmem>>, vector<16xi32>,
              %get3A_303 = arith.constant 48 : index
              %get3A_304 = tpu.vector_load %arg8[%get3A_303] {strides = array<i32>} : memref<256xi32, #tpu.memory_space<vmem>>, vector<16xi32>,
              %ge3A_305 = arith.constant 0 : i32
              %ge3A_306 = vector.broadcast %ge3A_305 : i32 to vector<16xi32>
              %ge3A_307 = arith.cmpi sge, %get3A_304, %ge3A_306 : vector<16xi32>
              %shift_right_arithmetic3A_308 = arith.constant 15 : i32
              %shift_right_arithmetic3A_309 = vector.broadcast %shift_right_arithmetic3A_308 : i32 to vector<16xi32>
              %shift_right_arithmetic3A_310 = arith.shrsi %get3A_304, %shift_right_arithmetic3A_309 : vector<16xi32>
              %jit3A_311 = arith.constant 8192 : i32
              %broadcast_in_dim3A_312 = vector.broadcast %jit3A_311 : i32 to vector<16xi32>
              %select_n3A_313 = arith.select %ge3A_307, %shift_right_arithmetic3A_310, %broadcast_in_dim3A_312 : vector<16xi1>, vector<16xi32>
              %and3A_314 = arith.constant 32767 : i32
              %and3A_315 = vector.broadcast %and3A_314 : i32 to vector<16xi32>
              %and3A_316 = arith.andi %get3A_304, %and3A_315 : vector<16xi32>
              %add3A_317 = vector.broadcast %mul3A_0 : i32 to vector<16xi32>
              %add3A_318 = arith.addi %add3A_317, %and3A_316 : vector<16xi32>
              %swap3A_319 = arith.constant 48 : index
              %swap3A_320 = tpu.vector_load %arg11[%swap3A_319] {strides = array<i32>} : memref<64xi32, #tpu.memory_space<vmem>>, vector<16xi32>,
              tpu.vector_store %arg11[%swap3A_319], %add3A_318 {strides = array<i32>} : memref<64xi32, #tpu.memory_space<vmem>>, vector<16xi32>,
              %swap3A_321 = arith.constant 48 : index
              %swap3A_322 = tpu.vector_load %arg13[%swap3A_321] {strides = array<i32>} : memref<128xi32, #tpu.memory_space<vmem>>, vector<16xi32>,
              tpu.vector_store %arg13[%swap3A_321], %select_n3A_313 {strides = array<i32>} : memref<128xi32, #tpu.memory_space<vmem>>, vector<16xi32>,
              %get3A_323 = arith.constant 64 : index
              %get3A_324 = tpu.vector_load %arg8[%get3A_323] {strides = array<i32>} : memref<256xi32, #tpu.memory_space<vmem>>, vector<16xi32>,
              %ge3A_325 = arith.constant 0 : i32
              %ge3A_326 = vector.broadcast %ge3A_325 : i32 to vector<16xi32>
              %ge3A_327 = arith.cmpi sge, %get3A_324, %ge3A_326 : vector<16xi32>
              %shift_right_arithmetic3A_328 = arith.constant 15 : i32
              %shift_right_arithmetic3A_329 = vector.broadcast %shift_right_arithmetic3A_328 : i32 to vector<16xi32>
              %shift_right_arithmetic3A_330 = arith.shrsi %get3A_324, %shift_right_arithmetic3A_329 : vector<16xi32>
              %jit3A_331 = arith.constant 8192 : i32
              %broadcast_in_dim3A_332 = vector.broadcast %jit3A_331 : i32 to vector<16xi32>
              %select_n3A_333 = arith.select %ge3A_327, %shift_right_arithmetic3A_330, %broadcast_in_dim3A_332 : vector<16xi1>, vector<16xi32>
              %and3A_334 = arith.constant 32767 : i32
              %and3A_335 = vector.broadcast %and3A_334 : i32 to vector<16xi32>
              %and3A_336 = arith.andi %get3A_324, %and3A_335 : vector<16xi32>
              %add3A_337 = vector.broadcast %mul3A_0 : i32 to vector<16xi32>
              %add3A_338 = arith.addi %add3A_337, %and3A_336 : vector<16xi32>
              %swap3A_339 = arith.constant 0 : index
              %swap3A_340 = tpu.vector_load %arg12[%swap3A_339] {strides = array<i32>} : memref<64xi32, #tpu.memory_space<vmem>>, vector<16xi32>,
              tpu.vector_store %arg12[%swap3A_339], %add3A_338 {strides = array<i32>} : memref<64xi32, #tpu.memory_space<vmem>>, vector<16xi32>,
              %swap3A_341 = arith.constant 64 : index
              %swap3A_342 = tpu.vector_load %arg13[%swap3A_341] {strides = array<i32>} : memref<128xi32, #tpu.memory_space<vmem>>, vector<16xi32>,
              tpu.vector_store %arg13[%swap3A_341], %select_n3A_333 {strides = array<i32>} : memref<128xi32, #tpu.memory_space<vmem>>, vector<16xi32>,
              %get3A_343 = arith.constant 80 : index
              %get3A_344 = tpu.vector_load %arg8[%get3A_343] {strides = array<i32>} : memref<256xi32, #tpu.memory_space<vmem>>, vector<16xi32>,
              %ge3A_345 = arith.constant 0 : i32
              %ge3A_346 = vector.broadcast %ge3A_345 : i32 to vector<16xi32>
              %ge3A_347 = arith.cmpi sge, %get3A_344, %ge3A_346 : vector<16xi32>
              %shift_right_arithmetic3A_348 = arith.constant 15 : i32
              %shift_right_arithmetic3A_349 = vector.broadcast %shift_right_arithmetic3A_348 : i32 to vector<16xi32>
              %shift_right_arithmetic3A_350 = arith.shrsi %get3A_344, %shift_right_arithmetic3A_349 : vector<16xi32>
              %jit3A_351 = arith.constant 8192 : i32
              %broadcast_in_dim3A_352 = vector.broadcast %jit3A_351 : i32 to vector<16xi32>
              %select_n3A_353 = arith.select %ge3A_347, %shift_right_arithmetic3A_350, %broadcast_in_dim3A_352 : vector<16xi1>, vector<16xi32>
              %and3A_354 = arith.constant 32767 : i32
              %and3A_355 = vector.broadcast %and3A_354 : i32 to vector<16xi32>
              %and3A_356 = arith.andi %get3A_344, %and3A_355 : vector<16xi32>
              %add3A_357 = vector.broadcast %mul3A_0 : i32 to vector<16xi32>
              %add3A_358 = arith.addi %add3A_357, %and3A_356 : vector<16xi32>
              %swap3A_359 = arith.constant 16 : index
              %swap3A_360 = tpu.vector_load %arg12[%swap3A_359] {strides = array<i32>} : memref<64xi32, #tpu.memory_space<vmem>>, vector<16xi32>,
              tpu.vector_store %arg12[%swap3A_359], %add3A_358 {strides = array<i32>} : memref<64xi32, #tpu.memory_space<vmem>>, vector<16xi32>,
              %swap3A_361 = arith.constant 80 : index
              %swap3A_362 = tpu.vector_load %arg13[%swap3A_361] {strides = array<i32>} : memref<128xi32, #tpu.memory_space<vmem>>, vector<16xi32>,
              tpu.vector_store %arg13[%swap3A_361], %select_n3A_353 {strides = array<i32>} : memref<128xi32, #tpu.memory_space<vmem>>, vector<16xi32>,
              %get3A_363 = arith.constant 96 : index
              %get3A_364 = tpu.vector_load %arg8[%get3A_363] {strides = array<i32>} : memref<256xi32, #tpu.memory_space<vmem>>, vector<16xi32>,
              %ge3A_365 = arith.constant 0 : i32
              %ge3A_366 = vector.broadcast %ge3A_365 : i32 to vector<16xi32>
              %ge3A_367 = arith.cmpi sge, %get3A_364, %ge3A_366 : vector<16xi32>
              %shift_right_arithmetic3A_368 = arith.constant 15 : i32
              %shift_right_arithmetic3A_369 = vector.broadcast %shift_right_arithmetic3A_368 : i32 to vector<16xi32>
              %shift_right_arithmetic3A_370 = arith.shrsi %get3A_364, %shift_right_arithmetic3A_369 : vector<16xi32>
              %jit3A_371 = arith.constant 8192 : i32
              %broadcast_in_dim3A_372 = vector.broadcast %jit3A_371 : i32 to vector<16xi32>
              %select_n3A_373 = arith.select %ge3A_367, %shift_right_arithmetic3A_370, %broadcast_in_dim3A_372 : vector<16xi1>, vector<16xi32>
              %and3A_374 = arith.constant 32767 : i32
              %and3A_375 = vector.broadcast %and3A_374 : i32 to vector<16xi32>
              %and3A_376 = arith.andi %get3A_364, %and3A_375 : vector<16xi32>
              %add3A_377 = vector.broadcast %mul3A_0 : i32 to vector<16xi32>
              %add3A_378 = arith.addi %add3A_377, %and3A_376 : vector<16xi32>
              %swap3A_379 = arith.constant 32 : index
              %swap3A_380 = tpu.vector_load %arg12[%swap3A_379] {strides = array<i32>} : memref<64xi32, #tpu.memory_space<vmem>>, vector<16xi32>,
              tpu.vector_store %arg12[%swap3A_379], %add3A_378 {strides = array<i32>} : memref<64xi32, #tpu.memory_space<vmem>>, vector<16xi32>,
              %swap3A_381 = arith.constant 96 : index
              %swap3A_382 = tpu.vector_load %arg13[%swap3A_381] {strides = array<i32>} : memref<128xi32, #tpu.memory_space<vmem>>, vector<16xi32>,
              tpu.vector_store %arg13[%swap3A_381], %select_n3A_373 {strides = array<i32>} : memref<128xi32, #tpu.memory_space<vmem>>, vector<16xi32>,
              %get3A_383 = arith.constant 112 : index
              %get3A_384 = tpu.vector_load %arg8[%get3A_383] {strides = array<i32>} : memref<256xi32, #tpu.memory_space<vmem>>, vector<16xi32>,
              %ge3A_385 = arith.constant 0 : i32
              %ge3A_386 = vector.broadcast %ge3A_385 : i32 to vector<16xi32>
              %ge3A_387 = arith.cmpi sge, %get3A_384, %ge3A_386 : vector<16xi32>
              %shift_right_arithmetic3A_388 = arith.constant 15 : i32
              %shift_right_arithmetic3A_389 = vector.broadcast %shift_right_arithmetic3A_388 : i32 to vector<16xi32>
              %shift_right_arithmetic3A_390 = arith.shrsi %get3A_384, %shift_right_arithmetic3A_389 : vector<16xi32>
              %jit3A_391 = arith.constant 8192 : i32
              %broadcast_in_dim3A_392 = vector.broadcast %jit3A_391 : i32 to vector<16xi32>
              %select_n3A_393 = arith.select %ge3A_387, %shift_right_arithmetic3A_390, %broadcast_in_dim3A_392 : vector<16xi1>, vector<16xi32>
              %and3A_394 = arith.constant 32767 : i32
              %and3A_395 = vector.broadcast %and3A_394 : i32 to vector<16xi32>
              %and3A_396 = arith.andi %get3A_384, %and3A_395 : vector<16xi32>
              %add3A_397 = vector.broadcast %mul3A_0 : i32 to vector<16xi32>
              %add3A_398 = arith.addi %add3A_397, %and3A_396 : vector<16xi32>
              %swap3A_399 = arith.constant 48 : index
              %swap3A_400 = tpu.vector_load %arg12[%swap3A_399] {strides = array<i32>} : memref<64xi32, #tpu.memory_space<vmem>>, vector<16xi32>,
              tpu.vector_store %arg12[%swap3A_399], %add3A_398 {strides = array<i32>} : memref<64xi32, #tpu.memory_space<vmem>>, vector<16xi32>,
              %swap3A_401 = arith.constant 112 : index
              %swap3A_402 = tpu.vector_load %arg13[%swap3A_401] {strides = array<i32>} : memref<128xi32, #tpu.memory_space<vmem>>, vector<16xi32>,
              tpu.vector_store %arg13[%swap3A_401], %select_n3A_393 {strides = array<i32>} : memref<128xi32, #tpu.memory_space<vmem>>, vector<16xi32>,
              %ge3A_403 = arith.constant 1 : i32
              %ge3A_404 = arith.cmpi sge, %while3A_173, %ge3A_403 : i32
              %convert_element_type3A_405 = arith.extui %ge3A_404 : i1 to i32
              %cond3A_406 = arith.constant 0 : i32
              %cond3A_407 = arith.cmpi ne, %convert_element_type3A_405, %cond3A_406 : i32
              scf.if %cond3A_407 {
                %dma_wait3A = arith.constant 0 : i32
                %dma_wait3A_420 = arith.constant 0 : i32
                %dma_wait3A_421 = tpu.memref_slice %arg18[%dma_wait3A, %dma_wait3A_420] : memref<128x96xf32, #tpu.memory_space<vmem>> -> memref<64x96xf32, #tpu.memory_space<vmem>>
                %dma_wait3A_422 = arith.constant 0 : i32
                %dma_wait3A_423 = arith.constant 0 : i32
                %dma_wait3A_424 = tpu.memref_slice %arg2[%dma_wait3A_422, %dma_wait3A_423] : memref<524288x96xf32, #tpu.memory_space<hbm>> -> memref<524288x96xf32, #tpu.memory_space<hbm>>
                tpu.wait_indirect_dma semaphore(%arg24 : memref<!tpu.dma_semaphore, #tpu.memory_space<semaphore_mem>>) src(%dma_wait3A_424 : memref<524288x96xf32, #tpu.memory_space<hbm>>) dst(%dma_wait3A_421 : memref<64x96xf32, #tpu.memory_space<vmem>>)
                %dma_wait3A_425 = arith.constant 64 : i32
                %dma_wait3A_426 = arith.constant 0 : i32
                %dma_wait3A_427 = tpu.memref_slice %arg18[%dma_wait3A_425, %dma_wait3A_426] : memref<128x96xf32, #tpu.memory_space<vmem>> -> memref<64x96xf32, #tpu.memory_space<vmem>>
                %dma_wait3A_428 = arith.constant 0 : i32
                %dma_wait3A_429 = arith.constant 0 : i32
                %dma_wait3A_430 = tpu.memref_slice %arg2[%dma_wait3A_428, %dma_wait3A_429] : memref<524288x96xf32, #tpu.memory_space<hbm>> -> memref<524288x96xf32, #tpu.memory_space<hbm>>
                tpu.wait_indirect_dma semaphore(%arg24 : memref<!tpu.dma_semaphore, #tpu.memory_space<semaphore_mem>>) src(%dma_wait3A_430 : memref<524288x96xf32, #tpu.memory_space<hbm>>) dst(%dma_wait3A_427 : memref<64x96xf32, #tpu.memory_space<vmem>>)
                %dma_start3A_431 = arith.constant 0 : i32
                %dma_start3A_432 = arith.constant 0 : i32
                %dma_start3A_433 = tpu.memref_slice %arg22[%dma_start3A_431, %dma_start3A_432] : memref<8200x96xf32, #tpu.memory_space<vmem_shared>> -> memref<8200x96xf32, #tpu.memory_space<vmem_shared>>
                tpu.enqueue_indirect_dma source(%arg18 : memref<128x96xf32, #tpu.memory_space<vmem>>) target(%dma_start3A_433 : memref<8200x96xf32, #tpu.memory_space<vmem_shared>>) offsets(%arg17 : memref<128xi32, #tpu.memory_space<vmem>>) semaphore(%arg25 : memref<!tpu.dma_semaphore, #tpu.memory_space<semaphore_mem>>) {add = true}
              } else {
              }
              %dma_start3A_408 = arith.constant 0 : i32
              %dma_start3A_409 = arith.constant 0 : i32
              %dma_start3A_410 = tpu.memref_slice %arg14[%dma_start3A_408, %dma_start3A_409] : memref<128x96xf32, #tpu.memory_space<vmem>> -> memref<64x96xf32, #tpu.memory_space<vmem>>
              %dma_start3A_411 = arith.constant 0 : i32
              %dma_start3A_412 = arith.constant 0 : i32
              %dma_start3A_413 = tpu.memref_slice %arg2[%dma_start3A_411, %dma_start3A_412] : memref<524288x96xf32, #tpu.memory_space<hbm>> -> memref<524288x96xf32, #tpu.memory_space<hbm>>
              tpu.enqueue_indirect_dma source(%dma_start3A_413 : memref<524288x96xf32, #tpu.memory_space<hbm>>) target(%dma_start3A_410 : memref<64x96xf32, #tpu.memory_space<vmem>>) offsets(%arg11 : memref<64xi32, #tpu.memory_space<vmem>>) semaphore(%arg24 : memref<!tpu.dma_semaphore, #tpu.memory_space<semaphore_mem>>)
              %dma_start3A_414 = arith.constant 64 : i32
              %dma_start3A_415 = arith.constant 0 : i32
              %dma_start3A_416 = tpu.memref_slice %arg14[%dma_start3A_414, %dma_start3A_415] : memref<128x96xf32, #tpu.memory_space<vmem>> -> memref<64x96xf32, #tpu.memory_space<vmem>>
              %dma_start3A_417 = arith.constant 0 : i32
              %dma_start3A_418 = arith.constant 0 : i32
              %dma_start3A_419 = tpu.memref_slice %arg2[%dma_start3A_417, %dma_start3A_418] : memref<524288x96xf32, #tpu.memory_space<hbm>> -> memref<524288x96xf32, #tpu.memory_space<hbm>>
              tpu.enqueue_indirect_dma source(%dma_start3A_419 : memref<524288x96xf32, #tpu.memory_space<hbm>>) target(%dma_start3A_416 : memref<64x96xf32, #tpu.memory_space<vmem>>) offsets(%arg12 : memref<64xi32, #tpu.memory_space<vmem>>) semaphore(%arg24 : memref<!tpu.dma_semaphore, #tpu.memory_space<semaphore_mem>>)
            } else {
            }
            %not3A = arith.constant true
            %not3A_232 = arith.xori %eq3A_228, %not3A : i1
            %convert_element_type3A_233 = arith.extui %not3A_232 : i1 to i32
            %cond3A_234 = arith.constant 0 : i32
            %cond3A_235 = arith.cmpi ne, %convert_element_type3A_233, %cond3A_234 : i32
            scf.if %cond3A_235 {
              %ge3A_239 = arith.constant 2 : i32
              %ge3A_240 = arith.cmpi sge, %while3A_173, %ge3A_239 : i32
              %convert_element_type3A_241 = arith.extui %ge3A_240 : i1 to i32
              %cond3A_242 = arith.constant 0 : i32
              %cond3A_243 = arith.cmpi ne, %convert_element_type3A_241, %cond3A_242 : i32
              scf.if %cond3A_243 {
                %dma_wait3A = arith.constant 0 : i32
                %dma_wait3A_420 = arith.constant 0 : i32
                %dma_wait3A_421 = tpu.memref_slice %arg22[%dma_wait3A, %dma_wait3A_420] : memref<8200x96xf32, #tpu.memory_space<vmem_shared>> -> memref<8200x96xf32, #tpu.memory_space<vmem_shared>>
                tpu.wait_indirect_dma semaphore(%arg25 : memref<!tpu.dma_semaphore, #tpu.memory_space<semaphore_mem>>) src(%arg18 : memref<128x96xf32, #tpu.memory_space<vmem>>) dst(%dma_wait3A_421 : memref<8200x96xf32, #tpu.memory_space<vmem_shared>>)
              } else {
              }
              %get3A_244 = arith.constant 0 : index
              %get3A_245 = tpu.vector_load %arg8[%get3A_244] {strides = array<i32>} : memref<256xi32, #tpu.memory_space<vmem>>, vector<16xi32>,
              %ge3A_246 = arith.constant 0 : i32
              %ge3A_247 = vector.broadcast %ge3A_246 : i32 to vector<16xi32>
              %ge3A_248 = arith.cmpi sge, %get3A_245, %ge3A_247 : vector<16xi32>
              %shift_right_arithmetic3A_249 = arith.constant 15 : i32
              %shift_right_arithmetic3A_250 = vector.broadcast %shift_right_arithmetic3A_249 : i32 to vector<16xi32>
              %shift_right_arithmetic3A_251 = arith.shrsi %get3A_245, %shift_right_arithmetic3A_250 : vector<16xi32>
              %jit3A = arith.constant 8192 : i32
              %broadcast_in_dim3A_252 = vector.broadcast %jit3A : i32 to vector<16xi32>
              %select_n3A_253 = arith.select %ge3A_248, %shift_right_arithmetic3A_251, %broadcast_in_dim3A_252 : vector<16xi1>, vector<16xi32>
              %and3A_254 = arith.constant 32767 : i32
              %and3A_255 = vector.broadcast %and3A_254 : i32 to vector<16xi32>
              %and3A_256 = arith.andi %get3A_245, %and3A_255 : vector<16xi32>
              %add3A_257 = vector.broadcast %mul3A_0 : i32 to vector<16xi32>
              %add3A_258 = arith.addi %add3A_257, %and3A_256 : vector<16xi32>
              %swap3A_259 = arith.constant 0 : index
              %swap3A_260 = tpu.vector_load %arg15[%swap3A_259] {strides = array<i32>} : memref<64xi32, #tpu.memory_space<vmem>>, vector<16xi32>,
              tpu.vector_store %arg15[%swap3A_259], %add3A_258 {strides = array<i32>} : memref<64xi32, #tpu.memory_space<vmem>>, vector<16xi32>,
              %swap3A_261 = arith.constant 0 : index
              %swap3A_262 = tpu.vector_load %arg17[%swap3A_261] {strides = array<i32>} : memref<128xi32, #tpu.memory_space<vmem>>, vector<16xi32>,
              tpu.vector_store %arg17[%swap3A_261], %select_n3A_253 {strides = array<i32>} : memref<128xi32, #tpu.memory_space<vmem>>, vector<16xi32>,
              %get3A_263 = arith.constant 16 : index
              %get3A_264 = tpu.vector_load %arg8[%get3A_263] {strides = array<i32>} : memref<256xi32, #tpu.memory_space<vmem>>, vector<16xi32>,
              %ge3A_265 = arith.constant 0 : i32
              %ge3A_266 = vector.broadcast %ge3A_265 : i32 to vector<16xi32>
              %ge3A_267 = arith.cmpi sge, %get3A_264, %ge3A_266 : vector<16xi32>
              %shift_right_arithmetic3A_268 = arith.constant 15 : i32
              %shift_right_arithmetic3A_269 = vector.broadcast %shift_right_arithmetic3A_268 : i32 to vector<16xi32>
              %shift_right_arithmetic3A_270 = arith.shrsi %get3A_264, %shift_right_arithmetic3A_269 : vector<16xi32>
              %jit3A_271 = arith.constant 8192 : i32
              %broadcast_in_dim3A_272 = vector.broadcast %jit3A_271 : i32 to vector<16xi32>
              %select_n3A_273 = arith.select %ge3A_267, %shift_right_arithmetic3A_270, %broadcast_in_dim3A_272 : vector<16xi1>, vector<16xi32>
              %and3A_274 = arith.constant 32767 : i32
              %and3A_275 = vector.broadcast %and3A_274 : i32 to vector<16xi32>
              %and3A_276 = arith.andi %get3A_264, %and3A_275 : vector<16xi32>
              %add3A_277 = vector.broadcast %mul3A_0 : i32 to vector<16xi32>
              %add3A_278 = arith.addi %add3A_277, %and3A_276 : vector<16xi32>
              %swap3A_279 = arith.constant 16 : index
              %swap3A_280 = tpu.vector_load %arg15[%swap3A_279] {strides = array<i32>} : memref<64xi32, #tpu.memory_space<vmem>>, vector<16xi32>,
              tpu.vector_store %arg15[%swap3A_279], %add3A_278 {strides = array<i32>} : memref<64xi32, #tpu.memory_space<vmem>>, vector<16xi32>,
              %swap3A_281 = arith.constant 16 : index
              %swap3A_282 = tpu.vector_load %arg17[%swap3A_281] {strides = array<i32>} : memref<128xi32, #tpu.memory_space<vmem>>, vector<16xi32>,
              tpu.vector_store %arg17[%swap3A_281], %select_n3A_273 {strides = array<i32>} : memref<128xi32, #tpu.memory_space<vmem>>, vector<16xi32>,
              %get3A_283 = arith.constant 32 : index
              %get3A_284 = tpu.vector_load %arg8[%get3A_283] {strides = array<i32>} : memref<256xi32, #tpu.memory_space<vmem>>, vector<16xi32>,
              %ge3A_285 = arith.constant 0 : i32
              %ge3A_286 = vector.broadcast %ge3A_285 : i32 to vector<16xi32>
              %ge3A_287 = arith.cmpi sge, %get3A_284, %ge3A_286 : vector<16xi32>
              %shift_right_arithmetic3A_288 = arith.constant 15 : i32
              %shift_right_arithmetic3A_289 = vector.broadcast %shift_right_arithmetic3A_288 : i32 to vector<16xi32>
              %shift_right_arithmetic3A_290 = arith.shrsi %get3A_284, %shift_right_arithmetic3A_289 : vector<16xi32>
              %jit3A_291 = arith.constant 8192 : i32
              %broadcast_in_dim3A_292 = vector.broadcast %jit3A_291 : i32 to vector<16xi32>
              %select_n3A_293 = arith.select %ge3A_287, %shift_right_arithmetic3A_290, %broadcast_in_dim3A_292 : vector<16xi1>, vector<16xi32>
              %and3A_294 = arith.constant 32767 : i32
              %and3A_295 = vector.broadcast %and3A_294 : i32 to vector<16xi32>
              %and3A_296 = arith.andi %get3A_284, %and3A_295 : vector<16xi32>
              %add3A_297 = vector.broadcast %mul3A_0 : i32 to vector<16xi32>
              %add3A_298 = arith.addi %add3A_297, %and3A_296 : vector<16xi32>
              %swap3A_299 = arith.constant 32 : index
              %swap3A_300 = tpu.vector_load %arg15[%swap3A_299] {strides = array<i32>} : memref<64xi32, #tpu.memory_space<vmem>>, vector<16xi32>,
              tpu.vector_store %arg15[%swap3A_299], %add3A_298 {strides = array<i32>} : memref<64xi32, #tpu.memory_space<vmem>>, vector<16xi32>,
              %swap3A_301 = arith.constant 32 : index
              %swap3A_302 = tpu.vector_load %arg17[%swap3A_301] {strides = array<i32>} : memref<128xi32, #tpu.memory_space<vmem>>, vector<16xi32>,
              tpu.vector_store %arg17[%swap3A_301], %select_n3A_293 {strides = array<i32>} : memref<128xi32, #tpu.memory_space<vmem>>, vector<16xi32>,
              %get3A_303 = arith.constant 48 : index
              %get3A_304 = tpu.vector_load %arg8[%get3A_303] {strides = array<i32>} : memref<256xi32, #tpu.memory_space<vmem>>, vector<16xi32>,
              %ge3A_305 = arith.constant 0 : i32
              %ge3A_306 = vector.broadcast %ge3A_305 : i32 to vector<16xi32>
              %ge3A_307 = arith.cmpi sge, %get3A_304, %ge3A_306 : vector<16xi32>
              %shift_right_arithmetic3A_308 = arith.constant 15 : i32
              %shift_right_arithmetic3A_309 = vector.broadcast %shift_right_arithmetic3A_308 : i32 to vector<16xi32>
              %shift_right_arithmetic3A_310 = arith.shrsi %get3A_304, %shift_right_arithmetic3A_309 : vector<16xi32>
              %jit3A_311 = arith.constant 8192 : i32
              %broadcast_in_dim3A_312 = vector.broadcast %jit3A_311 : i32 to vector<16xi32>
              %select_n3A_313 = arith.select %ge3A_307, %shift_right_arithmetic3A_310, %broadcast_in_dim3A_312 : vector<16xi1>, vector<16xi32>
              %and3A_314 = arith.constant 32767 : i32
              %and3A_315 = vector.broadcast %and3A_314 : i32 to vector<16xi32>
              %and3A_316 = arith.andi %get3A_304, %and3A_315 : vector<16xi32>
              %add3A_317 = vector.broadcast %mul3A_0 : i32 to vector<16xi32>
              %add3A_318 = arith.addi %add3A_317, %and3A_316 : vector<16xi32>
              %swap3A_319 = arith.constant 48 : index
              %swap3A_320 = tpu.vector_load %arg15[%swap3A_319] {strides = array<i32>} : memref<64xi32, #tpu.memory_space<vmem>>, vector<16xi32>,
              tpu.vector_store %arg15[%swap3A_319], %add3A_318 {strides = array<i32>} : memref<64xi32, #tpu.memory_space<vmem>>, vector<16xi32>,
              %swap3A_321 = arith.constant 48 : index
              %swap3A_322 = tpu.vector_load %arg17[%swap3A_321] {strides = array<i32>} : memref<128xi32, #tpu.memory_space<vmem>>, vector<16xi32>,
              tpu.vector_store %arg17[%swap3A_321], %select_n3A_313 {strides = array<i32>} : memref<128xi32, #tpu.memory_space<vmem>>, vector<16xi32>,
              %get3A_323 = arith.constant 64 : index
              %get3A_324 = tpu.vector_load %arg8[%get3A_323] {strides = array<i32>} : memref<256xi32, #tpu.memory_space<vmem>>, vector<16xi32>,
              %ge3A_325 = arith.constant 0 : i32
              %ge3A_326 = vector.broadcast %ge3A_325 : i32 to vector<16xi32>
              %ge3A_327 = arith.cmpi sge, %get3A_324, %ge3A_326 : vector<16xi32>
              %shift_right_arithmetic3A_328 = arith.constant 15 : i32
              %shift_right_arithmetic3A_329 = vector.broadcast %shift_right_arithmetic3A_328 : i32 to vector<16xi32>
              %shift_right_arithmetic3A_330 = arith.shrsi %get3A_324, %shift_right_arithmetic3A_329 : vector<16xi32>
              %jit3A_331 = arith.constant 8192 : i32
              %broadcast_in_dim3A_332 = vector.broadcast %jit3A_331 : i32 to vector<16xi32>
              %select_n3A_333 = arith.select %ge3A_327, %shift_right_arithmetic3A_330, %broadcast_in_dim3A_332 : vector<16xi1>, vector<16xi32>
              %and3A_334 = arith.constant 32767 : i32
              %and3A_335 = vector.broadcast %and3A_334 : i32 to vector<16xi32>
              %and3A_336 = arith.andi %get3A_324, %and3A_335 : vector<16xi32>
              %add3A_337 = vector.broadcast %mul3A_0 : i32 to vector<16xi32>
              %add3A_338 = arith.addi %add3A_337, %and3A_336 : vector<16xi32>
              %swap3A_339 = arith.constant 0 : index
              %swap3A_340 = tpu.vector_load %arg16[%swap3A_339] {strides = array<i32>} : memref<64xi32, #tpu.memory_space<vmem>>, vector<16xi32>,
              tpu.vector_store %arg16[%swap3A_339], %add3A_338 {strides = array<i32>} : memref<64xi32, #tpu.memory_space<vmem>>, vector<16xi32>,
              %swap3A_341 = arith.constant 64 : index
              %swap3A_342 = tpu.vector_load %arg17[%swap3A_341] {strides = array<i32>} : memref<128xi32, #tpu.memory_space<vmem>>, vector<16xi32>,
              tpu.vector_store %arg17[%swap3A_341], %select_n3A_333 {strides = array<i32>} : memref<128xi32, #tpu.memory_space<vmem>>, vector<16xi32>,
              %get3A_343 = arith.constant 80 : index
              %get3A_344 = tpu.vector_load %arg8[%get3A_343] {strides = array<i32>} : memref<256xi32, #tpu.memory_space<vmem>>, vector<16xi32>,
              %ge3A_345 = arith.constant 0 : i32
              %ge3A_346 = vector.broadcast %ge3A_345 : i32 to vector<16xi32>
              %ge3A_347 = arith.cmpi sge, %get3A_344, %ge3A_346 : vector<16xi32>
              %shift_right_arithmetic3A_348 = arith.constant 15 : i32
              %shift_right_arithmetic3A_349 = vector.broadcast %shift_right_arithmetic3A_348 : i32 to vector<16xi32>
              %shift_right_arithmetic3A_350 = arith.shrsi %get3A_344, %shift_right_arithmetic3A_349 : vector<16xi32>
              %jit3A_351 = arith.constant 8192 : i32
              %broadcast_in_dim3A_352 = vector.broadcast %jit3A_351 : i32 to vector<16xi32>
              %select_n3A_353 = arith.select %ge3A_347, %shift_right_arithmetic3A_350, %broadcast_in_dim3A_352 : vector<16xi1>, vector<16xi32>
              %and3A_354 = arith.constant 32767 : i32
              %and3A_355 = vector.broadcast %and3A_354 : i32 to vector<16xi32>
              %and3A_356 = arith.andi %get3A_344, %and3A_355 : vector<16xi32>
              %add3A_357 = vector.broadcast %mul3A_0 : i32 to vector<16xi32>
              %add3A_358 = arith.addi %add3A_357, %and3A_356 : vector<16xi32>
              %swap3A_359 = arith.constant 16 : index
              %swap3A_360 = tpu.vector_load %arg16[%swap3A_359] {strides = array<i32>} : memref<64xi32, #tpu.memory_space<vmem>>, vector<16xi32>,
              tpu.vector_store %arg16[%swap3A_359], %add3A_358 {strides = array<i32>} : memref<64xi32, #tpu.memory_space<vmem>>, vector<16xi32>,
              %swap3A_361 = arith.constant 80 : index
              %swap3A_362 = tpu.vector_load %arg17[%swap3A_361] {strides = array<i32>} : memref<128xi32, #tpu.memory_space<vmem>>, vector<16xi32>,
              tpu.vector_store %arg17[%swap3A_361], %select_n3A_353 {strides = array<i32>} : memref<128xi32, #tpu.memory_space<vmem>>, vector<16xi32>,
              %get3A_363 = arith.constant 96 : index
              %get3A_364 = tpu.vector_load %arg8[%get3A_363] {strides = array<i32>} : memref<256xi32, #tpu.memory_space<vmem>>, vector<16xi32>,
              %ge3A_365 = arith.constant 0 : i32
              %ge3A_366 = vector.broadcast %ge3A_365 : i32 to vector<16xi32>
              %ge3A_367 = arith.cmpi sge, %get3A_364, %ge3A_366 : vector<16xi32>
              %shift_right_arithmetic3A_368 = arith.constant 15 : i32
              %shift_right_arithmetic3A_369 = vector.broadcast %shift_right_arithmetic3A_368 : i32 to vector<16xi32>
              %shift_right_arithmetic3A_370 = arith.shrsi %get3A_364, %shift_right_arithmetic3A_369 : vector<16xi32>
              %jit3A_371 = arith.constant 8192 : i32
              %broadcast_in_dim3A_372 = vector.broadcast %jit3A_371 : i32 to vector<16xi32>
              %select_n3A_373 = arith.select %ge3A_367, %shift_right_arithmetic3A_370, %broadcast_in_dim3A_372 : vector<16xi1>, vector<16xi32>
              %and3A_374 = arith.constant 32767 : i32
              %and3A_375 = vector.broadcast %and3A_374 : i32 to vector<16xi32>
              %and3A_376 = arith.andi %get3A_364, %and3A_375 : vector<16xi32>
              %add3A_377 = vector.broadcast %mul3A_0 : i32 to vector<16xi32>
              %add3A_378 = arith.addi %add3A_377, %and3A_376 : vector<16xi32>
              %swap3A_379 = arith.constant 32 : index
              %swap3A_380 = tpu.vector_load %arg16[%swap3A_379] {strides = array<i32>} : memref<64xi32, #tpu.memory_space<vmem>>, vector<16xi32>,
              tpu.vector_store %arg16[%swap3A_379], %add3A_378 {strides = array<i32>} : memref<64xi32, #tpu.memory_space<vmem>>, vector<16xi32>,
              %swap3A_381 = arith.constant 96 : index
              %swap3A_382 = tpu.vector_load %arg17[%swap3A_381] {strides = array<i32>} : memref<128xi32, #tpu.memory_space<vmem>>, vector<16xi32>,
              tpu.vector_store %arg17[%swap3A_381], %select_n3A_373 {strides = array<i32>} : memref<128xi32, #tpu.memory_space<vmem>>, vector<16xi32>,
              %get3A_383 = arith.constant 112 : index
              %get3A_384 = tpu.vector_load %arg8[%get3A_383] {strides = array<i32>} : memref<256xi32, #tpu.memory_space<vmem>>, vector<16xi32>,
              %ge3A_385 = arith.constant 0 : i32
              %ge3A_386 = vector.broadcast %ge3A_385 : i32 to vector<16xi32>
              %ge3A_387 = arith.cmpi sge, %get3A_384, %ge3A_386 : vector<16xi32>
              %shift_right_arithmetic3A_388 = arith.constant 15 : i32
              %shift_right_arithmetic3A_389 = vector.broadcast %shift_right_arithmetic3A_388 : i32 to vector<16xi32>
              %shift_right_arithmetic3A_390 = arith.shrsi %get3A_384, %shift_right_arithmetic3A_389 : vector<16xi32>
              %jit3A_391 = arith.constant 8192 : i32
              %broadcast_in_dim3A_392 = vector.broadcast %jit3A_391 : i32 to vector<16xi32>
              %select_n3A_393 = arith.select %ge3A_387, %shift_right_arithmetic3A_390, %broadcast_in_dim3A_392 : vector<16xi1>, vector<16xi32>
              %and3A_394 = arith.constant 32767 : i32
              %and3A_395 = vector.broadcast %and3A_394 : i32 to vector<16xi32>
              %and3A_396 = arith.andi %get3A_384, %and3A_395 : vector<16xi32>
              %add3A_397 = vector.broadcast %mul3A_0 : i32 to vector<16xi32>
              %add3A_398 = arith.addi %add3A_397, %and3A_396 : vector<16xi32>
              %swap3A_399 = arith.constant 48 : index
              %swap3A_400 = tpu.vector_load %arg16[%swap3A_399] {strides = array<i32>} : memref<64xi32, #tpu.memory_space<vmem>>, vector<16xi32>,
              tpu.vector_store %arg16[%swap3A_399], %add3A_398 {strides = array<i32>} : memref<64xi32, #tpu.memory_space<vmem>>, vector<16xi32>,
              %swap3A_401 = arith.constant 112 : index
              %swap3A_402 = tpu.vector_load %arg17[%swap3A_401] {strides = array<i32>} : memref<128xi32, #tpu.memory_space<vmem>>, vector<16xi32>,
              tpu.vector_store %arg17[%swap3A_401], %select_n3A_393 {strides = array<i32>} : memref<128xi32, #tpu.memory_space<vmem>>, vector<16xi32>,
              %ge3A_403 = arith.constant 1 : i32
              %ge3A_404 = arith.cmpi sge, %while3A_173, %ge3A_403 : i32
              %convert_element_type3A_405 = arith.extui %ge3A_404 : i1 to i32
              %cond3A_406 = arith.constant 0 : i32
              %cond3A_407 = arith.cmpi ne, %convert_element_type3A_405, %cond3A_406 : i32
              scf.if %cond3A_407 {
                %dma_wait3A = arith.constant 0 : i32
                %dma_wait3A_420 = arith.constant 0 : i32
                %dma_wait3A_421 = tpu.memref_slice %arg14[%dma_wait3A, %dma_wait3A_420] : memref<128x96xf32, #tpu.memory_space<vmem>> -> memref<64x96xf32, #tpu.memory_space<vmem>>
                %dma_wait3A_422 = arith.constant 0 : i32
                %dma_wait3A_423 = arith.constant 0 : i32
                %dma_wait3A_424 = tpu.memref_slice %arg2[%dma_wait3A_422, %dma_wait3A_423] : memref<524288x96xf32, #tpu.memory_space<hbm>> -> memref<524288x96xf32, #tpu.memory_space<hbm>>
                tpu.wait_indirect_dma semaphore(%arg24 : memref<!tpu.dma_semaphore, #tpu.memory_space<semaphore_mem>>) src(%dma_wait3A_424 : memref<524288x96xf32, #tpu.memory_space<hbm>>) dst(%dma_wait3A_421 : memref<64x96xf32, #tpu.memory_space<vmem>>)
                %dma_wait3A_425 = arith.constant 64 : i32
                %dma_wait3A_426 = arith.constant 0 : i32
                %dma_wait3A_427 = tpu.memref_slice %arg14[%dma_wait3A_425, %dma_wait3A_426] : memref<128x96xf32, #tpu.memory_space<vmem>> -> memref<64x96xf32, #tpu.memory_space<vmem>>
                %dma_wait3A_428 = arith.constant 0 : i32
                %dma_wait3A_429 = arith.constant 0 : i32
                %dma_wait3A_430 = tpu.memref_slice %arg2[%dma_wait3A_428, %dma_wait3A_429] : memref<524288x96xf32, #tpu.memory_space<hbm>> -> memref<524288x96xf32, #tpu.memory_space<hbm>>
                tpu.wait_indirect_dma semaphore(%arg24 : memref<!tpu.dma_semaphore, #tpu.memory_space<semaphore_mem>>) src(%dma_wait3A_430 : memref<524288x96xf32, #tpu.memory_space<hbm>>) dst(%dma_wait3A_427 : memref<64x96xf32, #tpu.memory_space<vmem>>)
                %dma_start3A_431 = arith.constant 0 : i32
                %dma_start3A_432 = arith.constant 0 : i32
                %dma_start3A_433 = tpu.memref_slice %arg22[%dma_start3A_431, %dma_start3A_432] : memref<8200x96xf32, #tpu.memory_space<vmem_shared>> -> memref<8200x96xf32, #tpu.memory_space<vmem_shared>>
                tpu.enqueue_indirect_dma source(%arg14 : memref<128x96xf32, #tpu.memory_space<vmem>>) target(%dma_start3A_433 : memref<8200x96xf32, #tpu.memory_space<vmem_shared>>) offsets(%arg13 : memref<128xi32, #tpu.memory_space<vmem>>) semaphore(%arg25 : memref<!tpu.dma_semaphore, #tpu.memory_space<semaphore_mem>>) {add = true}
              } else {
              }
              %dma_start3A_408 = arith.constant 0 : i32
              %dma_start3A_409 = arith.constant 0 : i32
              %dma_start3A_410 = tpu.memref_slice %arg18[%dma_start3A_408, %dma_start3A_409] : memref<128x96xf32, #tpu.memory_space<vmem>> -> memref<64x96xf32, #tpu.memory_space<vmem>>
              %dma_start3A_411 = arith.constant 0 : i32
              %dma_start3A_412 = arith.constant 0 : i32
              %dma_start3A_413 = tpu.memref_slice %arg2[%dma_start3A_411, %dma_start3A_412] : memref<524288x96xf32, #tpu.memory_space<hbm>> -> memref<524288x96xf32, #tpu.memory_space<hbm>>
              tpu.enqueue_indirect_dma source(%dma_start3A_413 : memref<524288x96xf32, #tpu.memory_space<hbm>>) target(%dma_start3A_410 : memref<64x96xf32, #tpu.memory_space<vmem>>) offsets(%arg15 : memref<64xi32, #tpu.memory_space<vmem>>) semaphore(%arg24 : memref<!tpu.dma_semaphore, #tpu.memory_space<semaphore_mem>>)
              %dma_start3A_414 = arith.constant 64 : i32
              %dma_start3A_415 = arith.constant 0 : i32
              %dma_start3A_416 = tpu.memref_slice %arg18[%dma_start3A_414, %dma_start3A_415] : memref<128x96xf32, #tpu.memory_space<vmem>> -> memref<64x96xf32, #tpu.memory_space<vmem>>
              %dma_start3A_417 = arith.constant 0 : i32
              %dma_start3A_418 = arith.constant 0 : i32
              %dma_start3A_419 = tpu.memref_slice %arg2[%dma_start3A_417, %dma_start3A_418] : memref<524288x96xf32, #tpu.memory_space<hbm>> -> memref<524288x96xf32, #tpu.memory_space<hbm>>
              tpu.enqueue_indirect_dma source(%dma_start3A_419 : memref<524288x96xf32, #tpu.memory_space<hbm>>) target(%dma_start3A_416 : memref<64x96xf32, #tpu.memory_space<vmem>>) offsets(%arg16 : memref<64xi32, #tpu.memory_space<vmem>>) semaphore(%arg24 : memref<!tpu.dma_semaphore, #tpu.memory_space<semaphore_mem>>)
            } else {
            }
            %get3A_236 = arith.constant 128 : index
            %get3A_237 = tpu.vector_load %arg8[%get3A_236] {strides = array<i32>} : memref<256xi32, #tpu.memory_space<vmem>>, vector<16xi32>,
            %swap3A = arith.constant 0 : index
            %swap3A_238 = tpu.vector_load %arg8[%swap3A] {strides = array<i32>} : memref<256xi32, #tpu.memory_space<vmem>>, vector<16xi32>,
            tpu.vector_store %arg8[%swap3A], %get3A_237 {strides = array<i32>} : memref<256xi32, #tpu.memory_space<vmem>>, vector<16xi32>,
          } else {
          }
          %sub3A_221 = arith.constant 128 : i32
          %sub3A_222 = arith.subi %add3A_215, %sub3A_221 : i32
          %select_n3A = arith.select %ge3A_217, %sub3A_222, %add3A_215 : i32
          %convert_element_type3A_223 = arith.extui %ge3A_217 : i1 to i32
          %add3A_224 = arith.addi %while3A_173, %convert_element_type3A_223 : i32
          scf.yield %select_n3A, %add3A_224 : i32, i32
        }
        %while3A_120 = arith.constant 1 : i32
        %while3A_121:2 = scf.for %while3A_171 = %while3A_117 to %while3A_113 step %while3A_120 iter_args(%while3A_172 = %while3A_119#0, %while3A_173 = %while3A_119#1) -> (i32, i32)  : i32 {
          %mul3A_174 = arith.constant 16 : i32
          %mul3A_175 = arith.muli %while3A_171, %mul3A_174 : i32
          %get3A = arith.index_cast %mul3A_175 : i32 to index
          %get3A_176 = tpu.vector_load %arg7[%get3A] {strides = array<i32>} : memref<32784xi32, #tpu.memory_space<vmem>>, vector<16xi32>,
          %shift_right_arithmetic3A_177 = arith.constant 15 : i32
          %shift_right_arithmetic3A_178 = vector.broadcast %shift_right_arithmetic3A_177 : i32 to vector<16xi32>
          %shift_right_arithmetic3A_179 = arith.shrsi %get3A_176, %shift_right_arithmetic3A_178 : vector<16xi32>
          %shift_right_arithmetic3A_180 = arith.constant 13 : i32
          %shift_right_arithmetic3A_181 = vector.broadcast %shift_right_arithmetic3A_180 : i32 to vector<16xi32>
          %shift_right_arithmetic3A_182 = arith.shrsi %shift_right_arithmetic3A_179, %shift_right_arithmetic3A_181 : vector<16xi32>
          %eq3A_183 = vector.broadcast %scan3A_70 : i32 to vector<16xi32>
          %eq3A_184 = arith.cmpi eq, %shift_right_arithmetic3A_182, %eq3A_183 : vector<16xi32>
          %ge3A_185 = arith.constant 0 : i32
          %ge3A_186 = vector.broadcast %ge3A_185 : i32 to vector<16xi32>
          %ge3A_187 = arith.cmpi sge, %get3A_176, %ge3A_186 : vector<16xi32>
          %and3A_188 = arith.andi %eq3A_184, %ge3A_187 : vector<16xi1>
          %and3A_189 = arith.constant 8191 : i32
          %and3A_190 = vector.broadcast %and3A_189 : i32 to vector<16xi32>
          %and3A_191 = arith.andi %shift_right_arithmetic3A_179, %and3A_190 : vector<16xi32>
          %shift_right_arithmetic3A_192 = arith.constant 4 : i32
          %shift_right_arithmetic3A_193 = vector.broadcast %shift_right_arithmetic3A_192 : i32 to vector<16xi32>
          %shift_right_arithmetic3A_194 = arith.shrsi %and3A_191, %shift_right_arithmetic3A_193 : vector<16xi32>
          %and3A_195 = arith.constant 15 : i32
          %and3A_196 = vector.broadcast %and3A_195 : i32 to vector<16xi32>
          %and3A_197 = arith.andi %and3A_191, %and3A_196 : vector<16xi32>
          tpu.vector_store_idx %arg9[%shift_right_arithmetic3A_194, %and3A_197], %broadcast_in_dim3A_3 masked %and3A_188 {add = true} : memref<512x16xf32, #tpu.memory_space<vmem>>[vector<16xi32>, vector<16xi32>], vector<16xf32>, vector<16xi1>
          %shift_left3A = arith.constant 15 : i32
          %shift_left3A_198 = vector.broadcast %shift_left3A : i32 to vector<16xi32>
          %shift_left3A_199 = arith.shli %and3A_191, %shift_left3A_198 : vector<16xi32>
          %and3A_200 = arith.constant 32767 : i32
          %and3A_201 = vector.broadcast %and3A_200 : i32 to vector<16xi32>
          %and3A_202 = arith.andi %get3A_176, %and3A_201 : vector<16xi32>
          %or3A = arith.ori %shift_left3A_199, %and3A_202 : vector<16xi32>
          %convert_element_type3A_203 = arith.extui %and3A_188 : vector<16xi1> to vector<16xi32>
          %broadcast_in_dim3A_204 = arith.constant true
          %broadcast_in_dim3A_205 = vector.broadcast %broadcast_in_dim3A_204 : i1 to vector<16xi1>
          %masked_cumsum3A = tpu.scan <sum>, %convert_element_type3A_203 masked %broadcast_in_dim3A_205 : vector<16xi32>, vector<16xi1> -> vector<16xi32>
          %add3A_206 = vector.broadcast %while3A_172 : i32 to vector<16xi32>
          %add3A_207 = arith.addi %add3A_206, %masked_cumsum3A : vector<16xi32>
          %sub3A_208 = arith.constant 1 : i32
          %sub3A_209 = vector.broadcast %sub3A_208 : i32 to vector<16xi32>
          %sub3A_210 = arith.subi %add3A_207, %sub3A_209 : vector<16xi32>
          tpu.vector_store_idx %arg8[%sub3A_210], %or3A masked %and3A_188 : memref<256xi32, #tpu.memory_space<vmem>>[vector<16xi32>], vector<16xi32>, vector<16xi1>
          %convert_element_type3A_211 = arith.extui %and3A_188 : vector<16xi1> to vector<16xi32>
          %reduce_sum3A = arith.constant true
          %reduce_sum3A_212 = vector.broadcast %reduce_sum3A : i1 to vector<16xi1>
          %reduce_sum3A_213 = tpu.scan <sum>, %convert_element_type3A_211 masked %reduce_sum3A_212 : vector<16xi32>, vector<16xi1> -> vector<16xi32>
          %reduce_sum3A_214 = vector.extract %reduce_sum3A_213[15] : i32 from vector<16xi32>
          %add3A_215 = arith.addi %while3A_172, %reduce_sum3A_214 : i32
          %ge3A_216 = arith.constant 128 : i32
          %ge3A_217 = arith.cmpi sge, %add3A_215, %ge3A_216 : i32
          %convert_element_type3A_218 = arith.extui %ge3A_217 : i1 to i32
          %cond3A_219 = arith.constant 0 : i32
          %cond3A_220 = arith.cmpi ne, %convert_element_type3A_218, %cond3A_219 : i32
          scf.if %cond3A_220 {
            %and3A_225 = arith.constant 1 : i32
            %and3A_226 = arith.andi %while3A_173, %and3A_225 : i32
            %eq3A_227 = arith.constant 0 : i32
            %eq3A_228 = arith.cmpi eq, %and3A_226, %eq3A_227 : i32
            %convert_element_type3A_229 = arith.extui %eq3A_228 : i1 to i32
            %cond3A_230 = arith.constant 0 : i32
            %cond3A_231 = arith.cmpi ne, %convert_element_type3A_229, %cond3A_230 : i32
            scf.if %cond3A_231 {
              %ge3A_239 = arith.constant 2 : i32
              %ge3A_240 = arith.cmpi sge, %while3A_173, %ge3A_239 : i32
              %convert_element_type3A_241 = arith.extui %ge3A_240 : i1 to i32
              %cond3A_242 = arith.constant 0 : i32
              %cond3A_243 = arith.cmpi ne, %convert_element_type3A_241, %cond3A_242 : i32
              scf.if %cond3A_243 {
                %dma_wait3A = arith.constant 0 : i32
                %dma_wait3A_420 = arith.constant 0 : i32
                %dma_wait3A_421 = tpu.memref_slice %arg22[%dma_wait3A, %dma_wait3A_420] : memref<8200x96xf32, #tpu.memory_space<vmem_shared>> -> memref<8200x96xf32, #tpu.memory_space<vmem_shared>>
                tpu.wait_indirect_dma semaphore(%arg25 : memref<!tpu.dma_semaphore, #tpu.memory_space<semaphore_mem>>) src(%arg14 : memref<128x96xf32, #tpu.memory_space<vmem>>) dst(%dma_wait3A_421 : memref<8200x96xf32, #tpu.memory_space<vmem_shared>>)
              } else {
              }
              %get3A_244 = arith.constant 0 : index
              %get3A_245 = tpu.vector_load %arg8[%get3A_244] {strides = array<i32>} : memref<256xi32, #tpu.memory_space<vmem>>, vector<16xi32>,
              %ge3A_246 = arith.constant 0 : i32
              %ge3A_247 = vector.broadcast %ge3A_246 : i32 to vector<16xi32>
              %ge3A_248 = arith.cmpi sge, %get3A_245, %ge3A_247 : vector<16xi32>
              %shift_right_arithmetic3A_249 = arith.constant 15 : i32
              %shift_right_arithmetic3A_250 = vector.broadcast %shift_right_arithmetic3A_249 : i32 to vector<16xi32>
              %shift_right_arithmetic3A_251 = arith.shrsi %get3A_245, %shift_right_arithmetic3A_250 : vector<16xi32>
              %jit3A = arith.constant 8192 : i32
              %broadcast_in_dim3A_252 = vector.broadcast %jit3A : i32 to vector<16xi32>
              %select_n3A_253 = arith.select %ge3A_248, %shift_right_arithmetic3A_251, %broadcast_in_dim3A_252 : vector<16xi1>, vector<16xi32>
              %and3A_254 = arith.constant 32767 : i32
              %and3A_255 = vector.broadcast %and3A_254 : i32 to vector<16xi32>
              %and3A_256 = arith.andi %get3A_245, %and3A_255 : vector<16xi32>
              %add3A_257 = vector.broadcast %mul3A_0 : i32 to vector<16xi32>
              %add3A_258 = arith.addi %add3A_257, %and3A_256 : vector<16xi32>
              %swap3A_259 = arith.constant 0 : index
              %swap3A_260 = tpu.vector_load %arg11[%swap3A_259] {strides = array<i32>} : memref<64xi32, #tpu.memory_space<vmem>>, vector<16xi32>,
              tpu.vector_store %arg11[%swap3A_259], %add3A_258 {strides = array<i32>} : memref<64xi32, #tpu.memory_space<vmem>>, vector<16xi32>,
              %swap3A_261 = arith.constant 0 : index
              %swap3A_262 = tpu.vector_load %arg13[%swap3A_261] {strides = array<i32>} : memref<128xi32, #tpu.memory_space<vmem>>, vector<16xi32>,
              tpu.vector_store %arg13[%swap3A_261], %select_n3A_253 {strides = array<i32>} : memref<128xi32, #tpu.memory_space<vmem>>, vector<16xi32>,
              %get3A_263 = arith.constant 16 : index
              %get3A_264 = tpu.vector_load %arg8[%get3A_263] {strides = array<i32>} : memref<256xi32, #tpu.memory_space<vmem>>, vector<16xi32>,
              %ge3A_265 = arith.constant 0 : i32
              %ge3A_266 = vector.broadcast %ge3A_265 : i32 to vector<16xi32>
              %ge3A_267 = arith.cmpi sge, %get3A_264, %ge3A_266 : vector<16xi32>
              %shift_right_arithmetic3A_268 = arith.constant 15 : i32
              %shift_right_arithmetic3A_269 = vector.broadcast %shift_right_arithmetic3A_268 : i32 to vector<16xi32>
              %shift_right_arithmetic3A_270 = arith.shrsi %get3A_264, %shift_right_arithmetic3A_269 : vector<16xi32>
              %jit3A_271 = arith.constant 8192 : i32
              %broadcast_in_dim3A_272 = vector.broadcast %jit3A_271 : i32 to vector<16xi32>
              %select_n3A_273 = arith.select %ge3A_267, %shift_right_arithmetic3A_270, %broadcast_in_dim3A_272 : vector<16xi1>, vector<16xi32>
              %and3A_274 = arith.constant 32767 : i32
              %and3A_275 = vector.broadcast %and3A_274 : i32 to vector<16xi32>
              %and3A_276 = arith.andi %get3A_264, %and3A_275 : vector<16xi32>
              %add3A_277 = vector.broadcast %mul3A_0 : i32 to vector<16xi32>
              %add3A_278 = arith.addi %add3A_277, %and3A_276 : vector<16xi32>
              %swap3A_279 = arith.constant 16 : index
              %swap3A_280 = tpu.vector_load %arg11[%swap3A_279] {strides = array<i32>} : memref<64xi32, #tpu.memory_space<vmem>>, vector<16xi32>,
              tpu.vector_store %arg11[%swap3A_279], %add3A_278 {strides = array<i32>} : memref<64xi32, #tpu.memory_space<vmem>>, vector<16xi32>,
              %swap3A_281 = arith.constant 16 : index
              %swap3A_282 = tpu.vector_load %arg13[%swap3A_281] {strides = array<i32>} : memref<128xi32, #tpu.memory_space<vmem>>, vector<16xi32>,
              tpu.vector_store %arg13[%swap3A_281], %select_n3A_273 {strides = array<i32>} : memref<128xi32, #tpu.memory_space<vmem>>, vector<16xi32>,
              %get3A_283 = arith.constant 32 : index
              %get3A_284 = tpu.vector_load %arg8[%get3A_283] {strides = array<i32>} : memref<256xi32, #tpu.memory_space<vmem>>, vector<16xi32>,
              %ge3A_285 = arith.constant 0 : i32
              %ge3A_286 = vector.broadcast %ge3A_285 : i32 to vector<16xi32>
              %ge3A_287 = arith.cmpi sge, %get3A_284, %ge3A_286 : vector<16xi32>
              %shift_right_arithmetic3A_288 = arith.constant 15 : i32
              %shift_right_arithmetic3A_289 = vector.broadcast %shift_right_arithmetic3A_288 : i32 to vector<16xi32>
              %shift_right_arithmetic3A_290 = arith.shrsi %get3A_284, %shift_right_arithmetic3A_289 : vector<16xi32>
              %jit3A_291 = arith.constant 8192 : i32
              %broadcast_in_dim3A_292 = vector.broadcast %jit3A_291 : i32 to vector<16xi32>
              %select_n3A_293 = arith.select %ge3A_287, %shift_right_arithmetic3A_290, %broadcast_in_dim3A_292 : vector<16xi1>, vector<16xi32>
              %and3A_294 = arith.constant 32767 : i32
              %and3A_295 = vector.broadcast %and3A_294 : i32 to vector<16xi32>
              %and3A_296 = arith.andi %get3A_284, %and3A_295 : vector<16xi32>
              %add3A_297 = vector.broadcast %mul3A_0 : i32 to vector<16xi32>
              %add3A_298 = arith.addi %add3A_297, %and3A_296 : vector<16xi32>
              %swap3A_299 = arith.constant 32 : index
              %swap3A_300 = tpu.vector_load %arg11[%swap3A_299] {strides = array<i32>} : memref<64xi32, #tpu.memory_space<vmem>>, vector<16xi32>,
              tpu.vector_store %arg11[%swap3A_299], %add3A_298 {strides = array<i32>} : memref<64xi32, #tpu.memory_space<vmem>>, vector<16xi32>,
              %swap3A_301 = arith.constant 32 : index
              %swap3A_302 = tpu.vector_load %arg13[%swap3A_301] {strides = array<i32>} : memref<128xi32, #tpu.memory_space<vmem>>, vector<16xi32>,
              tpu.vector_store %arg13[%swap3A_301], %select_n3A_293 {strides = array<i32>} : memref<128xi32, #tpu.memory_space<vmem>>, vector<16xi32>,
              %get3A_303 = arith.constant 48 : index
              %get3A_304 = tpu.vector_load %arg8[%get3A_303] {strides = array<i32>} : memref<256xi32, #tpu.memory_space<vmem>>, vector<16xi32>,
              %ge3A_305 = arith.constant 0 : i32
              %ge3A_306 = vector.broadcast %ge3A_305 : i32 to vector<16xi32>
              %ge3A_307 = arith.cmpi sge, %get3A_304, %ge3A_306 : vector<16xi32>
              %shift_right_arithmetic3A_308 = arith.constant 15 : i32
              %shift_right_arithmetic3A_309 = vector.broadcast %shift_right_arithmetic3A_308 : i32 to vector<16xi32>
              %shift_right_arithmetic3A_310 = arith.shrsi %get3A_304, %shift_right_arithmetic3A_309 : vector<16xi32>
              %jit3A_311 = arith.constant 8192 : i32
              %broadcast_in_dim3A_312 = vector.broadcast %jit3A_311 : i32 to vector<16xi32>
              %select_n3A_313 = arith.select %ge3A_307, %shift_right_arithmetic3A_310, %broadcast_in_dim3A_312 : vector<16xi1>, vector<16xi32>
              %and3A_314 = arith.constant 32767 : i32
              %and3A_315 = vector.broadcast %and3A_314 : i32 to vector<16xi32>
              %and3A_316 = arith.andi %get3A_304, %and3A_315 : vector<16xi32>
              %add3A_317 = vector.broadcast %mul3A_0 : i32 to vector<16xi32>
              %add3A_318 = arith.addi %add3A_317, %and3A_316 : vector<16xi32>
              %swap3A_319 = arith.constant 48 : index
              %swap3A_320 = tpu.vector_load %arg11[%swap3A_319] {strides = array<i32>} : memref<64xi32, #tpu.memory_space<vmem>>, vector<16xi32>,
              tpu.vector_store %arg11[%swap3A_319], %add3A_318 {strides = array<i32>} : memref<64xi32, #tpu.memory_space<vmem>>, vector<16xi32>,
              %swap3A_321 = arith.constant 48 : index
              %swap3A_322 = tpu.vector_load %arg13[%swap3A_321] {strides = array<i32>} : memref<128xi32, #tpu.memory_space<vmem>>, vector<16xi32>,
              tpu.vector_store %arg13[%swap3A_321], %select_n3A_313 {strides = array<i32>} : memref<128xi32, #tpu.memory_space<vmem>>, vector<16xi32>,
              %get3A_323 = arith.constant 64 : index
              %get3A_324 = tpu.vector_load %arg8[%get3A_323] {strides = array<i32>} : memref<256xi32, #tpu.memory_space<vmem>>, vector<16xi32>,
              %ge3A_325 = arith.constant 0 : i32
              %ge3A_326 = vector.broadcast %ge3A_325 : i32 to vector<16xi32>
              %ge3A_327 = arith.cmpi sge, %get3A_324, %ge3A_326 : vector<16xi32>
              %shift_right_arithmetic3A_328 = arith.constant 15 : i32
              %shift_right_arithmetic3A_329 = vector.broadcast %shift_right_arithmetic3A_328 : i32 to vector<16xi32>
              %shift_right_arithmetic3A_330 = arith.shrsi %get3A_324, %shift_right_arithmetic3A_329 : vector<16xi32>
              %jit3A_331 = arith.constant 8192 : i32
              %broadcast_in_dim3A_332 = vector.broadcast %jit3A_331 : i32 to vector<16xi32>
              %select_n3A_333 = arith.select %ge3A_327, %shift_right_arithmetic3A_330, %broadcast_in_dim3A_332 : vector<16xi1>, vector<16xi32>
              %and3A_334 = arith.constant 32767 : i32
              %and3A_335 = vector.broadcast %and3A_334 : i32 to vector<16xi32>
              %and3A_336 = arith.andi %get3A_324, %and3A_335 : vector<16xi32>
              %add3A_337 = vector.broadcast %mul3A_0 : i32 to vector<16xi32>
              %add3A_338 = arith.addi %add3A_337, %and3A_336 : vector<16xi32>
              %swap3A_339 = arith.constant 0 : index
              %swap3A_340 = tpu.vector_load %arg12[%swap3A_339] {strides = array<i32>} : memref<64xi32, #tpu.memory_space<vmem>>, vector<16xi32>,
              tpu.vector_store %arg12[%swap3A_339], %add3A_338 {strides = array<i32>} : memref<64xi32, #tpu.memory_space<vmem>>, vector<16xi32>,
              %swap3A_341 = arith.constant 64 : index
              %swap3A_342 = tpu.vector_load %arg13[%swap3A_341] {strides = array<i32>} : memref<128xi32, #tpu.memory_space<vmem>>, vector<16xi32>,
              tpu.vector_store %arg13[%swap3A_341], %select_n3A_333 {strides = array<i32>} : memref<128xi32, #tpu.memory_space<vmem>>, vector<16xi32>,
              %get3A_343 = arith.constant 80 : index
              %get3A_344 = tpu.vector_load %arg8[%get3A_343] {strides = array<i32>} : memref<256xi32, #tpu.memory_space<vmem>>, vector<16xi32>,
              %ge3A_345 = arith.constant 0 : i32
              %ge3A_346 = vector.broadcast %ge3A_345 : i32 to vector<16xi32>
              %ge3A_347 = arith.cmpi sge, %get3A_344, %ge3A_346 : vector<16xi32>
              %shift_right_arithmetic3A_348 = arith.constant 15 : i32
              %shift_right_arithmetic3A_349 = vector.broadcast %shift_right_arithmetic3A_348 : i32 to vector<16xi32>
              %shift_right_arithmetic3A_350 = arith.shrsi %get3A_344, %shift_right_arithmetic3A_349 : vector<16xi32>
              %jit3A_351 = arith.constant 8192 : i32
              %broadcast_in_dim3A_352 = vector.broadcast %jit3A_351 : i32 to vector<16xi32>
              %select_n3A_353 = arith.select %ge3A_347, %shift_right_arithmetic3A_350, %broadcast_in_dim3A_352 : vector<16xi1>, vector<16xi32>
              %and3A_354 = arith.constant 32767 : i32
              %and3A_355 = vector.broadcast %and3A_354 : i32 to vector<16xi32>
              %and3A_356 = arith.andi %get3A_344, %and3A_355 : vector<16xi32>
              %add3A_357 = vector.broadcast %mul3A_0 : i32 to vector<16xi32>
              %add3A_358 = arith.addi %add3A_357, %and3A_356 : vector<16xi32>
              %swap3A_359 = arith.constant 16 : index
              %swap3A_360 = tpu.vector_load %arg12[%swap3A_359] {strides = array<i32>} : memref<64xi32, #tpu.memory_space<vmem>>, vector<16xi32>,
              tpu.vector_store %arg12[%swap3A_359], %add3A_358 {strides = array<i32>} : memref<64xi32, #tpu.memory_space<vmem>>, vector<16xi32>,
              %swap3A_361 = arith.constant 80 : index
              %swap3A_362 = tpu.vector_load %arg13[%swap3A_361] {strides = array<i32>} : memref<128xi32, #tpu.memory_space<vmem>>, vector<16xi32>,
              tpu.vector_store %arg13[%swap3A_361], %select_n3A_353 {strides = array<i32>} : memref<128xi32, #tpu.memory_space<vmem>>, vector<16xi32>,
              %get3A_363 = arith.constant 96 : index
              %get3A_364 = tpu.vector_load %arg8[%get3A_363] {strides = array<i32>} : memref<256xi32, #tpu.memory_space<vmem>>, vector<16xi32>,
              %ge3A_365 = arith.constant 0 : i32
              %ge3A_366 = vector.broadcast %ge3A_365 : i32 to vector<16xi32>
              %ge3A_367 = arith.cmpi sge, %get3A_364, %ge3A_366 : vector<16xi32>
              %shift_right_arithmetic3A_368 = arith.constant 15 : i32
              %shift_right_arithmetic3A_369 = vector.broadcast %shift_right_arithmetic3A_368 : i32 to vector<16xi32>
              %shift_right_arithmetic3A_370 = arith.shrsi %get3A_364, %shift_right_arithmetic3A_369 : vector<16xi32>
              %jit3A_371 = arith.constant 8192 : i32
              %broadcast_in_dim3A_372 = vector.broadcast %jit3A_371 : i32 to vector<16xi32>
              %select_n3A_373 = arith.select %ge3A_367, %shift_right_arithmetic3A_370, %broadcast_in_dim3A_372 : vector<16xi1>, vector<16xi32>
              %and3A_374 = arith.constant 32767 : i32
              %and3A_375 = vector.broadcast %and3A_374 : i32 to vector<16xi32>
              %and3A_376 = arith.andi %get3A_364, %and3A_375 : vector<16xi32>
              %add3A_377 = vector.broadcast %mul3A_0 : i32 to vector<16xi32>
              %add3A_378 = arith.addi %add3A_377, %and3A_376 : vector<16xi32>
              %swap3A_379 = arith.constant 32 : index
              %swap3A_380 = tpu.vector_load %arg12[%swap3A_379] {strides = array<i32>} : memref<64xi32, #tpu.memory_space<vmem>>, vector<16xi32>,
              tpu.vector_store %arg12[%swap3A_379], %add3A_378 {strides = array<i32>} : memref<64xi32, #tpu.memory_space<vmem>>, vector<16xi32>,
              %swap3A_381 = arith.constant 96 : index
              %swap3A_382 = tpu.vector_load %arg13[%swap3A_381] {strides = array<i32>} : memref<128xi32, #tpu.memory_space<vmem>>, vector<16xi32>,
              tpu.vector_store %arg13[%swap3A_381], %select_n3A_373 {strides = array<i32>} : memref<128xi32, #tpu.memory_space<vmem>>, vector<16xi32>,
              %get3A_383 = arith.constant 112 : index
              %get3A_384 = tpu.vector_load %arg8[%get3A_383] {strides = array<i32>} : memref<256xi32, #tpu.memory_space<vmem>>, vector<16xi32>,
              %ge3A_385 = arith.constant 0 : i32
              %ge3A_386 = vector.broadcast %ge3A_385 : i32 to vector<16xi32>
              %ge3A_387 = arith.cmpi sge, %get3A_384, %ge3A_386 : vector<16xi32>
              %shift_right_arithmetic3A_388 = arith.constant 15 : i32
              %shift_right_arithmetic3A_389 = vector.broadcast %shift_right_arithmetic3A_388 : i32 to vector<16xi32>
              %shift_right_arithmetic3A_390 = arith.shrsi %get3A_384, %shift_right_arithmetic3A_389 : vector<16xi32>
              %jit3A_391 = arith.constant 8192 : i32
              %broadcast_in_dim3A_392 = vector.broadcast %jit3A_391 : i32 to vector<16xi32>
              %select_n3A_393 = arith.select %ge3A_387, %shift_right_arithmetic3A_390, %broadcast_in_dim3A_392 : vector<16xi1>, vector<16xi32>
              %and3A_394 = arith.constant 32767 : i32
              %and3A_395 = vector.broadcast %and3A_394 : i32 to vector<16xi32>
              %and3A_396 = arith.andi %get3A_384, %and3A_395 : vector<16xi32>
              %add3A_397 = vector.broadcast %mul3A_0 : i32 to vector<16xi32>
              %add3A_398 = arith.addi %add3A_397, %and3A_396 : vector<16xi32>
              %swap3A_399 = arith.constant 48 : index
              %swap3A_400 = tpu.vector_load %arg12[%swap3A_399] {strides = array<i32>} : memref<64xi32, #tpu.memory_space<vmem>>, vector<16xi32>,
              tpu.vector_store %arg12[%swap3A_399], %add3A_398 {strides = array<i32>} : memref<64xi32, #tpu.memory_space<vmem>>, vector<16xi32>,
              %swap3A_401 = arith.constant 112 : index
              %swap3A_402 = tpu.vector_load %arg13[%swap3A_401] {strides = array<i32>} : memref<128xi32, #tpu.memory_space<vmem>>, vector<16xi32>,
              tpu.vector_store %arg13[%swap3A_401], %select_n3A_393 {strides = array<i32>} : memref<128xi32, #tpu.memory_space<vmem>>, vector<16xi32>,
              %ge3A_403 = arith.constant 1 : i32
              %ge3A_404 = arith.cmpi sge, %while3A_173, %ge3A_403 : i32
              %convert_element_type3A_405 = arith.extui %ge3A_404 : i1 to i32
              %cond3A_406 = arith.constant 0 : i32
              %cond3A_407 = arith.cmpi ne, %convert_element_type3A_405, %cond3A_406 : i32
              scf.if %cond3A_407 {
                %dma_wait3A = arith.constant 0 : i32
                %dma_wait3A_420 = arith.constant 0 : i32
                %dma_wait3A_421 = tpu.memref_slice %arg18[%dma_wait3A, %dma_wait3A_420] : memref<128x96xf32, #tpu.memory_space<vmem>> -> memref<64x96xf32, #tpu.memory_space<vmem>>
                %dma_wait3A_422 = arith.constant 0 : i32
                %dma_wait3A_423 = arith.constant 0 : i32
                %dma_wait3A_424 = tpu.memref_slice %arg2[%dma_wait3A_422, %dma_wait3A_423] : memref<524288x96xf32, #tpu.memory_space<hbm>> -> memref<524288x96xf32, #tpu.memory_space<hbm>>
                tpu.wait_indirect_dma semaphore(%arg24 : memref<!tpu.dma_semaphore, #tpu.memory_space<semaphore_mem>>) src(%dma_wait3A_424 : memref<524288x96xf32, #tpu.memory_space<hbm>>) dst(%dma_wait3A_421 : memref<64x96xf32, #tpu.memory_space<vmem>>)
                %dma_wait3A_425 = arith.constant 64 : i32
                %dma_wait3A_426 = arith.constant 0 : i32
                %dma_wait3A_427 = tpu.memref_slice %arg18[%dma_wait3A_425, %dma_wait3A_426] : memref<128x96xf32, #tpu.memory_space<vmem>> -> memref<64x96xf32, #tpu.memory_space<vmem>>
                %dma_wait3A_428 = arith.constant 0 : i32
                %dma_wait3A_429 = arith.constant 0 : i32
                %dma_wait3A_430 = tpu.memref_slice %arg2[%dma_wait3A_428, %dma_wait3A_429] : memref<524288x96xf32, #tpu.memory_space<hbm>> -> memref<524288x96xf32, #tpu.memory_space<hbm>>
                tpu.wait_indirect_dma semaphore(%arg24 : memref<!tpu.dma_semaphore, #tpu.memory_space<semaphore_mem>>) src(%dma_wait3A_430 : memref<524288x96xf32, #tpu.memory_space<hbm>>) dst(%dma_wait3A_427 : memref<64x96xf32, #tpu.memory_space<vmem>>)
                %dma_start3A_431 = arith.constant 0 : i32
                %dma_start3A_432 = arith.constant 0 : i32
                %dma_start3A_433 = tpu.memref_slice %arg22[%dma_start3A_431, %dma_start3A_432] : memref<8200x96xf32, #tpu.memory_space<vmem_shared>> -> memref<8200x96xf32, #tpu.memory_space<vmem_shared>>
                tpu.enqueue_indirect_dma source(%arg18 : memref<128x96xf32, #tpu.memory_space<vmem>>) target(%dma_start3A_433 : memref<8200x96xf32, #tpu.memory_space<vmem_shared>>) offsets(%arg17 : memref<128xi32, #tpu.memory_space<vmem>>) semaphore(%arg25 : memref<!tpu.dma_semaphore, #tpu.memory_space<semaphore_mem>>) {add = true}
              } else {
              }
              %dma_start3A_408 = arith.constant 0 : i32
              %dma_start3A_409 = arith.constant 0 : i32
              %dma_start3A_410 = tpu.memref_slice %arg14[%dma_start3A_408, %dma_start3A_409] : memref<128x96xf32, #tpu.memory_space<vmem>> -> memref<64x96xf32, #tpu.memory_space<vmem>>
              %dma_start3A_411 = arith.constant 0 : i32
              %dma_start3A_412 = arith.constant 0 : i32
              %dma_start3A_413 = tpu.memref_slice %arg2[%dma_start3A_411, %dma_start3A_412] : memref<524288x96xf32, #tpu.memory_space<hbm>> -> memref<524288x96xf32, #tpu.memory_space<hbm>>
              tpu.enqueue_indirect_dma source(%dma_start3A_413 : memref<524288x96xf32, #tpu.memory_space<hbm>>) target(%dma_start3A_410 : memref<64x96xf32, #tpu.memory_space<vmem>>) offsets(%arg11 : memref<64xi32, #tpu.memory_space<vmem>>) semaphore(%arg24 : memref<!tpu.dma_semaphore, #tpu.memory_space<semaphore_mem>>)
              %dma_start3A_414 = arith.constant 64 : i32
              %dma_start3A_415 = arith.constant 0 : i32
              %dma_start3A_416 = tpu.memref_slice %arg14[%dma_start3A_414, %dma_start3A_415] : memref<128x96xf32, #tpu.memory_space<vmem>> -> memref<64x96xf32, #tpu.memory_space<vmem>>
              %dma_start3A_417 = arith.constant 0 : i32
              %dma_start3A_418 = arith.constant 0 : i32
              %dma_start3A_419 = tpu.memref_slice %arg2[%dma_start3A_417, %dma_start3A_418] : memref<524288x96xf32, #tpu.memory_space<hbm>> -> memref<524288x96xf32, #tpu.memory_space<hbm>>
              tpu.enqueue_indirect_dma source(%dma_start3A_419 : memref<524288x96xf32, #tpu.memory_space<hbm>>) target(%dma_start3A_416 : memref<64x96xf32, #tpu.memory_space<vmem>>) offsets(%arg12 : memref<64xi32, #tpu.memory_space<vmem>>) semaphore(%arg24 : memref<!tpu.dma_semaphore, #tpu.memory_space<semaphore_mem>>)
            } else {
            }
            %not3A = arith.constant true
            %not3A_232 = arith.xori %eq3A_228, %not3A : i1
            %convert_element_type3A_233 = arith.extui %not3A_232 : i1 to i32
            %cond3A_234 = arith.constant 0 : i32
            %cond3A_235 = arith.cmpi ne, %convert_element_type3A_233, %cond3A_234 : i32
            scf.if %cond3A_235 {
              %ge3A_239 = arith.constant 2 : i32
              %ge3A_240 = arith.cmpi sge, %while3A_173, %ge3A_239 : i32
              %convert_element_type3A_241 = arith.extui %ge3A_240 : i1 to i32
              %cond3A_242 = arith.constant 0 : i32
              %cond3A_243 = arith.cmpi ne, %convert_element_type3A_241, %cond3A_242 : i32
              scf.if %cond3A_243 {
                %dma_wait3A = arith.constant 0 : i32
                %dma_wait3A_420 = arith.constant 0 : i32
                %dma_wait3A_421 = tpu.memref_slice %arg22[%dma_wait3A, %dma_wait3A_420] : memref<8200x96xf32, #tpu.memory_space<vmem_shared>> -> memref<8200x96xf32, #tpu.memory_space<vmem_shared>>
                tpu.wait_indirect_dma semaphore(%arg25 : memref<!tpu.dma_semaphore, #tpu.memory_space<semaphore_mem>>) src(%arg18 : memref<128x96xf32, #tpu.memory_space<vmem>>) dst(%dma_wait3A_421 : memref<8200x96xf32, #tpu.memory_space<vmem_shared>>)
              } else {
              }
              %get3A_244 = arith.constant 0 : index
              %get3A_245 = tpu.vector_load %arg8[%get3A_244] {strides = array<i32>} : memref<256xi32, #tpu.memory_space<vmem>>, vector<16xi32>,
              %ge3A_246 = arith.constant 0 : i32
              %ge3A_247 = vector.broadcast %ge3A_246 : i32 to vector<16xi32>
              %ge3A_248 = arith.cmpi sge, %get3A_245, %ge3A_247 : vector<16xi32>
              %shift_right_arithmetic3A_249 = arith.constant 15 : i32
              %shift_right_arithmetic3A_250 = vector.broadcast %shift_right_arithmetic3A_249 : i32 to vector<16xi32>
              %shift_right_arithmetic3A_251 = arith.shrsi %get3A_245, %shift_right_arithmetic3A_250 : vector<16xi32>
              %jit3A = arith.constant 8192 : i32
              %broadcast_in_dim3A_252 = vector.broadcast %jit3A : i32 to vector<16xi32>
              %select_n3A_253 = arith.select %ge3A_248, %shift_right_arithmetic3A_251, %broadcast_in_dim3A_252 : vector<16xi1>, vector<16xi32>
              %and3A_254 = arith.constant 32767 : i32
              %and3A_255 = vector.broadcast %and3A_254 : i32 to vector<16xi32>
              %and3A_256 = arith.andi %get3A_245, %and3A_255 : vector<16xi32>
              %add3A_257 = vector.broadcast %mul3A_0 : i32 to vector<16xi32>
              %add3A_258 = arith.addi %add3A_257, %and3A_256 : vector<16xi32>
              %swap3A_259 = arith.constant 0 : index
              %swap3A_260 = tpu.vector_load %arg15[%swap3A_259] {strides = array<i32>} : memref<64xi32, #tpu.memory_space<vmem>>, vector<16xi32>,
              tpu.vector_store %arg15[%swap3A_259], %add3A_258 {strides = array<i32>} : memref<64xi32, #tpu.memory_space<vmem>>, vector<16xi32>,
              %swap3A_261 = arith.constant 0 : index
              %swap3A_262 = tpu.vector_load %arg17[%swap3A_261] {strides = array<i32>} : memref<128xi32, #tpu.memory_space<vmem>>, vector<16xi32>,
              tpu.vector_store %arg17[%swap3A_261], %select_n3A_253 {strides = array<i32>} : memref<128xi32, #tpu.memory_space<vmem>>, vector<16xi32>,
              %get3A_263 = arith.constant 16 : index
              %get3A_264 = tpu.vector_load %arg8[%get3A_263] {strides = array<i32>} : memref<256xi32, #tpu.memory_space<vmem>>, vector<16xi32>,
              %ge3A_265 = arith.constant 0 : i32
              %ge3A_266 = vector.broadcast %ge3A_265 : i32 to vector<16xi32>
              %ge3A_267 = arith.cmpi sge, %get3A_264, %ge3A_266 : vector<16xi32>
              %shift_right_arithmetic3A_268 = arith.constant 15 : i32
              %shift_right_arithmetic3A_269 = vector.broadcast %shift_right_arithmetic3A_268 : i32 to vector<16xi32>
              %shift_right_arithmetic3A_270 = arith.shrsi %get3A_264, %shift_right_arithmetic3A_269 : vector<16xi32>
              %jit3A_271 = arith.constant 8192 : i32
              %broadcast_in_dim3A_272 = vector.broadcast %jit3A_271 : i32 to vector<16xi32>
              %select_n3A_273 = arith.select %ge3A_267, %shift_right_arithmetic3A_270, %broadcast_in_dim3A_272 : vector<16xi1>, vector<16xi32>
              %and3A_274 = arith.constant 32767 : i32
              %and3A_275 = vector.broadcast %and3A_274 : i32 to vector<16xi32>
              %and3A_276 = arith.andi %get3A_264, %and3A_275 : vector<16xi32>
              %add3A_277 = vector.broadcast %mul3A_0 : i32 to vector<16xi32>
              %add3A_278 = arith.addi %add3A_277, %and3A_276 : vector<16xi32>
              %swap3A_279 = arith.constant 16 : index
              %swap3A_280 = tpu.vector_load %arg15[%swap3A_279] {strides = array<i32>} : memref<64xi32, #tpu.memory_space<vmem>>, vector<16xi32>,
              tpu.vector_store %arg15[%swap3A_279], %add3A_278 {strides = array<i32>} : memref<64xi32, #tpu.memory_space<vmem>>, vector<16xi32>,
              %swap3A_281 = arith.constant 16 : index
              %swap3A_282 = tpu.vector_load %arg17[%swap3A_281] {strides = array<i32>} : memref<128xi32, #tpu.memory_space<vmem>>, vector<16xi32>,
              tpu.vector_store %arg17[%swap3A_281], %select_n3A_273 {strides = array<i32>} : memref<128xi32, #tpu.memory_space<vmem>>, vector<16xi32>,
              %get3A_283 = arith.constant 32 : index
              %get3A_284 = tpu.vector_load %arg8[%get3A_283] {strides = array<i32>} : memref<256xi32, #tpu.memory_space<vmem>>, vector<16xi32>,
              %ge3A_285 = arith.constant 0 : i32
              %ge3A_286 = vector.broadcast %ge3A_285 : i32 to vector<16xi32>
              %ge3A_287 = arith.cmpi sge, %get3A_284, %ge3A_286 : vector<16xi32>
              %shift_right_arithmetic3A_288 = arith.constant 15 : i32
              %shift_right_arithmetic3A_289 = vector.broadcast %shift_right_arithmetic3A_288 : i32 to vector<16xi32>
              %shift_right_arithmetic3A_290 = arith.shrsi %get3A_284, %shift_right_arithmetic3A_289 : vector<16xi32>
              %jit3A_291 = arith.constant 8192 : i32
              %broadcast_in_dim3A_292 = vector.broadcast %jit3A_291 : i32 to vector<16xi32>
              %select_n3A_293 = arith.select %ge3A_287, %shift_right_arithmetic3A_290, %broadcast_in_dim3A_292 : vector<16xi1>, vector<16xi32>
              %and3A_294 = arith.constant 32767 : i32
              %and3A_295 = vector.broadcast %and3A_294 : i32 to vector<16xi32>
              %and3A_296 = arith.andi %get3A_284, %and3A_295 : vector<16xi32>
              %add3A_297 = vector.broadcast %mul3A_0 : i32 to vector<16xi32>
              %add3A_298 = arith.addi %add3A_297, %and3A_296 : vector<16xi32>
              %swap3A_299 = arith.constant 32 : index
              %swap3A_300 = tpu.vector_load %arg15[%swap3A_299] {strides = array<i32>} : memref<64xi32, #tpu.memory_space<vmem>>, vector<16xi32>,
              tpu.vector_store %arg15[%swap3A_299], %add3A_298 {strides = array<i32>} : memref<64xi32, #tpu.memory_space<vmem>>, vector<16xi32>,
              %swap3A_301 = arith.constant 32 : index
              %swap3A_302 = tpu.vector_load %arg17[%swap3A_301] {strides = array<i32>} : memref<128xi32, #tpu.memory_space<vmem>>, vector<16xi32>,
              tpu.vector_store %arg17[%swap3A_301], %select_n3A_293 {strides = array<i32>} : memref<128xi32, #tpu.memory_space<vmem>>, vector<16xi32>,
              %get3A_303 = arith.constant 48 : index
              %get3A_304 = tpu.vector_load %arg8[%get3A_303] {strides = array<i32>} : memref<256xi32, #tpu.memory_space<vmem>>, vector<16xi32>,
              %ge3A_305 = arith.constant 0 : i32
              %ge3A_306 = vector.broadcast %ge3A_305 : i32 to vector<16xi32>
              %ge3A_307 = arith.cmpi sge, %get3A_304, %ge3A_306 : vector<16xi32>
              %shift_right_arithmetic3A_308 = arith.constant 15 : i32
              %shift_right_arithmetic3A_309 = vector.broadcast %shift_right_arithmetic3A_308 : i32 to vector<16xi32>
              %shift_right_arithmetic3A_310 = arith.shrsi %get3A_304, %shift_right_arithmetic3A_309 : vector<16xi32>
              %jit3A_311 = arith.constant 8192 : i32
              %broadcast_in_dim3A_312 = vector.broadcast %jit3A_311 : i32 to vector<16xi32>
              %select_n3A_313 = arith.select %ge3A_307, %shift_right_arithmetic3A_310, %broadcast_in_dim3A_312 : vector<16xi1>, vector<16xi32>
              %and3A_314 = arith.constant 32767 : i32
              %and3A_315 = vector.broadcast %and3A_314 : i32 to vector<16xi32>
              %and3A_316 = arith.andi %get3A_304, %and3A_315 : vector<16xi32>
              %add3A_317 = vector.broadcast %mul3A_0 : i32 to vector<16xi32>
              %add3A_318 = arith.addi %add3A_317, %and3A_316 : vector<16xi32>
              %swap3A_319 = arith.constant 48 : index
              %swap3A_320 = tpu.vector_load %arg15[%swap3A_319] {strides = array<i32>} : memref<64xi32, #tpu.memory_space<vmem>>, vector<16xi32>,
              tpu.vector_store %arg15[%swap3A_319], %add3A_318 {strides = array<i32>} : memref<64xi32, #tpu.memory_space<vmem>>, vector<16xi32>,
              %swap3A_321 = arith.constant 48 : index
              %swap3A_322 = tpu.vector_load %arg17[%swap3A_321] {strides = array<i32>} : memref<128xi32, #tpu.memory_space<vmem>>, vector<16xi32>,
              tpu.vector_store %arg17[%swap3A_321], %select_n3A_313 {strides = array<i32>} : memref<128xi32, #tpu.memory_space<vmem>>, vector<16xi32>,
              %get3A_323 = arith.constant 64 : index
              %get3A_324 = tpu.vector_load %arg8[%get3A_323] {strides = array<i32>} : memref<256xi32, #tpu.memory_space<vmem>>, vector<16xi32>,
              %ge3A_325 = arith.constant 0 : i32
              %ge3A_326 = vector.broadcast %ge3A_325 : i32 to vector<16xi32>
              %ge3A_327 = arith.cmpi sge, %get3A_324, %ge3A_326 : vector<16xi32>
              %shift_right_arithmetic3A_328 = arith.constant 15 : i32
              %shift_right_arithmetic3A_329 = vector.broadcast %shift_right_arithmetic3A_328 : i32 to vector<16xi32>
              %shift_right_arithmetic3A_330 = arith.shrsi %get3A_324, %shift_right_arithmetic3A_329 : vector<16xi32>
              %jit3A_331 = arith.constant 8192 : i32
              %broadcast_in_dim3A_332 = vector.broadcast %jit3A_331 : i32 to vector<16xi32>
              %select_n3A_333 = arith.select %ge3A_327, %shift_right_arithmetic3A_330, %broadcast_in_dim3A_332 : vector<16xi1>, vector<16xi32>
              %and3A_334 = arith.constant 32767 : i32
              %and3A_335 = vector.broadcast %and3A_334 : i32 to vector<16xi32>
              %and3A_336 = arith.andi %get3A_324, %and3A_335 : vector<16xi32>
              %add3A_337 = vector.broadcast %mul3A_0 : i32 to vector<16xi32>
              %add3A_338 = arith.addi %add3A_337, %and3A_336 : vector<16xi32>
              %swap3A_339 = arith.constant 0 : index
              %swap3A_340 = tpu.vector_load %arg16[%swap3A_339] {strides = array<i32>} : memref<64xi32, #tpu.memory_space<vmem>>, vector<16xi32>,
              tpu.vector_store %arg16[%swap3A_339], %add3A_338 {strides = array<i32>} : memref<64xi32, #tpu.memory_space<vmem>>, vector<16xi32>,
              %swap3A_341 = arith.constant 64 : index
              %swap3A_342 = tpu.vector_load %arg17[%swap3A_341] {strides = array<i32>} : memref<128xi32, #tpu.memory_space<vmem>>, vector<16xi32>,
              tpu.vector_store %arg17[%swap3A_341], %select_n3A_333 {strides = array<i32>} : memref<128xi32, #tpu.memory_space<vmem>>, vector<16xi32>,
              %get3A_343 = arith.constant 80 : index
              %get3A_344 = tpu.vector_load %arg8[%get3A_343] {strides = array<i32>} : memref<256xi32, #tpu.memory_space<vmem>>, vector<16xi32>,
              %ge3A_345 = arith.constant 0 : i32
              %ge3A_346 = vector.broadcast %ge3A_345 : i32 to vector<16xi32>
              %ge3A_347 = arith.cmpi sge, %get3A_344, %ge3A_346 : vector<16xi32>
              %shift_right_arithmetic3A_348 = arith.constant 15 : i32
              %shift_right_arithmetic3A_349 = vector.broadcast %shift_right_arithmetic3A_348 : i32 to vector<16xi32>
              %shift_right_arithmetic3A_350 = arith.shrsi %get3A_344, %shift_right_arithmetic3A_349 : vector<16xi32>
              %jit3A_351 = arith.constant 8192 : i32
              %broadcast_in_dim3A_352 = vector.broadcast %jit3A_351 : i32 to vector<16xi32>
              %select_n3A_353 = arith.select %ge3A_347, %shift_right_arithmetic3A_350, %broadcast_in_dim3A_352 : vector<16xi1>, vector<16xi32>
              %and3A_354 = arith.constant 32767 : i32
              %and3A_355 = vector.broadcast %and3A_354 : i32 to vector<16xi32>
              %and3A_356 = arith.andi %get3A_344, %and3A_355 : vector<16xi32>
              %add3A_357 = vector.broadcast %mul3A_0 : i32 to vector<16xi32>
              %add3A_358 = arith.addi %add3A_357, %and3A_356 : vector<16xi32>
              %swap3A_359 = arith.constant 16 : index
              %swap3A_360 = tpu.vector_load %arg16[%swap3A_359] {strides = array<i32>} : memref<64xi32, #tpu.memory_space<vmem>>, vector<16xi32>,
              tpu.vector_store %arg16[%swap3A_359], %add3A_358 {strides = array<i32>} : memref<64xi32, #tpu.memory_space<vmem>>, vector<16xi32>,
              %swap3A_361 = arith.constant 80 : index
              %swap3A_362 = tpu.vector_load %arg17[%swap3A_361] {strides = array<i32>} : memref<128xi32, #tpu.memory_space<vmem>>, vector<16xi32>,
              tpu.vector_store %arg17[%swap3A_361], %select_n3A_353 {strides = array<i32>} : memref<128xi32, #tpu.memory_space<vmem>>, vector<16xi32>,
              %get3A_363 = arith.constant 96 : index
              %get3A_364 = tpu.vector_load %arg8[%get3A_363] {strides = array<i32>} : memref<256xi32, #tpu.memory_space<vmem>>, vector<16xi32>,
              %ge3A_365 = arith.constant 0 : i32
              %ge3A_366 = vector.broadcast %ge3A_365 : i32 to vector<16xi32>
              %ge3A_367 = arith.cmpi sge, %get3A_364, %ge3A_366 : vector<16xi32>
              %shift_right_arithmetic3A_368 = arith.constant 15 : i32
              %shift_right_arithmetic3A_369 = vector.broadcast %shift_right_arithmetic3A_368 : i32 to vector<16xi32>
              %shift_right_arithmetic3A_370 = arith.shrsi %get3A_364, %shift_right_arithmetic3A_369 : vector<16xi32>
              %jit3A_371 = arith.constant 8192 : i32
              %broadcast_in_dim3A_372 = vector.broadcast %jit3A_371 : i32 to vector<16xi32>
              %select_n3A_373 = arith.select %ge3A_367, %shift_right_arithmetic3A_370, %broadcast_in_dim3A_372 : vector<16xi1>, vector<16xi32>
              %and3A_374 = arith.constant 32767 : i32
              %and3A_375 = vector.broadcast %and3A_374 : i32 to vector<16xi32>
              %and3A_376 = arith.andi %get3A_364, %and3A_375 : vector<16xi32>
              %add3A_377 = vector.broadcast %mul3A_0 : i32 to vector<16xi32>
              %add3A_378 = arith.addi %add3A_377, %and3A_376 : vector<16xi32>
              %swap3A_379 = arith.constant 32 : index
              %swap3A_380 = tpu.vector_load %arg16[%swap3A_379] {strides = array<i32>} : memref<64xi32, #tpu.memory_space<vmem>>, vector<16xi32>,
              tpu.vector_store %arg16[%swap3A_379], %add3A_378 {strides = array<i32>} : memref<64xi32, #tpu.memory_space<vmem>>, vector<16xi32>,
              %swap3A_381 = arith.constant 96 : index
              %swap3A_382 = tpu.vector_load %arg17[%swap3A_381] {strides = array<i32>} : memref<128xi32, #tpu.memory_space<vmem>>, vector<16xi32>,
              tpu.vector_store %arg17[%swap3A_381], %select_n3A_373 {strides = array<i32>} : memref<128xi32, #tpu.memory_space<vmem>>, vector<16xi32>,
              %get3A_383 = arith.constant 112 : index
              %get3A_384 = tpu.vector_load %arg8[%get3A_383] {strides = array<i32>} : memref<256xi32, #tpu.memory_space<vmem>>, vector<16xi32>,
              %ge3A_385 = arith.constant 0 : i32
              %ge3A_386 = vector.broadcast %ge3A_385 : i32 to vector<16xi32>
              %ge3A_387 = arith.cmpi sge, %get3A_384, %ge3A_386 : vector<16xi32>
              %shift_right_arithmetic3A_388 = arith.constant 15 : i32
              %shift_right_arithmetic3A_389 = vector.broadcast %shift_right_arithmetic3A_388 : i32 to vector<16xi32>
              %shift_right_arithmetic3A_390 = arith.shrsi %get3A_384, %shift_right_arithmetic3A_389 : vector<16xi32>
              %jit3A_391 = arith.constant 8192 : i32
              %broadcast_in_dim3A_392 = vector.broadcast %jit3A_391 : i32 to vector<16xi32>
              %select_n3A_393 = arith.select %ge3A_387, %shift_right_arithmetic3A_390, %broadcast_in_dim3A_392 : vector<16xi1>, vector<16xi32>
              %and3A_394 = arith.constant 32767 : i32
              %and3A_395 = vector.broadcast %and3A_394 : i32 to vector<16xi32>
              %and3A_396 = arith.andi %get3A_384, %and3A_395 : vector<16xi32>
              %add3A_397 = vector.broadcast %mul3A_0 : i32 to vector<16xi32>
              %add3A_398 = arith.addi %add3A_397, %and3A_396 : vector<16xi32>
              %swap3A_399 = arith.constant 48 : index
              %swap3A_400 = tpu.vector_load %arg16[%swap3A_399] {strides = array<i32>} : memref<64xi32, #tpu.memory_space<vmem>>, vector<16xi32>,
              tpu.vector_store %arg16[%swap3A_399], %add3A_398 {strides = array<i32>} : memref<64xi32, #tpu.memory_space<vmem>>, vector<16xi32>,
              %swap3A_401 = arith.constant 112 : index
              %swap3A_402 = tpu.vector_load %arg17[%swap3A_401] {strides = array<i32>} : memref<128xi32, #tpu.memory_space<vmem>>, vector<16xi32>,
              tpu.vector_store %arg17[%swap3A_401], %select_n3A_393 {strides = array<i32>} : memref<128xi32, #tpu.memory_space<vmem>>, vector<16xi32>,
              %ge3A_403 = arith.constant 1 : i32
              %ge3A_404 = arith.cmpi sge, %while3A_173, %ge3A_403 : i32
              %convert_element_type3A_405 = arith.extui %ge3A_404 : i1 to i32
              %cond3A_406 = arith.constant 0 : i32
              %cond3A_407 = arith.cmpi ne, %convert_element_type3A_405, %cond3A_406 : i32
              scf.if %cond3A_407 {
                %dma_wait3A = arith.constant 0 : i32
                %dma_wait3A_420 = arith.constant 0 : i32
                %dma_wait3A_421 = tpu.memref_slice %arg14[%dma_wait3A, %dma_wait3A_420] : memref<128x96xf32, #tpu.memory_space<vmem>> -> memref<64x96xf32, #tpu.memory_space<vmem>>
                %dma_wait3A_422 = arith.constant 0 : i32
                %dma_wait3A_423 = arith.constant 0 : i32
                %dma_wait3A_424 = tpu.memref_slice %arg2[%dma_wait3A_422, %dma_wait3A_423] : memref<524288x96xf32, #tpu.memory_space<hbm>> -> memref<524288x96xf32, #tpu.memory_space<hbm>>
                tpu.wait_indirect_dma semaphore(%arg24 : memref<!tpu.dma_semaphore, #tpu.memory_space<semaphore_mem>>) src(%dma_wait3A_424 : memref<524288x96xf32, #tpu.memory_space<hbm>>) dst(%dma_wait3A_421 : memref<64x96xf32, #tpu.memory_space<vmem>>)
                %dma_wait3A_425 = arith.constant 64 : i32
                %dma_wait3A_426 = arith.constant 0 : i32
                %dma_wait3A_427 = tpu.memref_slice %arg14[%dma_wait3A_425, %dma_wait3A_426] : memref<128x96xf32, #tpu.memory_space<vmem>> -> memref<64x96xf32, #tpu.memory_space<vmem>>
                %dma_wait3A_428 = arith.constant 0 : i32
                %dma_wait3A_429 = arith.constant 0 : i32
                %dma_wait3A_430 = tpu.memref_slice %arg2[%dma_wait3A_428, %dma_wait3A_429] : memref<524288x96xf32, #tpu.memory_space<hbm>> -> memref<524288x96xf32, #tpu.memory_space<hbm>>
                tpu.wait_indirect_dma semaphore(%arg24 : memref<!tpu.dma_semaphore, #tpu.memory_space<semaphore_mem>>) src(%dma_wait3A_430 : memref<524288x96xf32, #tpu.memory_space<hbm>>) dst(%dma_wait3A_427 : memref<64x96xf32, #tpu.memory_space<vmem>>)
                %dma_start3A_431 = arith.constant 0 : i32
                %dma_start3A_432 = arith.constant 0 : i32
                %dma_start3A_433 = tpu.memref_slice %arg22[%dma_start3A_431, %dma_start3A_432] : memref<8200x96xf32, #tpu.memory_space<vmem_shared>> -> memref<8200x96xf32, #tpu.memory_space<vmem_shared>>
                tpu.enqueue_indirect_dma source(%arg14 : memref<128x96xf32, #tpu.memory_space<vmem>>) target(%dma_start3A_433 : memref<8200x96xf32, #tpu.memory_space<vmem_shared>>) offsets(%arg13 : memref<128xi32, #tpu.memory_space<vmem>>) semaphore(%arg25 : memref<!tpu.dma_semaphore, #tpu.memory_space<semaphore_mem>>) {add = true}
              } else {
              }
              %dma_start3A_408 = arith.constant 0 : i32
              %dma_start3A_409 = arith.constant 0 : i32
              %dma_start3A_410 = tpu.memref_slice %arg18[%dma_start3A_408, %dma_start3A_409] : memref<128x96xf32, #tpu.memory_space<vmem>> -> memref<64x96xf32, #tpu.memory_space<vmem>>
              %dma_start3A_411 = arith.constant 0 : i32
              %dma_start3A_412 = arith.constant 0 : i32
              %dma_start3A_413 = tpu.memref_slice %arg2[%dma_start3A_411, %dma_start3A_412] : memref<524288x96xf32, #tpu.memory_space<hbm>> -> memref<524288x96xf32, #tpu.memory_space<hbm>>
              tpu.enqueue_indirect_dma source(%dma_start3A_413 : memref<524288x96xf32, #tpu.memory_space<hbm>>) target(%dma_start3A_410 : memref<64x96xf32, #tpu.memory_space<vmem>>) offsets(%arg15 : memref<64xi32, #tpu.memory_space<vmem>>) semaphore(%arg24 : memref<!tpu.dma_semaphore, #tpu.memory_space<semaphore_mem>>)
              %dma_start3A_414 = arith.constant 64 : i32
              %dma_start3A_415 = arith.constant 0 : i32
              %dma_start3A_416 = tpu.memref_slice %arg18[%dma_start3A_414, %dma_start3A_415] : memref<128x96xf32, #tpu.memory_space<vmem>> -> memref<64x96xf32, #tpu.memory_space<vmem>>
              %dma_start3A_417 = arith.constant 0 : i32
              %dma_start3A_418 = arith.constant 0 : i32
              %dma_start3A_419 = tpu.memref_slice %arg2[%dma_start3A_417, %dma_start3A_418] : memref<524288x96xf32, #tpu.memory_space<hbm>> -> memref<524288x96xf32, #tpu.memory_space<hbm>>
              tpu.enqueue_indirect_dma source(%dma_start3A_419 : memref<524288x96xf32, #tpu.memory_space<hbm>>) target(%dma_start3A_416 : memref<64x96xf32, #tpu.memory_space<vmem>>) offsets(%arg16 : memref<64xi32, #tpu.memory_space<vmem>>) semaphore(%arg24 : memref<!tpu.dma_semaphore, #tpu.memory_space<semaphore_mem>>)
            } else {
            }
            %get3A_236 = arith.constant 128 : index
            %get3A_237 = tpu.vector_load %arg8[%get3A_236] {strides = array<i32>} : memref<256xi32, #tpu.memory_space<vmem>>, vector<16xi32>,
            %swap3A = arith.constant 0 : index
            %swap3A_238 = tpu.vector_load %arg8[%swap3A] {strides = array<i32>} : memref<256xi32, #tpu.memory_space<vmem>>, vector<16xi32>,
            tpu.vector_store %arg8[%swap3A], %get3A_237 {strides = array<i32>} : memref<256xi32, #tpu.memory_space<vmem>>, vector<16xi32>,
          } else {
          }
          %sub3A_221 = arith.constant 128 : i32
          %sub3A_222 = arith.subi %add3A_215, %sub3A_221 : i32
          %select_n3A = arith.select %ge3A_217, %sub3A_222, %add3A_215 : i32
          %convert_element_type3A_223 = arith.extui %ge3A_217 : i1 to i32
          %add3A_224 = arith.addi %while3A_173, %convert_element_type3A_223 : i32
          scf.yield %select_n3A, %add3A_224 : i32, i32
        }
        %scan3A_122 = arith.constant 0 : i32
        %scan3A_123 = arith.constant 0 : i32
        %scan3A_124 = arith.constant 8 : i32
        %scan3A_125 = arith.addi %scan3A_123, %scan3A_124 : i32
        %scan3A_126 = arith.constant 1 : i32
        %scan3A_127 = scf.for %scan3A_171 = %scan3A_123 to %scan3A_125 step %scan3A_126 iter_args(%scan3A_172 = %scan3A_122) -> (i32)  : i32 {
          %mul3A_173 = arith.constant 16 : i32
          %mul3A_174 = arith.muli %scan3A_171, %mul3A_173 : i32
          %add3A_175 = arith.addi %while3A_121#0, %mul3A_174 : i32
          %add3A_176 = vector.broadcast %add3A_175 : i32 to vector<16xi32>
          %add3A_177 = arith.addi %add3A_176, %iota3A : vector<16xi32>
          tpu.vector_store_idx %arg8[%add3A_177], %broadcast_in_dim3A_5 : memref<256xi32, #tpu.memory_space<vmem>>[vector<16xi32>], vector<16xi32>,
          %scan3A_178 = arith.constant 0 : i32
          scf.yield %scan3A_178 : i32
        }
        %scan3A_128 = arith.constant 8 : i32
        %gt3A = arith.constant 0 : i32
        %gt3A_129 = arith.cmpi sgt, %while3A_121#0, %gt3A : i32
        %convert_element_type3A = arith.extui %gt3A_129 : i1 to i32
        %cond3A = arith.constant 0 : i32
        %cond3A_130 = arith.cmpi ne, %convert_element_type3A, %cond3A : i32
        scf.if %cond3A_130 {
          %and3A_171 = arith.constant 1 : i32
          %and3A_172 = arith.andi %while3A_121#1, %and3A_171 : i32
          %eq3A_173 = arith.constant 0 : i32
          %eq3A_174 = arith.cmpi eq, %and3A_172, %eq3A_173 : i32
          %convert_element_type3A_175 = arith.extui %eq3A_174 : i1 to i32
          %cond3A_176 = arith.constant 0 : i32
          %cond3A_177 = arith.cmpi ne, %convert_element_type3A_175, %cond3A_176 : i32
          scf.if %cond3A_177 {
            %ge3A_182 = arith.constant 2 : i32
            %ge3A_183 = arith.cmpi sge, %while3A_121#1, %ge3A_182 : i32
            %convert_element_type3A_184 = arith.extui %ge3A_183 : i1 to i32
            %cond3A_185 = arith.constant 0 : i32
            %cond3A_186 = arith.cmpi ne, %convert_element_type3A_184, %cond3A_185 : i32
            scf.if %cond3A_186 {
              %dma_wait3A = arith.constant 0 : i32
              %dma_wait3A_360 = arith.constant 0 : i32
              %dma_wait3A_361 = tpu.memref_slice %arg22[%dma_wait3A, %dma_wait3A_360] : memref<8200x96xf32, #tpu.memory_space<vmem_shared>> -> memref<8200x96xf32, #tpu.memory_space<vmem_shared>>
              tpu.wait_indirect_dma semaphore(%arg25 : memref<!tpu.dma_semaphore, #tpu.memory_space<semaphore_mem>>) src(%arg14 : memref<128x96xf32, #tpu.memory_space<vmem>>) dst(%dma_wait3A_361 : memref<8200x96xf32, #tpu.memory_space<vmem_shared>>)
            } else {
            }
            %get3A = arith.constant 0 : index
            %get3A_187 = tpu.vector_load %arg8[%get3A] {strides = array<i32>} : memref<256xi32, #tpu.memory_space<vmem>>, vector<16xi32>,
            %ge3A_188 = arith.constant 0 : i32
            %ge3A_189 = vector.broadcast %ge3A_188 : i32 to vector<16xi32>
            %ge3A_190 = arith.cmpi sge, %get3A_187, %ge3A_189 : vector<16xi32>
            %shift_right_arithmetic3A_191 = arith.constant 15 : i32
            %shift_right_arithmetic3A_192 = vector.broadcast %shift_right_arithmetic3A_191 : i32 to vector<16xi32>
            %shift_right_arithmetic3A_193 = arith.shrsi %get3A_187, %shift_right_arithmetic3A_192 : vector<16xi32>
            %jit3A = arith.constant 8192 : i32
            %broadcast_in_dim3A_194 = vector.broadcast %jit3A : i32 to vector<16xi32>
            %select_n3A = arith.select %ge3A_190, %shift_right_arithmetic3A_193, %broadcast_in_dim3A_194 : vector<16xi1>, vector<16xi32>
            %and3A_195 = arith.constant 32767 : i32
            %and3A_196 = vector.broadcast %and3A_195 : i32 to vector<16xi32>
            %and3A_197 = arith.andi %get3A_187, %and3A_196 : vector<16xi32>
            %add3A_198 = vector.broadcast %mul3A_0 : i32 to vector<16xi32>
            %add3A_199 = arith.addi %add3A_198, %and3A_197 : vector<16xi32>
            %swap3A = arith.constant 0 : index
            %swap3A_200 = tpu.vector_load %arg11[%swap3A] {strides = array<i32>} : memref<64xi32, #tpu.memory_space<vmem>>, vector<16xi32>,
            tpu.vector_store %arg11[%swap3A], %add3A_199 {strides = array<i32>} : memref<64xi32, #tpu.memory_space<vmem>>, vector<16xi32>,
            %swap3A_201 = arith.constant 0 : index
            %swap3A_202 = tpu.vector_load %arg13[%swap3A_201] {strides = array<i32>} : memref<128xi32, #tpu.memory_space<vmem>>, vector<16xi32>,
            tpu.vector_store %arg13[%swap3A_201], %select_n3A {strides = array<i32>} : memref<128xi32, #tpu.memory_space<vmem>>, vector<16xi32>,
            %get3A_203 = arith.constant 16 : index
            %get3A_204 = tpu.vector_load %arg8[%get3A_203] {strides = array<i32>} : memref<256xi32, #tpu.memory_space<vmem>>, vector<16xi32>,
            %ge3A_205 = arith.constant 0 : i32
            %ge3A_206 = vector.broadcast %ge3A_205 : i32 to vector<16xi32>
            %ge3A_207 = arith.cmpi sge, %get3A_204, %ge3A_206 : vector<16xi32>
            %shift_right_arithmetic3A_208 = arith.constant 15 : i32
            %shift_right_arithmetic3A_209 = vector.broadcast %shift_right_arithmetic3A_208 : i32 to vector<16xi32>
            %shift_right_arithmetic3A_210 = arith.shrsi %get3A_204, %shift_right_arithmetic3A_209 : vector<16xi32>
            %jit3A_211 = arith.constant 8192 : i32
            %broadcast_in_dim3A_212 = vector.broadcast %jit3A_211 : i32 to vector<16xi32>
            %select_n3A_213 = arith.select %ge3A_207, %shift_right_arithmetic3A_210, %broadcast_in_dim3A_212 : vector<16xi1>, vector<16xi32>
            %and3A_214 = arith.constant 32767 : i32
            %and3A_215 = vector.broadcast %and3A_214 : i32 to vector<16xi32>
            %and3A_216 = arith.andi %get3A_204, %and3A_215 : vector<16xi32>
            %add3A_217 = vector.broadcast %mul3A_0 : i32 to vector<16xi32>
            %add3A_218 = arith.addi %add3A_217, %and3A_216 : vector<16xi32>
            %swap3A_219 = arith.constant 16 : index
            %swap3A_220 = tpu.vector_load %arg11[%swap3A_219] {strides = array<i32>} : memref<64xi32, #tpu.memory_space<vmem>>, vector<16xi32>,
            tpu.vector_store %arg11[%swap3A_219], %add3A_218 {strides = array<i32>} : memref<64xi32, #tpu.memory_space<vmem>>, vector<16xi32>,
            %swap3A_221 = arith.constant 16 : index
            %swap3A_222 = tpu.vector_load %arg13[%swap3A_221] {strides = array<i32>} : memref<128xi32, #tpu.memory_space<vmem>>, vector<16xi32>,
            tpu.vector_store %arg13[%swap3A_221], %select_n3A_213 {strides = array<i32>} : memref<128xi32, #tpu.memory_space<vmem>>, vector<16xi32>,
            %get3A_223 = arith.constant 32 : index
            %get3A_224 = tpu.vector_load %arg8[%get3A_223] {strides = array<i32>} : memref<256xi32, #tpu.memory_space<vmem>>, vector<16xi32>,
            %ge3A_225 = arith.constant 0 : i32
            %ge3A_226 = vector.broadcast %ge3A_225 : i32 to vector<16xi32>
            %ge3A_227 = arith.cmpi sge, %get3A_224, %ge3A_226 : vector<16xi32>
            %shift_right_arithmetic3A_228 = arith.constant 15 : i32
            %shift_right_arithmetic3A_229 = vector.broadcast %shift_right_arithmetic3A_228 : i32 to vector<16xi32>
            %shift_right_arithmetic3A_230 = arith.shrsi %get3A_224, %shift_right_arithmetic3A_229 : vector<16xi32>
            %jit3A_231 = arith.constant 8192 : i32
            %broadcast_in_dim3A_232 = vector.broadcast %jit3A_231 : i32 to vector<16xi32>
            %select_n3A_233 = arith.select %ge3A_227, %shift_right_arithmetic3A_230, %broadcast_in_dim3A_232 : vector<16xi1>, vector<16xi32>
            %and3A_234 = arith.constant 32767 : i32
            %and3A_235 = vector.broadcast %and3A_234 : i32 to vector<16xi32>
            %and3A_236 = arith.andi %get3A_224, %and3A_235 : vector<16xi32>
            %add3A_237 = vector.broadcast %mul3A_0 : i32 to vector<16xi32>
            %add3A_238 = arith.addi %add3A_237, %and3A_236 : vector<16xi32>
            %swap3A_239 = arith.constant 32 : index
            %swap3A_240 = tpu.vector_load %arg11[%swap3A_239] {strides = array<i32>} : memref<64xi32, #tpu.memory_space<vmem>>, vector<16xi32>,
            tpu.vector_store %arg11[%swap3A_239], %add3A_238 {strides = array<i32>} : memref<64xi32, #tpu.memory_space<vmem>>, vector<16xi32>,
            %swap3A_241 = arith.constant 32 : index
            %swap3A_242 = tpu.vector_load %arg13[%swap3A_241] {strides = array<i32>} : memref<128xi32, #tpu.memory_space<vmem>>, vector<16xi32>,
            tpu.vector_store %arg13[%swap3A_241], %select_n3A_233 {strides = array<i32>} : memref<128xi32, #tpu.memory_space<vmem>>, vector<16xi32>,
            %get3A_243 = arith.constant 48 : index
            %get3A_244 = tpu.vector_load %arg8[%get3A_243] {strides = array<i32>} : memref<256xi32, #tpu.memory_space<vmem>>, vector<16xi32>,
            %ge3A_245 = arith.constant 0 : i32
            %ge3A_246 = vector.broadcast %ge3A_245 : i32 to vector<16xi32>
            %ge3A_247 = arith.cmpi sge, %get3A_244, %ge3A_246 : vector<16xi32>
            %shift_right_arithmetic3A_248 = arith.constant 15 : i32
            %shift_right_arithmetic3A_249 = vector.broadcast %shift_right_arithmetic3A_248 : i32 to vector<16xi32>
            %shift_right_arithmetic3A_250 = arith.shrsi %get3A_244, %shift_right_arithmetic3A_249 : vector<16xi32>
            %jit3A_251 = arith.constant 8192 : i32
            %broadcast_in_dim3A_252 = vector.broadcast %jit3A_251 : i32 to vector<16xi32>
            %select_n3A_253 = arith.select %ge3A_247, %shift_right_arithmetic3A_250, %broadcast_in_dim3A_252 : vector<16xi1>, vector<16xi32>
            %and3A_254 = arith.constant 32767 : i32
            %and3A_255 = vector.broadcast %and3A_254 : i32 to vector<16xi32>
            %and3A_256 = arith.andi %get3A_244, %and3A_255 : vector<16xi32>
            %add3A_257 = vector.broadcast %mul3A_0 : i32 to vector<16xi32>
            %add3A_258 = arith.addi %add3A_257, %and3A_256 : vector<16xi32>
            %swap3A_259 = arith.constant 48 : index
            %swap3A_260 = tpu.vector_load %arg11[%swap3A_259] {strides = array<i32>} : memref<64xi32, #tpu.memory_space<vmem>>, vector<16xi32>,
            tpu.vector_store %arg11[%swap3A_259], %add3A_258 {strides = array<i32>} : memref<64xi32, #tpu.memory_space<vmem>>, vector<16xi32>,
            %swap3A_261 = arith.constant 48 : index
            %swap3A_262 = tpu.vector_load %arg13[%swap3A_261] {strides = array<i32>} : memref<128xi32, #tpu.memory_space<vmem>>, vector<16xi32>,
            tpu.vector_store %arg13[%swap3A_261], %select_n3A_253 {strides = array<i32>} : memref<128xi32, #tpu.memory_space<vmem>>, vector<16xi32>,
            %get3A_263 = arith.constant 64 : index
            %get3A_264 = tpu.vector_load %arg8[%get3A_263] {strides = array<i32>} : memref<256xi32, #tpu.memory_space<vmem>>, vector<16xi32>,
            %ge3A_265 = arith.constant 0 : i32
            %ge3A_266 = vector.broadcast %ge3A_265 : i32 to vector<16xi32>
            %ge3A_267 = arith.cmpi sge, %get3A_264, %ge3A_266 : vector<16xi32>
            %shift_right_arithmetic3A_268 = arith.constant 15 : i32
            %shift_right_arithmetic3A_269 = vector.broadcast %shift_right_arithmetic3A_268 : i32 to vector<16xi32>
            %shift_right_arithmetic3A_270 = arith.shrsi %get3A_264, %shift_right_arithmetic3A_269 : vector<16xi32>
            %jit3A_271 = arith.constant 8192 : i32
            %broadcast_in_dim3A_272 = vector.broadcast %jit3A_271 : i32 to vector<16xi32>
            %select_n3A_273 = arith.select %ge3A_267, %shift_right_arithmetic3A_270, %broadcast_in_dim3A_272 : vector<16xi1>, vector<16xi32>
            %and3A_274 = arith.constant 32767 : i32
            %and3A_275 = vector.broadcast %and3A_274 : i32 to vector<16xi32>
            %and3A_276 = arith.andi %get3A_264, %and3A_275 : vector<16xi32>
            %add3A_277 = vector.broadcast %mul3A_0 : i32 to vector<16xi32>
            %add3A_278 = arith.addi %add3A_277, %and3A_276 : vector<16xi32>
            %swap3A_279 = arith.constant 0 : index
            %swap3A_280 = tpu.vector_load %arg12[%swap3A_279] {strides = array<i32>} : memref<64xi32, #tpu.memory_space<vmem>>, vector<16xi32>,
            tpu.vector_store %arg12[%swap3A_279], %add3A_278 {strides = array<i32>} : memref<64xi32, #tpu.memory_space<vmem>>, vector<16xi32>,
            %swap3A_281 = arith.constant 64 : index
            %swap3A_282 = tpu.vector_load %arg13[%swap3A_281] {strides = array<i32>} : memref<128xi32, #tpu.memory_space<vmem>>, vector<16xi32>,
            tpu.vector_store %arg13[%swap3A_281], %select_n3A_273 {strides = array<i32>} : memref<128xi32, #tpu.memory_space<vmem>>, vector<16xi32>,
            %get3A_283 = arith.constant 80 : index
            %get3A_284 = tpu.vector_load %arg8[%get3A_283] {strides = array<i32>} : memref<256xi32, #tpu.memory_space<vmem>>, vector<16xi32>,
            %ge3A_285 = arith.constant 0 : i32
            %ge3A_286 = vector.broadcast %ge3A_285 : i32 to vector<16xi32>
            %ge3A_287 = arith.cmpi sge, %get3A_284, %ge3A_286 : vector<16xi32>
            %shift_right_arithmetic3A_288 = arith.constant 15 : i32
            %shift_right_arithmetic3A_289 = vector.broadcast %shift_right_arithmetic3A_288 : i32 to vector<16xi32>
            %shift_right_arithmetic3A_290 = arith.shrsi %get3A_284, %shift_right_arithmetic3A_289 : vector<16xi32>
            %jit3A_291 = arith.constant 8192 : i32
            %broadcast_in_dim3A_292 = vector.broadcast %jit3A_291 : i32 to vector<16xi32>
            %select_n3A_293 = arith.select %ge3A_287, %shift_right_arithmetic3A_290, %broadcast_in_dim3A_292 : vector<16xi1>, vector<16xi32>
            %and3A_294 = arith.constant 32767 : i32
            %and3A_295 = vector.broadcast %and3A_294 : i32 to vector<16xi32>
            %and3A_296 = arith.andi %get3A_284, %and3A_295 : vector<16xi32>
            %add3A_297 = vector.broadcast %mul3A_0 : i32 to vector<16xi32>
            %add3A_298 = arith.addi %add3A_297, %and3A_296 : vector<16xi32>
            %swap3A_299 = arith.constant 16 : index
            %swap3A_300 = tpu.vector_load %arg12[%swap3A_299] {strides = array<i32>} : memref<64xi32, #tpu.memory_space<vmem>>, vector<16xi32>,
            tpu.vector_store %arg12[%swap3A_299], %add3A_298 {strides = array<i32>} : memref<64xi32, #tpu.memory_space<vmem>>, vector<16xi32>,
            %swap3A_301 = arith.constant 80 : index
            %swap3A_302 = tpu.vector_load %arg13[%swap3A_301] {strides = array<i32>} : memref<128xi32, #tpu.memory_space<vmem>>, vector<16xi32>,
            tpu.vector_store %arg13[%swap3A_301], %select_n3A_293 {strides = array<i32>} : memref<128xi32, #tpu.memory_space<vmem>>, vector<16xi32>,
            %get3A_303 = arith.constant 96 : index
            %get3A_304 = tpu.vector_load %arg8[%get3A_303] {strides = array<i32>} : memref<256xi32, #tpu.memory_space<vmem>>, vector<16xi32>,
            %ge3A_305 = arith.constant 0 : i32
            %ge3A_306 = vector.broadcast %ge3A_305 : i32 to vector<16xi32>
            %ge3A_307 = arith.cmpi sge, %get3A_304, %ge3A_306 : vector<16xi32>
            %shift_right_arithmetic3A_308 = arith.constant 15 : i32
            %shift_right_arithmetic3A_309 = vector.broadcast %shift_right_arithmetic3A_308 : i32 to vector<16xi32>
            %shift_right_arithmetic3A_310 = arith.shrsi %get3A_304, %shift_right_arithmetic3A_309 : vector<16xi32>
            %jit3A_311 = arith.constant 8192 : i32
            %broadcast_in_dim3A_312 = vector.broadcast %jit3A_311 : i32 to vector<16xi32>
            %select_n3A_313 = arith.select %ge3A_307, %shift_right_arithmetic3A_310, %broadcast_in_dim3A_312 : vector<16xi1>, vector<16xi32>
            %and3A_314 = arith.constant 32767 : i32
            %and3A_315 = vector.broadcast %and3A_314 : i32 to vector<16xi32>
            %and3A_316 = arith.andi %get3A_304, %and3A_315 : vector<16xi32>
            %add3A_317 = vector.broadcast %mul3A_0 : i32 to vector<16xi32>
            %add3A_318 = arith.addi %add3A_317, %and3A_316 : vector<16xi32>
            %swap3A_319 = arith.constant 32 : index
            %swap3A_320 = tpu.vector_load %arg12[%swap3A_319] {strides = array<i32>} : memref<64xi32, #tpu.memory_space<vmem>>, vector<16xi32>,
            tpu.vector_store %arg12[%swap3A_319], %add3A_318 {strides = array<i32>} : memref<64xi32, #tpu.memory_space<vmem>>, vector<16xi32>,
            %swap3A_321 = arith.constant 96 : index
            %swap3A_322 = tpu.vector_load %arg13[%swap3A_321] {strides = array<i32>} : memref<128xi32, #tpu.memory_space<vmem>>, vector<16xi32>,
            tpu.vector_store %arg13[%swap3A_321], %select_n3A_313 {strides = array<i32>} : memref<128xi32, #tpu.memory_space<vmem>>, vector<16xi32>,
            %get3A_323 = arith.constant 112 : index
            %get3A_324 = tpu.vector_load %arg8[%get3A_323] {strides = array<i32>} : memref<256xi32, #tpu.memory_space<vmem>>, vector<16xi32>,
            %ge3A_325 = arith.constant 0 : i32
            %ge3A_326 = vector.broadcast %ge3A_325 : i32 to vector<16xi32>
            %ge3A_327 = arith.cmpi sge, %get3A_324, %ge3A_326 : vector<16xi32>
            %shift_right_arithmetic3A_328 = arith.constant 15 : i32
            %shift_right_arithmetic3A_329 = vector.broadcast %shift_right_arithmetic3A_328 : i32 to vector<16xi32>
            %shift_right_arithmetic3A_330 = arith.shrsi %get3A_324, %shift_right_arithmetic3A_329 : vector<16xi32>
            %jit3A_331 = arith.constant 8192 : i32
            %broadcast_in_dim3A_332 = vector.broadcast %jit3A_331 : i32 to vector<16xi32>
            %select_n3A_333 = arith.select %ge3A_327, %shift_right_arithmetic3A_330, %broadcast_in_dim3A_332 : vector<16xi1>, vector<16xi32>
            %and3A_334 = arith.constant 32767 : i32
            %and3A_335 = vector.broadcast %and3A_334 : i32 to vector<16xi32>
            %and3A_336 = arith.andi %get3A_324, %and3A_335 : vector<16xi32>
            %add3A_337 = vector.broadcast %mul3A_0 : i32 to vector<16xi32>
            %add3A_338 = arith.addi %add3A_337, %and3A_336 : vector<16xi32>
            %swap3A_339 = arith.constant 48 : index
            %swap3A_340 = tpu.vector_load %arg12[%swap3A_339] {strides = array<i32>} : memref<64xi32, #tpu.memory_space<vmem>>, vector<16xi32>,
            tpu.vector_store %arg12[%swap3A_339], %add3A_338 {strides = array<i32>} : memref<64xi32, #tpu.memory_space<vmem>>, vector<16xi32>,
            %swap3A_341 = arith.constant 112 : index
            %swap3A_342 = tpu.vector_load %arg13[%swap3A_341] {strides = array<i32>} : memref<128xi32, #tpu.memory_space<vmem>>, vector<16xi32>,
            tpu.vector_store %arg13[%swap3A_341], %select_n3A_333 {strides = array<i32>} : memref<128xi32, #tpu.memory_space<vmem>>, vector<16xi32>,
            %ge3A_343 = arith.constant 1 : i32
            %ge3A_344 = arith.cmpi sge, %while3A_121#1, %ge3A_343 : i32
            %convert_element_type3A_345 = arith.extui %ge3A_344 : i1 to i32
            %cond3A_346 = arith.constant 0 : i32
            %cond3A_347 = arith.cmpi ne, %convert_element_type3A_345, %cond3A_346 : i32
            scf.if %cond3A_347 {
              %dma_wait3A = arith.constant 0 : i32
              %dma_wait3A_360 = arith.constant 0 : i32
              %dma_wait3A_361 = tpu.memref_slice %arg18[%dma_wait3A, %dma_wait3A_360] : memref<128x96xf32, #tpu.memory_space<vmem>> -> memref<64x96xf32, #tpu.memory_space<vmem>>
              %dma_wait3A_362 = arith.constant 0 : i32
              %dma_wait3A_363 = arith.constant 0 : i32
              %dma_wait3A_364 = tpu.memref_slice %arg2[%dma_wait3A_362, %dma_wait3A_363] : memref<524288x96xf32, #tpu.memory_space<hbm>> -> memref<524288x96xf32, #tpu.memory_space<hbm>>
              tpu.wait_indirect_dma semaphore(%arg24 : memref<!tpu.dma_semaphore, #tpu.memory_space<semaphore_mem>>) src(%dma_wait3A_364 : memref<524288x96xf32, #tpu.memory_space<hbm>>) dst(%dma_wait3A_361 : memref<64x96xf32, #tpu.memory_space<vmem>>)
              %dma_wait3A_365 = arith.constant 64 : i32
              %dma_wait3A_366 = arith.constant 0 : i32
              %dma_wait3A_367 = tpu.memref_slice %arg18[%dma_wait3A_365, %dma_wait3A_366] : memref<128x96xf32, #tpu.memory_space<vmem>> -> memref<64x96xf32, #tpu.memory_space<vmem>>
              %dma_wait3A_368 = arith.constant 0 : i32
              %dma_wait3A_369 = arith.constant 0 : i32
              %dma_wait3A_370 = tpu.memref_slice %arg2[%dma_wait3A_368, %dma_wait3A_369] : memref<524288x96xf32, #tpu.memory_space<hbm>> -> memref<524288x96xf32, #tpu.memory_space<hbm>>
              tpu.wait_indirect_dma semaphore(%arg24 : memref<!tpu.dma_semaphore, #tpu.memory_space<semaphore_mem>>) src(%dma_wait3A_370 : memref<524288x96xf32, #tpu.memory_space<hbm>>) dst(%dma_wait3A_367 : memref<64x96xf32, #tpu.memory_space<vmem>>)
              %dma_start3A_371 = arith.constant 0 : i32
              %dma_start3A_372 = arith.constant 0 : i32
              %dma_start3A_373 = tpu.memref_slice %arg22[%dma_start3A_371, %dma_start3A_372] : memref<8200x96xf32, #tpu.memory_space<vmem_shared>> -> memref<8200x96xf32, #tpu.memory_space<vmem_shared>>
              tpu.enqueue_indirect_dma source(%arg18 : memref<128x96xf32, #tpu.memory_space<vmem>>) target(%dma_start3A_373 : memref<8200x96xf32, #tpu.memory_space<vmem_shared>>) offsets(%arg17 : memref<128xi32, #tpu.memory_space<vmem>>) semaphore(%arg25 : memref<!tpu.dma_semaphore, #tpu.memory_space<semaphore_mem>>) {add = true}
            } else {
            }
            %dma_start3A_348 = arith.constant 0 : i32
            %dma_start3A_349 = arith.constant 0 : i32
            %dma_start3A_350 = tpu.memref_slice %arg14[%dma_start3A_348, %dma_start3A_349] : memref<128x96xf32, #tpu.memory_space<vmem>> -> memref<64x96xf32, #tpu.memory_space<vmem>>
            %dma_start3A_351 = arith.constant 0 : i32
            %dma_start3A_352 = arith.constant 0 : i32
            %dma_start3A_353 = tpu.memref_slice %arg2[%dma_start3A_351, %dma_start3A_352] : memref<524288x96xf32, #tpu.memory_space<hbm>> -> memref<524288x96xf32, #tpu.memory_space<hbm>>
            tpu.enqueue_indirect_dma source(%dma_start3A_353 : memref<524288x96xf32, #tpu.memory_space<hbm>>) target(%dma_start3A_350 : memref<64x96xf32, #tpu.memory_space<vmem>>) offsets(%arg11 : memref<64xi32, #tpu.memory_space<vmem>>) semaphore(%arg24 : memref<!tpu.dma_semaphore, #tpu.memory_space<semaphore_mem>>)
            %dma_start3A_354 = arith.constant 64 : i32
            %dma_start3A_355 = arith.constant 0 : i32
            %dma_start3A_356 = tpu.memref_slice %arg14[%dma_start3A_354, %dma_start3A_355] : memref<128x96xf32, #tpu.memory_space<vmem>> -> memref<64x96xf32, #tpu.memory_space<vmem>>
            %dma_start3A_357 = arith.constant 0 : i32
            %dma_start3A_358 = arith.constant 0 : i32
            %dma_start3A_359 = tpu.memref_slice %arg2[%dma_start3A_357, %dma_start3A_358] : memref<524288x96xf32, #tpu.memory_space<hbm>> -> memref<524288x96xf32, #tpu.memory_space<hbm>>
            tpu.enqueue_indirect_dma source(%dma_start3A_359 : memref<524288x96xf32, #tpu.memory_space<hbm>>) target(%dma_start3A_356 : memref<64x96xf32, #tpu.memory_space<vmem>>) offsets(%arg12 : memref<64xi32, #tpu.memory_space<vmem>>) semaphore(%arg24 : memref<!tpu.dma_semaphore, #tpu.memory_space<semaphore_mem>>)
          } else {
          }
          %not3A = arith.constant true
          %not3A_178 = arith.xori %eq3A_174, %not3A : i1
          %convert_element_type3A_179 = arith.extui %not3A_178 : i1 to i32
          %cond3A_180 = arith.constant 0 : i32
          %cond3A_181 = arith.cmpi ne, %convert_element_type3A_179, %cond3A_180 : i32
          scf.if %cond3A_181 {
            %ge3A_182 = arith.constant 2 : i32
            %ge3A_183 = arith.cmpi sge, %while3A_121#1, %ge3A_182 : i32
            %convert_element_type3A_184 = arith.extui %ge3A_183 : i1 to i32
            %cond3A_185 = arith.constant 0 : i32
            %cond3A_186 = arith.cmpi ne, %convert_element_type3A_184, %cond3A_185 : i32
            scf.if %cond3A_186 {
              %dma_wait3A = arith.constant 0 : i32
              %dma_wait3A_360 = arith.constant 0 : i32
              %dma_wait3A_361 = tpu.memref_slice %arg22[%dma_wait3A, %dma_wait3A_360] : memref<8200x96xf32, #tpu.memory_space<vmem_shared>> -> memref<8200x96xf32, #tpu.memory_space<vmem_shared>>
              tpu.wait_indirect_dma semaphore(%arg25 : memref<!tpu.dma_semaphore, #tpu.memory_space<semaphore_mem>>) src(%arg18 : memref<128x96xf32, #tpu.memory_space<vmem>>) dst(%dma_wait3A_361 : memref<8200x96xf32, #tpu.memory_space<vmem_shared>>)
            } else {
            }
            %get3A = arith.constant 0 : index
            %get3A_187 = tpu.vector_load %arg8[%get3A] {strides = array<i32>} : memref<256xi32, #tpu.memory_space<vmem>>, vector<16xi32>,
            %ge3A_188 = arith.constant 0 : i32
            %ge3A_189 = vector.broadcast %ge3A_188 : i32 to vector<16xi32>
            %ge3A_190 = arith.cmpi sge, %get3A_187, %ge3A_189 : vector<16xi32>
            %shift_right_arithmetic3A_191 = arith.constant 15 : i32
            %shift_right_arithmetic3A_192 = vector.broadcast %shift_right_arithmetic3A_191 : i32 to vector<16xi32>
            %shift_right_arithmetic3A_193 = arith.shrsi %get3A_187, %shift_right_arithmetic3A_192 : vector<16xi32>
            %jit3A = arith.constant 8192 : i32
            %broadcast_in_dim3A_194 = vector.broadcast %jit3A : i32 to vector<16xi32>
            %select_n3A = arith.select %ge3A_190, %shift_right_arithmetic3A_193, %broadcast_in_dim3A_194 : vector<16xi1>, vector<16xi32>
            %and3A_195 = arith.constant 32767 : i32
            %and3A_196 = vector.broadcast %and3A_195 : i32 to vector<16xi32>
            %and3A_197 = arith.andi %get3A_187, %and3A_196 : vector<16xi32>
            %add3A_198 = vector.broadcast %mul3A_0 : i32 to vector<16xi32>
            %add3A_199 = arith.addi %add3A_198, %and3A_197 : vector<16xi32>
            %swap3A = arith.constant 0 : index
            %swap3A_200 = tpu.vector_load %arg15[%swap3A] {strides = array<i32>} : memref<64xi32, #tpu.memory_space<vmem>>, vector<16xi32>,
            tpu.vector_store %arg15[%swap3A], %add3A_199 {strides = array<i32>} : memref<64xi32, #tpu.memory_space<vmem>>, vector<16xi32>,
            %swap3A_201 = arith.constant 0 : index
            %swap3A_202 = tpu.vector_load %arg17[%swap3A_201] {strides = array<i32>} : memref<128xi32, #tpu.memory_space<vmem>>, vector<16xi32>,
            tpu.vector_store %arg17[%swap3A_201], %select_n3A {strides = array<i32>} : memref<128xi32, #tpu.memory_space<vmem>>, vector<16xi32>,
            %get3A_203 = arith.constant 16 : index
            %get3A_204 = tpu.vector_load %arg8[%get3A_203] {strides = array<i32>} : memref<256xi32, #tpu.memory_space<vmem>>, vector<16xi32>,
            %ge3A_205 = arith.constant 0 : i32
            %ge3A_206 = vector.broadcast %ge3A_205 : i32 to vector<16xi32>
            %ge3A_207 = arith.cmpi sge, %get3A_204, %ge3A_206 : vector<16xi32>
            %shift_right_arithmetic3A_208 = arith.constant 15 : i32
            %shift_right_arithmetic3A_209 = vector.broadcast %shift_right_arithmetic3A_208 : i32 to vector<16xi32>
            %shift_right_arithmetic3A_210 = arith.shrsi %get3A_204, %shift_right_arithmetic3A_209 : vector<16xi32>
            %jit3A_211 = arith.constant 8192 : i32
            %broadcast_in_dim3A_212 = vector.broadcast %jit3A_211 : i32 to vector<16xi32>
            %select_n3A_213 = arith.select %ge3A_207, %shift_right_arithmetic3A_210, %broadcast_in_dim3A_212 : vector<16xi1>, vector<16xi32>
            %and3A_214 = arith.constant 32767 : i32
            %and3A_215 = vector.broadcast %and3A_214 : i32 to vector<16xi32>
            %and3A_216 = arith.andi %get3A_204, %and3A_215 : vector<16xi32>
            %add3A_217 = vector.broadcast %mul3A_0 : i32 to vector<16xi32>
            %add3A_218 = arith.addi %add3A_217, %and3A_216 : vector<16xi32>
            %swap3A_219 = arith.constant 16 : index
            %swap3A_220 = tpu.vector_load %arg15[%swap3A_219] {strides = array<i32>} : memref<64xi32, #tpu.memory_space<vmem>>, vector<16xi32>,
            tpu.vector_store %arg15[%swap3A_219], %add3A_218 {strides = array<i32>} : memref<64xi32, #tpu.memory_space<vmem>>, vector<16xi32>,
            %swap3A_221 = arith.constant 16 : index
            %swap3A_222 = tpu.vector_load %arg17[%swap3A_221] {strides = array<i32>} : memref<128xi32, #tpu.memory_space<vmem>>, vector<16xi32>,
            tpu.vector_store %arg17[%swap3A_221], %select_n3A_213 {strides = array<i32>} : memref<128xi32, #tpu.memory_space<vmem>>, vector<16xi32>,
            %get3A_223 = arith.constant 32 : index
            %get3A_224 = tpu.vector_load %arg8[%get3A_223] {strides = array<i32>} : memref<256xi32, #tpu.memory_space<vmem>>, vector<16xi32>,
            %ge3A_225 = arith.constant 0 : i32
            %ge3A_226 = vector.broadcast %ge3A_225 : i32 to vector<16xi32>
            %ge3A_227 = arith.cmpi sge, %get3A_224, %ge3A_226 : vector<16xi32>
            %shift_right_arithmetic3A_228 = arith.constant 15 : i32
            %shift_right_arithmetic3A_229 = vector.broadcast %shift_right_arithmetic3A_228 : i32 to vector<16xi32>
            %shift_right_arithmetic3A_230 = arith.shrsi %get3A_224, %shift_right_arithmetic3A_229 : vector<16xi32>
            %jit3A_231 = arith.constant 8192 : i32
            %broadcast_in_dim3A_232 = vector.broadcast %jit3A_231 : i32 to vector<16xi32>
            %select_n3A_233 = arith.select %ge3A_227, %shift_right_arithmetic3A_230, %broadcast_in_dim3A_232 : vector<16xi1>, vector<16xi32>
            %and3A_234 = arith.constant 32767 : i32
            %and3A_235 = vector.broadcast %and3A_234 : i32 to vector<16xi32>
            %and3A_236 = arith.andi %get3A_224, %and3A_235 : vector<16xi32>
            %add3A_237 = vector.broadcast %mul3A_0 : i32 to vector<16xi32>
            %add3A_238 = arith.addi %add3A_237, %and3A_236 : vector<16xi32>
            %swap3A_239 = arith.constant 32 : index
            %swap3A_240 = tpu.vector_load %arg15[%swap3A_239] {strides = array<i32>} : memref<64xi32, #tpu.memory_space<vmem>>, vector<16xi32>,
            tpu.vector_store %arg15[%swap3A_239], %add3A_238 {strides = array<i32>} : memref<64xi32, #tpu.memory_space<vmem>>, vector<16xi32>,
            %swap3A_241 = arith.constant 32 : index
            %swap3A_242 = tpu.vector_load %arg17[%swap3A_241] {strides = array<i32>} : memref<128xi32, #tpu.memory_space<vmem>>, vector<16xi32>,
            tpu.vector_store %arg17[%swap3A_241], %select_n3A_233 {strides = array<i32>} : memref<128xi32, #tpu.memory_space<vmem>>, vector<16xi32>,
            %get3A_243 = arith.constant 48 : index
            %get3A_244 = tpu.vector_load %arg8[%get3A_243] {strides = array<i32>} : memref<256xi32, #tpu.memory_space<vmem>>, vector<16xi32>,
            %ge3A_245 = arith.constant 0 : i32
            %ge3A_246 = vector.broadcast %ge3A_245 : i32 to vector<16xi32>
            %ge3A_247 = arith.cmpi sge, %get3A_244, %ge3A_246 : vector<16xi32>
            %shift_right_arithmetic3A_248 = arith.constant 15 : i32
            %shift_right_arithmetic3A_249 = vector.broadcast %shift_right_arithmetic3A_248 : i32 to vector<16xi32>
            %shift_right_arithmetic3A_250 = arith.shrsi %get3A_244, %shift_right_arithmetic3A_249 : vector<16xi32>
            %jit3A_251 = arith.constant 8192 : i32
            %broadcast_in_dim3A_252 = vector.broadcast %jit3A_251 : i32 to vector<16xi32>
            %select_n3A_253 = arith.select %ge3A_247, %shift_right_arithmetic3A_250, %broadcast_in_dim3A_252 : vector<16xi1>, vector<16xi32>
            %and3A_254 = arith.constant 32767 : i32
            %and3A_255 = vector.broadcast %and3A_254 : i32 to vector<16xi32>
            %and3A_256 = arith.andi %get3A_244, %and3A_255 : vector<16xi32>
            %add3A_257 = vector.broadcast %mul3A_0 : i32 to vector<16xi32>
            %add3A_258 = arith.addi %add3A_257, %and3A_256 : vector<16xi32>
            %swap3A_259 = arith.constant 48 : index
            %swap3A_260 = tpu.vector_load %arg15[%swap3A_259] {strides = array<i32>} : memref<64xi32, #tpu.memory_space<vmem>>, vector<16xi32>,
            tpu.vector_store %arg15[%swap3A_259], %add3A_258 {strides = array<i32>} : memref<64xi32, #tpu.memory_space<vmem>>, vector<16xi32>,
            %swap3A_261 = arith.constant 48 : index
            %swap3A_262 = tpu.vector_load %arg17[%swap3A_261] {strides = array<i32>} : memref<128xi32, #tpu.memory_space<vmem>>, vector<16xi32>,
            tpu.vector_store %arg17[%swap3A_261], %select_n3A_253 {strides = array<i32>} : memref<128xi32, #tpu.memory_space<vmem>>, vector<16xi32>,
            %get3A_263 = arith.constant 64 : index
            %get3A_264 = tpu.vector_load %arg8[%get3A_263] {strides = array<i32>} : memref<256xi32, #tpu.memory_space<vmem>>, vector<16xi32>,
            %ge3A_265 = arith.constant 0 : i32
            %ge3A_266 = vector.broadcast %ge3A_265 : i32 to vector<16xi32>
            %ge3A_267 = arith.cmpi sge, %get3A_264, %ge3A_266 : vector<16xi32>
            %shift_right_arithmetic3A_268 = arith.constant 15 : i32
            %shift_right_arithmetic3A_269 = vector.broadcast %shift_right_arithmetic3A_268 : i32 to vector<16xi32>
            %shift_right_arithmetic3A_270 = arith.shrsi %get3A_264, %shift_right_arithmetic3A_269 : vector<16xi32>
            %jit3A_271 = arith.constant 8192 : i32
            %broadcast_in_dim3A_272 = vector.broadcast %jit3A_271 : i32 to vector<16xi32>
            %select_n3A_273 = arith.select %ge3A_267, %shift_right_arithmetic3A_270, %broadcast_in_dim3A_272 : vector<16xi1>, vector<16xi32>
            %and3A_274 = arith.constant 32767 : i32
            %and3A_275 = vector.broadcast %and3A_274 : i32 to vector<16xi32>
            %and3A_276 = arith.andi %get3A_264, %and3A_275 : vector<16xi32>
            %add3A_277 = vector.broadcast %mul3A_0 : i32 to vector<16xi32>
            %add3A_278 = arith.addi %add3A_277, %and3A_276 : vector<16xi32>
            %swap3A_279 = arith.constant 0 : index
            %swap3A_280 = tpu.vector_load %arg16[%swap3A_279] {strides = array<i32>} : memref<64xi32, #tpu.memory_space<vmem>>, vector<16xi32>,
            tpu.vector_store %arg16[%swap3A_279], %add3A_278 {strides = array<i32>} : memref<64xi32, #tpu.memory_space<vmem>>, vector<16xi32>,
            %swap3A_281 = arith.constant 64 : index
            %swap3A_282 = tpu.vector_load %arg17[%swap3A_281] {strides = array<i32>} : memref<128xi32, #tpu.memory_space<vmem>>, vector<16xi32>,
            tpu.vector_store %arg17[%swap3A_281], %select_n3A_273 {strides = array<i32>} : memref<128xi32, #tpu.memory_space<vmem>>, vector<16xi32>,
            %get3A_283 = arith.constant 80 : index
            %get3A_284 = tpu.vector_load %arg8[%get3A_283] {strides = array<i32>} : memref<256xi32, #tpu.memory_space<vmem>>, vector<16xi32>,
            %ge3A_285 = arith.constant 0 : i32
            %ge3A_286 = vector.broadcast %ge3A_285 : i32 to vector<16xi32>
            %ge3A_287 = arith.cmpi sge, %get3A_284, %ge3A_286 : vector<16xi32>
            %shift_right_arithmetic3A_288 = arith.constant 15 : i32
            %shift_right_arithmetic3A_289 = vector.broadcast %shift_right_arithmetic3A_288 : i32 to vector<16xi32>
            %shift_right_arithmetic3A_290 = arith.shrsi %get3A_284, %shift_right_arithmetic3A_289 : vector<16xi32>
            %jit3A_291 = arith.constant 8192 : i32
            %broadcast_in_dim3A_292 = vector.broadcast %jit3A_291 : i32 to vector<16xi32>
            %select_n3A_293 = arith.select %ge3A_287, %shift_right_arithmetic3A_290, %broadcast_in_dim3A_292 : vector<16xi1>, vector<16xi32>
            %and3A_294 = arith.constant 32767 : i32
            %and3A_295 = vector.broadcast %and3A_294 : i32 to vector<16xi32>
            %and3A_296 = arith.andi %get3A_284, %and3A_295 : vector<16xi32>
            %add3A_297 = vector.broadcast %mul3A_0 : i32 to vector<16xi32>
            %add3A_298 = arith.addi %add3A_297, %and3A_296 : vector<16xi32>
            %swap3A_299 = arith.constant 16 : index
            %swap3A_300 = tpu.vector_load %arg16[%swap3A_299] {strides = array<i32>} : memref<64xi32, #tpu.memory_space<vmem>>, vector<16xi32>,
            tpu.vector_store %arg16[%swap3A_299], %add3A_298 {strides = array<i32>} : memref<64xi32, #tpu.memory_space<vmem>>, vector<16xi32>,
            %swap3A_301 = arith.constant 80 : index
            %swap3A_302 = tpu.vector_load %arg17[%swap3A_301] {strides = array<i32>} : memref<128xi32, #tpu.memory_space<vmem>>, vector<16xi32>,
            tpu.vector_store %arg17[%swap3A_301], %select_n3A_293 {strides = array<i32>} : memref<128xi32, #tpu.memory_space<vmem>>, vector<16xi32>,
            %get3A_303 = arith.constant 96 : index
            %get3A_304 = tpu.vector_load %arg8[%get3A_303] {strides = array<i32>} : memref<256xi32, #tpu.memory_space<vmem>>, vector<16xi32>,
            %ge3A_305 = arith.constant 0 : i32
            %ge3A_306 = vector.broadcast %ge3A_305 : i32 to vector<16xi32>
            %ge3A_307 = arith.cmpi sge, %get3A_304, %ge3A_306 : vector<16xi32>
            %shift_right_arithmetic3A_308 = arith.constant 15 : i32
            %shift_right_arithmetic3A_309 = vector.broadcast %shift_right_arithmetic3A_308 : i32 to vector<16xi32>
            %shift_right_arithmetic3A_310 = arith.shrsi %get3A_304, %shift_right_arithmetic3A_309 : vector<16xi32>
            %jit3A_311 = arith.constant 8192 : i32
            %broadcast_in_dim3A_312 = vector.broadcast %jit3A_311 : i32 to vector<16xi32>
            %select_n3A_313 = arith.select %ge3A_307, %shift_right_arithmetic3A_310, %broadcast_in_dim3A_312 : vector<16xi1>, vector<16xi32>
            %and3A_314 = arith.constant 32767 : i32
            %and3A_315 = vector.broadcast %and3A_314 : i32 to vector<16xi32>
            %and3A_316 = arith.andi %get3A_304, %and3A_315 : vector<16xi32>
            %add3A_317 = vector.broadcast %mul3A_0 : i32 to vector<16xi32>
            %add3A_318 = arith.addi %add3A_317, %and3A_316 : vector<16xi32>
            %swap3A_319 = arith.constant 32 : index
            %swap3A_320 = tpu.vector_load %arg16[%swap3A_319] {strides = array<i32>} : memref<64xi32, #tpu.memory_space<vmem>>, vector<16xi32>,
            tpu.vector_store %arg16[%swap3A_319], %add3A_318 {strides = array<i32>} : memref<64xi32, #tpu.memory_space<vmem>>, vector<16xi32>,
            %swap3A_321 = arith.constant 96 : index
            %swap3A_322 = tpu.vector_load %arg17[%swap3A_321] {strides = array<i32>} : memref<128xi32, #tpu.memory_space<vmem>>, vector<16xi32>,
            tpu.vector_store %arg17[%swap3A_321], %select_n3A_313 {strides = array<i32>} : memref<128xi32, #tpu.memory_space<vmem>>, vector<16xi32>,
            %get3A_323 = arith.constant 112 : index
            %get3A_324 = tpu.vector_load %arg8[%get3A_323] {strides = array<i32>} : memref<256xi32, #tpu.memory_space<vmem>>, vector<16xi32>,
            %ge3A_325 = arith.constant 0 : i32
            %ge3A_326 = vector.broadcast %ge3A_325 : i32 to vector<16xi32>
            %ge3A_327 = arith.cmpi sge, %get3A_324, %ge3A_326 : vector<16xi32>
            %shift_right_arithmetic3A_328 = arith.constant 15 : i32
            %shift_right_arithmetic3A_329 = vector.broadcast %shift_right_arithmetic3A_328 : i32 to vector<16xi32>
            %shift_right_arithmetic3A_330 = arith.shrsi %get3A_324, %shift_right_arithmetic3A_329 : vector<16xi32>
            %jit3A_331 = arith.constant 8192 : i32
            %broadcast_in_dim3A_332 = vector.broadcast %jit3A_331 : i32 to vector<16xi32>
            %select_n3A_333 = arith.select %ge3A_327, %shift_right_arithmetic3A_330, %broadcast_in_dim3A_332 : vector<16xi1>, vector<16xi32>
            %and3A_334 = arith.constant 32767 : i32
            %and3A_335 = vector.broadcast %and3A_334 : i32 to vector<16xi32>
            %and3A_336 = arith.andi %get3A_324, %and3A_335 : vector<16xi32>
            %add3A_337 = vector.broadcast %mul3A_0 : i32 to vector<16xi32>
            %add3A_338 = arith.addi %add3A_337, %and3A_336 : vector<16xi32>
            %swap3A_339 = arith.constant 48 : index
            %swap3A_340 = tpu.vector_load %arg16[%swap3A_339] {strides = array<i32>} : memref<64xi32, #tpu.memory_space<vmem>>, vector<16xi32>,
            tpu.vector_store %arg16[%swap3A_339], %add3A_338 {strides = array<i32>} : memref<64xi32, #tpu.memory_space<vmem>>, vector<16xi32>,
            %swap3A_341 = arith.constant 112 : index
            %swap3A_342 = tpu.vector_load %arg17[%swap3A_341] {strides = array<i32>} : memref<128xi32, #tpu.memory_space<vmem>>, vector<16xi32>,
            tpu.vector_store %arg17[%swap3A_341], %select_n3A_333 {strides = array<i32>} : memref<128xi32, #tpu.memory_space<vmem>>, vector<16xi32>,
            %ge3A_343 = arith.constant 1 : i32
            %ge3A_344 = arith.cmpi sge, %while3A_121#1, %ge3A_343 : i32
            %convert_element_type3A_345 = arith.extui %ge3A_344 : i1 to i32
            %cond3A_346 = arith.constant 0 : i32
            %cond3A_347 = arith.cmpi ne, %convert_element_type3A_345, %cond3A_346 : i32
            scf.if %cond3A_347 {
              %dma_wait3A = arith.constant 0 : i32
              %dma_wait3A_360 = arith.constant 0 : i32
              %dma_wait3A_361 = tpu.memref_slice %arg14[%dma_wait3A, %dma_wait3A_360] : memref<128x96xf32, #tpu.memory_space<vmem>> -> memref<64x96xf32, #tpu.memory_space<vmem>>
              %dma_wait3A_362 = arith.constant 0 : i32
              %dma_wait3A_363 = arith.constant 0 : i32
              %dma_wait3A_364 = tpu.memref_slice %arg2[%dma_wait3A_362, %dma_wait3A_363] : memref<524288x96xf32, #tpu.memory_space<hbm>> -> memref<524288x96xf32, #tpu.memory_space<hbm>>
              tpu.wait_indirect_dma semaphore(%arg24 : memref<!tpu.dma_semaphore, #tpu.memory_space<semaphore_mem>>) src(%dma_wait3A_364 : memref<524288x96xf32, #tpu.memory_space<hbm>>) dst(%dma_wait3A_361 : memref<64x96xf32, #tpu.memory_space<vmem>>)
              %dma_wait3A_365 = arith.constant 64 : i32
              %dma_wait3A_366 = arith.constant 0 : i32
              %dma_wait3A_367 = tpu.memref_slice %arg14[%dma_wait3A_365, %dma_wait3A_366] : memref<128x96xf32, #tpu.memory_space<vmem>> -> memref<64x96xf32, #tpu.memory_space<vmem>>
              %dma_wait3A_368 = arith.constant 0 : i32
              %dma_wait3A_369 = arith.constant 0 : i32
              %dma_wait3A_370 = tpu.memref_slice %arg2[%dma_wait3A_368, %dma_wait3A_369] : memref<524288x96xf32, #tpu.memory_space<hbm>> -> memref<524288x96xf32, #tpu.memory_space<hbm>>
              tpu.wait_indirect_dma semaphore(%arg24 : memref<!tpu.dma_semaphore, #tpu.memory_space<semaphore_mem>>) src(%dma_wait3A_370 : memref<524288x96xf32, #tpu.memory_space<hbm>>) dst(%dma_wait3A_367 : memref<64x96xf32, #tpu.memory_space<vmem>>)
              %dma_start3A_371 = arith.constant 0 : i32
              %dma_start3A_372 = arith.constant 0 : i32
              %dma_start3A_373 = tpu.memref_slice %arg22[%dma_start3A_371, %dma_start3A_372] : memref<8200x96xf32, #tpu.memory_space<vmem_shared>> -> memref<8200x96xf32, #tpu.memory_space<vmem_shared>>
              tpu.enqueue_indirect_dma source(%arg14 : memref<128x96xf32, #tpu.memory_space<vmem>>) target(%dma_start3A_373 : memref<8200x96xf32, #tpu.memory_space<vmem_shared>>) offsets(%arg13 : memref<128xi32, #tpu.memory_space<vmem>>) semaphore(%arg25 : memref<!tpu.dma_semaphore, #tpu.memory_space<semaphore_mem>>) {add = true}
            } else {
            }
            %dma_start3A_348 = arith.constant 0 : i32
            %dma_start3A_349 = arith.constant 0 : i32
            %dma_start3A_350 = tpu.memref_slice %arg18[%dma_start3A_348, %dma_start3A_349] : memref<128x96xf32, #tpu.memory_space<vmem>> -> memref<64x96xf32, #tpu.memory_space<vmem>>
            %dma_start3A_351 = arith.constant 0 : i32
            %dma_start3A_352 = arith.constant 0 : i32
            %dma_start3A_353 = tpu.memref_slice %arg2[%dma_start3A_351, %dma_start3A_352] : memref<524288x96xf32, #tpu.memory_space<hbm>> -> memref<524288x96xf32, #tpu.memory_space<hbm>>
            tpu.enqueue_indirect_dma source(%dma_start3A_353 : memref<524288x96xf32, #tpu.memory_space<hbm>>) target(%dma_start3A_350 : memref<64x96xf32, #tpu.memory_space<vmem>>) offsets(%arg15 : memref<64xi32, #tpu.memory_space<vmem>>) semaphore(%arg24 : memref<!tpu.dma_semaphore, #tpu.memory_space<semaphore_mem>>)
            %dma_start3A_354 = arith.constant 64 : i32
            %dma_start3A_355 = arith.constant 0 : i32
            %dma_start3A_356 = tpu.memref_slice %arg18[%dma_start3A_354, %dma_start3A_355] : memref<128x96xf32, #tpu.memory_space<vmem>> -> memref<64x96xf32, #tpu.memory_space<vmem>>
            %dma_start3A_357 = arith.constant 0 : i32
            %dma_start3A_358 = arith.constant 0 : i32
            %dma_start3A_359 = tpu.memref_slice %arg2[%dma_start3A_357, %dma_start3A_358] : memref<524288x96xf32, #tpu.memory_space<hbm>> -> memref<524288x96xf32, #tpu.memory_space<hbm>>
            tpu.enqueue_indirect_dma source(%dma_start3A_359 : memref<524288x96xf32, #tpu.memory_space<hbm>>) target(%dma_start3A_356 : memref<64x96xf32, #tpu.memory_space<vmem>>) offsets(%arg16 : memref<64xi32, #tpu.memory_space<vmem>>) semaphore(%arg24 : memref<!tpu.dma_semaphore, #tpu.memory_space<semaphore_mem>>)
          } else {
          }
        } else {
        }
        %gt3A_131 = arith.constant 0 : i32
        %gt3A_132 = arith.cmpi sgt, %while3A_121#0, %gt3A_131 : i32
        %convert_element_type3A_133 = arith.extui %gt3A_132 : i1 to i32
        %add3A_134 = arith.addi %while3A_121#1, %convert_element_type3A_133 : i32
        %sub3A = arith.constant 1 : i32
        %sub3A_135 = arith.subi %add3A_134, %sub3A : i32
        %and3A_136 = arith.constant 1 : i32
        %and3A_137 = arith.andi %sub3A_135, %and3A_136 : i32
        %ge3A = arith.constant 1 : i32
        %ge3A_138 = arith.cmpi sge, %add3A_134, %ge3A : i32
        %eq3A = arith.constant 0 : i32
        %eq3A_139 = arith.cmpi eq, %and3A_137, %eq3A : i32
        %and3A_140 = arith.andi %ge3A_138, %eq3A_139 : i1
        %convert_element_type3A_141 = arith.extui %and3A_140 : i1 to i32
        %cond3A_142 = arith.constant 0 : i32
        %cond3A_143 = arith.cmpi ne, %convert_element_type3A_141, %cond3A_142 : i32
        scf.if %cond3A_143 {
          %dma_wait3A = arith.constant 0 : i32
          %dma_wait3A_171 = arith.constant 0 : i32
          %dma_wait3A_172 = tpu.memref_slice %arg14[%dma_wait3A, %dma_wait3A_171] : memref<128x96xf32, #tpu.memory_space<vmem>> -> memref<64x96xf32, #tpu.memory_space<vmem>>
          %dma_wait3A_173 = arith.constant 0 : i32
          %dma_wait3A_174 = arith.constant 0 : i32
          %dma_wait3A_175 = tpu.memref_slice %arg2[%dma_wait3A_173, %dma_wait3A_174] : memref<524288x96xf32, #tpu.memory_space<hbm>> -> memref<524288x96xf32, #tpu.memory_space<hbm>>
          tpu.wait_indirect_dma semaphore(%arg24 : memref<!tpu.dma_semaphore, #tpu.memory_space<semaphore_mem>>) src(%dma_wait3A_175 : memref<524288x96xf32, #tpu.memory_space<hbm>>) dst(%dma_wait3A_172 : memref<64x96xf32, #tpu.memory_space<vmem>>)
          %dma_wait3A_176 = arith.constant 64 : i32
          %dma_wait3A_177 = arith.constant 0 : i32
          %dma_wait3A_178 = tpu.memref_slice %arg14[%dma_wait3A_176, %dma_wait3A_177] : memref<128x96xf32, #tpu.memory_space<vmem>> -> memref<64x96xf32, #tpu.memory_space<vmem>>
          %dma_wait3A_179 = arith.constant 0 : i32
          %dma_wait3A_180 = arith.constant 0 : i32
          %dma_wait3A_181 = tpu.memref_slice %arg2[%dma_wait3A_179, %dma_wait3A_180] : memref<524288x96xf32, #tpu.memory_space<hbm>> -> memref<524288x96xf32, #tpu.memory_space<hbm>>
          tpu.wait_indirect_dma semaphore(%arg24 : memref<!tpu.dma_semaphore, #tpu.memory_space<semaphore_mem>>) src(%dma_wait3A_181 : memref<524288x96xf32, #tpu.memory_space<hbm>>) dst(%dma_wait3A_178 : memref<64x96xf32, #tpu.memory_space<vmem>>)
          %dma_start3A_182 = arith.constant 0 : i32
          %dma_start3A_183 = arith.constant 0 : i32
          %dma_start3A_184 = tpu.memref_slice %arg22[%dma_start3A_182, %dma_start3A_183] : memref<8200x96xf32, #tpu.memory_space<vmem_shared>> -> memref<8200x96xf32, #tpu.memory_space<vmem_shared>>
          tpu.enqueue_indirect_dma source(%arg14 : memref<128x96xf32, #tpu.memory_space<vmem>>) target(%dma_start3A_184 : memref<8200x96xf32, #tpu.memory_space<vmem_shared>>) offsets(%arg13 : memref<128xi32, #tpu.memory_space<vmem>>) semaphore(%arg25 : memref<!tpu.dma_semaphore, #tpu.memory_space<semaphore_mem>>) {add = true}
          %ge3A_185 = arith.constant 2 : i32
          %ge3A_186 = arith.cmpi sge, %add3A_134, %ge3A_185 : i32
          %convert_element_type3A_187 = arith.extui %ge3A_186 : i1 to i32
          %cond3A_188 = arith.constant 0 : i32
          %cond3A_189 = arith.cmpi ne, %convert_element_type3A_187, %cond3A_188 : i32
          scf.if %cond3A_189 {
            %dma_wait3A_193 = arith.constant 0 : i32
            %dma_wait3A_194 = arith.constant 0 : i32
            %dma_wait3A_195 = tpu.memref_slice %arg22[%dma_wait3A_193, %dma_wait3A_194] : memref<8200x96xf32, #tpu.memory_space<vmem_shared>> -> memref<8200x96xf32, #tpu.memory_space<vmem_shared>>
            tpu.wait_indirect_dma semaphore(%arg25 : memref<!tpu.dma_semaphore, #tpu.memory_space<semaphore_mem>>) src(%arg18 : memref<128x96xf32, #tpu.memory_space<vmem>>) dst(%dma_wait3A_195 : memref<8200x96xf32, #tpu.memory_space<vmem_shared>>)
          } else {
          }
          %dma_wait3A_190 = arith.constant 0 : i32
          %dma_wait3A_191 = arith.constant 0 : i32
          %dma_wait3A_192 = tpu.memref_slice %arg22[%dma_wait3A_190, %dma_wait3A_191] : memref<8200x96xf32, #tpu.memory_space<vmem_shared>> -> memref<8200x96xf32, #tpu.memory_space<vmem_shared>>
          tpu.wait_indirect_dma semaphore(%arg25 : memref<!tpu.dma_semaphore, #tpu.memory_space<semaphore_mem>>) src(%arg14 : memref<128x96xf32, #tpu.memory_space<vmem>>) dst(%dma_wait3A_192 : memref<8200x96xf32, #tpu.memory_space<vmem_shared>>)
        } else {
        }
        %ge3A_144 = arith.constant 1 : i32
        %ge3A_145 = arith.cmpi sge, %add3A_134, %ge3A_144 : i32
        %eq3A_146 = arith.constant 1 : i32
        %eq3A_147 = arith.cmpi eq, %and3A_137, %eq3A_146 : i32
        %and3A_148 = arith.andi %ge3A_145, %eq3A_147 : i1
        %convert_element_type3A_149 = arith.extui %and3A_148 : i1 to i32
        %cond3A_150 = arith.constant 0 : i32
        %cond3A_151 = arith.cmpi ne, %convert_element_type3A_149, %cond3A_150 : i32
        scf.if %cond3A_151 {
          %dma_wait3A = arith.constant 0 : i32
          %dma_wait3A_171 = arith.constant 0 : i32
          %dma_wait3A_172 = tpu.memref_slice %arg18[%dma_wait3A, %dma_wait3A_171] : memref<128x96xf32, #tpu.memory_space<vmem>> -> memref<64x96xf32, #tpu.memory_space<vmem>>
          %dma_wait3A_173 = arith.constant 0 : i32
          %dma_wait3A_174 = arith.constant 0 : i32
          %dma_wait3A_175 = tpu.memref_slice %arg2[%dma_wait3A_173, %dma_wait3A_174] : memref<524288x96xf32, #tpu.memory_space<hbm>> -> memref<524288x96xf32, #tpu.memory_space<hbm>>
          tpu.wait_indirect_dma semaphore(%arg24 : memref<!tpu.dma_semaphore, #tpu.memory_space<semaphore_mem>>) src(%dma_wait3A_175 : memref<524288x96xf32, #tpu.memory_space<hbm>>) dst(%dma_wait3A_172 : memref<64x96xf32, #tpu.memory_space<vmem>>)
          %dma_wait3A_176 = arith.constant 64 : i32
          %dma_wait3A_177 = arith.constant 0 : i32
          %dma_wait3A_178 = tpu.memref_slice %arg18[%dma_wait3A_176, %dma_wait3A_177] : memref<128x96xf32, #tpu.memory_space<vmem>> -> memref<64x96xf32, #tpu.memory_space<vmem>>
          %dma_wait3A_179 = arith.constant 0 : i32
          %dma_wait3A_180 = arith.constant 0 : i32
          %dma_wait3A_181 = tpu.memref_slice %arg2[%dma_wait3A_179, %dma_wait3A_180] : memref<524288x96xf32, #tpu.memory_space<hbm>> -> memref<524288x96xf32, #tpu.memory_space<hbm>>
          tpu.wait_indirect_dma semaphore(%arg24 : memref<!tpu.dma_semaphore, #tpu.memory_space<semaphore_mem>>) src(%dma_wait3A_181 : memref<524288x96xf32, #tpu.memory_space<hbm>>) dst(%dma_wait3A_178 : memref<64x96xf32, #tpu.memory_space<vmem>>)
          %dma_start3A_182 = arith.constant 0 : i32
          %dma_start3A_183 = arith.constant 0 : i32
          %dma_start3A_184 = tpu.memref_slice %arg22[%dma_start3A_182, %dma_start3A_183] : memref<8200x96xf32, #tpu.memory_space<vmem_shared>> -> memref<8200x96xf32, #tpu.memory_space<vmem_shared>>
          tpu.enqueue_indirect_dma source(%arg18 : memref<128x96xf32, #tpu.memory_space<vmem>>) target(%dma_start3A_184 : memref<8200x96xf32, #tpu.memory_space<vmem_shared>>) offsets(%arg17 : memref<128xi32, #tpu.memory_space<vmem>>) semaphore(%arg25 : memref<!tpu.dma_semaphore, #tpu.memory_space<semaphore_mem>>) {add = true}
          %ge3A_185 = arith.constant 2 : i32
          %ge3A_186 = arith.cmpi sge, %add3A_134, %ge3A_185 : i32
          %convert_element_type3A_187 = arith.extui %ge3A_186 : i1 to i32
          %cond3A_188 = arith.constant 0 : i32
          %cond3A_189 = arith.cmpi ne, %convert_element_type3A_187, %cond3A_188 : i32
          scf.if %cond3A_189 {
            %dma_wait3A_193 = arith.constant 0 : i32
            %dma_wait3A_194 = arith.constant 0 : i32
            %dma_wait3A_195 = tpu.memref_slice %arg22[%dma_wait3A_193, %dma_wait3A_194] : memref<8200x96xf32, #tpu.memory_space<vmem_shared>> -> memref<8200x96xf32, #tpu.memory_space<vmem_shared>>
            tpu.wait_indirect_dma semaphore(%arg25 : memref<!tpu.dma_semaphore, #tpu.memory_space<semaphore_mem>>) src(%arg14 : memref<128x96xf32, #tpu.memory_space<vmem>>) dst(%dma_wait3A_195 : memref<8200x96xf32, #tpu.memory_space<vmem_shared>>)
          } else {
          }
          %dma_wait3A_190 = arith.constant 0 : i32
          %dma_wait3A_191 = arith.constant 0 : i32
          %dma_wait3A_192 = tpu.memref_slice %arg22[%dma_wait3A_190, %dma_wait3A_191] : memref<8200x96xf32, #tpu.memory_space<vmem_shared>> -> memref<8200x96xf32, #tpu.memory_space<vmem_shared>>
          tpu.wait_indirect_dma semaphore(%arg25 : memref<!tpu.dma_semaphore, #tpu.memory_space<semaphore_mem>>) src(%arg18 : memref<128x96xf32, #tpu.memory_space<vmem>>) dst(%dma_wait3A_192 : memref<8200x96xf32, #tpu.memory_space<vmem_shared>>)
        } else {
        }
        %run_scoped3A = arith.constant 0 : i32
        "tpu.region"() ({
          %run_scoped3A_171 = tpu.sem_alloc : memref<!tpu.dma_semaphore, #tpu.memory_space<semaphore_mem>>
          %dma_start3A_172 = arith.constant 0 : i32
          %dma_start3A_173 = arith.constant 0 : i32
          %dma_start3A_174 = tpu.memref_slice %arg9[%dma_start3A_172, %dma_start3A_173] : memref<512x16xf32, #tpu.memory_space<vmem>> -> memref<128x16xf32, #tpu.memory_space<vmem>>
          %dma_start3A_175 = arith.constant 0 : i32
          %dma_start3A_176 = tpu.memref_slice %arg10[%run_scoped3A, %dma_start3A_175] : memref<4x128xi32, #tpu.memory_space<vmem>> -> memref<1x128xi32, #tpu.memory_space<vmem>>
          %dma_start3A_177 = tpu.memref_squeeze %dma_start3A_176 : memref<1x128xi32, #tpu.memory_space<vmem>> -> memref<128xi32, #tpu.memory_space<vmem>>
          %dma_start3A_178 = arith.constant 0 : i32
          %dma_start3A_179 = arith.constant 0 : i32
          %dma_start3A_180 = tpu.memref_slice %arg23[%dma_start3A_178, %dma_start3A_179] : memref<512x16xf32, #tpu.memory_space<vmem_shared>> -> memref<512x16xf32, #tpu.memory_space<vmem_shared>>
          tpu.enqueue_indirect_dma source(%dma_start3A_174 : memref<128x16xf32, #tpu.memory_space<vmem>>) target(%dma_start3A_180 : memref<512x16xf32, #tpu.memory_space<vmem_shared>>) offsets(%dma_start3A_177 : memref<128xi32, #tpu.memory_space<vmem>>) semaphore(%run_scoped3A_171 : memref<!tpu.dma_semaphore, #tpu.memory_space<semaphore_mem>>) {add = true}
          %dma_wait3A = arith.constant 0 : i32
          %dma_wait3A_181 = arith.constant 0 : i32
          %dma_wait3A_182 = tpu.memref_slice %arg9[%dma_wait3A, %dma_wait3A_181] : memref<512x16xf32, #tpu.memory_space<vmem>> -> memref<128x16xf32, #tpu.memory_space<vmem>>
          %dma_wait3A_183 = arith.constant 0 : i32
          %dma_wait3A_184 = tpu.memref_slice %arg10[%run_scoped3A, %dma_wait3A_183] : memref<4x128xi32, #tpu.memory_space<vmem>> -> memref<1x128xi32, #tpu.memory_space<vmem>>
          %dma_wait3A_185 = tpu.memref_squeeze %dma_wait3A_184 : memref<1x128xi32, #tpu.memory_space<vmem>> -> memref<128xi32, #tpu.memory_space<vmem>>
          %dma_wait3A_186 = arith.constant 0 : i32
          %dma_wait3A_187 = arith.constant 0 : i32
          %dma_wait3A_188 = tpu.memref_slice %arg23[%dma_wait3A_186, %dma_wait3A_187] : memref<512x16xf32, #tpu.memory_space<vmem_shared>> -> memref<512x16xf32, #tpu.memory_space<vmem_shared>>
          tpu.wait_indirect_dma semaphore(%run_scoped3A_171 : memref<!tpu.dma_semaphore, #tpu.memory_space<semaphore_mem>>) src(%dma_wait3A_182 : memref<128x16xf32, #tpu.memory_space<vmem>>) dst(%dma_wait3A_188 : memref<512x16xf32, #tpu.memory_space<vmem_shared>>)
          tpu.yield
        }) : () -> ()
        %run_scoped3A_152 = arith.constant 1 : i32
        "tpu.region"() ({
          %run_scoped3A_171 = tpu.sem_alloc : memref<!tpu.dma_semaphore, #tpu.memory_space<semaphore_mem>>
          %dma_start3A_172 = arith.constant 128 : i32
          %dma_start3A_173 = arith.constant 0 : i32
          %dma_start3A_174 = tpu.memref_slice %arg9[%dma_start3A_172, %dma_start3A_173] : memref<512x16xf32, #tpu.memory_space<vmem>> -> memref<128x16xf32, #tpu.memory_space<vmem>>
          %dma_start3A_175 = arith.constant 0 : i32
          %dma_start3A_176 = tpu.memref_slice %arg10[%run_scoped3A_152, %dma_start3A_175] : memref<4x128xi32, #tpu.memory_space<vmem>> -> memref<1x128xi32, #tpu.memory_space<vmem>>
          %dma_start3A_177 = tpu.memref_squeeze %dma_start3A_176 : memref<1x128xi32, #tpu.memory_space<vmem>> -> memref<128xi32, #tpu.memory_space<vmem>>
          %dma_start3A_178 = arith.constant 0 : i32
          %dma_start3A_179 = arith.constant 0 : i32
          %dma_start3A_180 = tpu.memref_slice %arg23[%dma_start3A_178, %dma_start3A_179] : memref<512x16xf32, #tpu.memory_space<vmem_shared>> -> memref<512x16xf32, #tpu.memory_space<vmem_shared>>
          tpu.enqueue_indirect_dma source(%dma_start3A_174 : memref<128x16xf32, #tpu.memory_space<vmem>>) target(%dma_start3A_180 : memref<512x16xf32, #tpu.memory_space<vmem_shared>>) offsets(%dma_start3A_177 : memref<128xi32, #tpu.memory_space<vmem>>) semaphore(%run_scoped3A_171 : memref<!tpu.dma_semaphore, #tpu.memory_space<semaphore_mem>>) {add = true}
          %dma_wait3A = arith.constant 128 : i32
          %dma_wait3A_181 = arith.constant 0 : i32
          %dma_wait3A_182 = tpu.memref_slice %arg9[%dma_wait3A, %dma_wait3A_181] : memref<512x16xf32, #tpu.memory_space<vmem>> -> memref<128x16xf32, #tpu.memory_space<vmem>>
          %dma_wait3A_183 = arith.constant 0 : i32
          %dma_wait3A_184 = tpu.memref_slice %arg10[%run_scoped3A_152, %dma_wait3A_183] : memref<4x128xi32, #tpu.memory_space<vmem>> -> memref<1x128xi32, #tpu.memory_space<vmem>>
          %dma_wait3A_185 = tpu.memref_squeeze %dma_wait3A_184 : memref<1x128xi32, #tpu.memory_space<vmem>> -> memref<128xi32, #tpu.memory_space<vmem>>
          %dma_wait3A_186 = arith.constant 0 : i32
          %dma_wait3A_187 = arith.constant 0 : i32
          %dma_wait3A_188 = tpu.memref_slice %arg23[%dma_wait3A_186, %dma_wait3A_187] : memref<512x16xf32, #tpu.memory_space<vmem_shared>> -> memref<512x16xf32, #tpu.memory_space<vmem_shared>>
          tpu.wait_indirect_dma semaphore(%run_scoped3A_171 : memref<!tpu.dma_semaphore, #tpu.memory_space<semaphore_mem>>) src(%dma_wait3A_182 : memref<128x16xf32, #tpu.memory_space<vmem>>) dst(%dma_wait3A_188 : memref<512x16xf32, #tpu.memory_space<vmem_shared>>)
          tpu.yield
        }) : () -> ()
        %run_scoped3A_153 = arith.constant 2 : i32
        "tpu.region"() ({
          %run_scoped3A_171 = tpu.sem_alloc : memref<!tpu.dma_semaphore, #tpu.memory_space<semaphore_mem>>
          %dma_start3A_172 = arith.constant 256 : i32
          %dma_start3A_173 = arith.constant 0 : i32
          %dma_start3A_174 = tpu.memref_slice %arg9[%dma_start3A_172, %dma_start3A_173] : memref<512x16xf32, #tpu.memory_space<vmem>> -> memref<128x16xf32, #tpu.memory_space<vmem>>
          %dma_start3A_175 = arith.constant 0 : i32
          %dma_start3A_176 = tpu.memref_slice %arg10[%run_scoped3A_153, %dma_start3A_175] : memref<4x128xi32, #tpu.memory_space<vmem>> -> memref<1x128xi32, #tpu.memory_space<vmem>>
          %dma_start3A_177 = tpu.memref_squeeze %dma_start3A_176 : memref<1x128xi32, #tpu.memory_space<vmem>> -> memref<128xi32, #tpu.memory_space<vmem>>
          %dma_start3A_178 = arith.constant 0 : i32
          %dma_start3A_179 = arith.constant 0 : i32
          %dma_start3A_180 = tpu.memref_slice %arg23[%dma_start3A_178, %dma_start3A_179] : memref<512x16xf32, #tpu.memory_space<vmem_shared>> -> memref<512x16xf32, #tpu.memory_space<vmem_shared>>
          tpu.enqueue_indirect_dma source(%dma_start3A_174 : memref<128x16xf32, #tpu.memory_space<vmem>>) target(%dma_start3A_180 : memref<512x16xf32, #tpu.memory_space<vmem_shared>>) offsets(%dma_start3A_177 : memref<128xi32, #tpu.memory_space<vmem>>) semaphore(%run_scoped3A_171 : memref<!tpu.dma_semaphore, #tpu.memory_space<semaphore_mem>>) {add = true}
          %dma_wait3A = arith.constant 256 : i32
          %dma_wait3A_181 = arith.constant 0 : i32
          %dma_wait3A_182 = tpu.memref_slice %arg9[%dma_wait3A, %dma_wait3A_181] : memref<512x16xf32, #tpu.memory_space<vmem>> -> memref<128x16xf32, #tpu.memory_space<vmem>>
          %dma_wait3A_183 = arith.constant 0 : i32
          %dma_wait3A_184 = tpu.memref_slice %arg10[%run_scoped3A_153, %dma_wait3A_183] : memref<4x128xi32, #tpu.memory_space<vmem>> -> memref<1x128xi32, #tpu.memory_space<vmem>>
          %dma_wait3A_185 = tpu.memref_squeeze %dma_wait3A_184 : memref<1x128xi32, #tpu.memory_space<vmem>> -> memref<128xi32, #tpu.memory_space<vmem>>
          %dma_wait3A_186 = arith.constant 0 : i32
          %dma_wait3A_187 = arith.constant 0 : i32
          %dma_wait3A_188 = tpu.memref_slice %arg23[%dma_wait3A_186, %dma_wait3A_187] : memref<512x16xf32, #tpu.memory_space<vmem_shared>> -> memref<512x16xf32, #tpu.memory_space<vmem_shared>>
          tpu.wait_indirect_dma semaphore(%run_scoped3A_171 : memref<!tpu.dma_semaphore, #tpu.memory_space<semaphore_mem>>) src(%dma_wait3A_182 : memref<128x16xf32, #tpu.memory_space<vmem>>) dst(%dma_wait3A_188 : memref<512x16xf32, #tpu.memory_space<vmem_shared>>)
          tpu.yield
        }) : () -> ()
        %run_scoped3A_154 = arith.constant 3 : i32
        "tpu.region"() ({
          %run_scoped3A_171 = tpu.sem_alloc : memref<!tpu.dma_semaphore, #tpu.memory_space<semaphore_mem>>
          %dma_start3A_172 = arith.constant 384 : i32
          %dma_start3A_173 = arith.constant 0 : i32
          %dma_start3A_174 = tpu.memref_slice %arg9[%dma_start3A_172, %dma_start3A_173] : memref<512x16xf32, #tpu.memory_space<vmem>> -> memref<128x16xf32, #tpu.memory_space<vmem>>
          %dma_start3A_175 = arith.constant 0 : i32
          %dma_start3A_176 = tpu.memref_slice %arg10[%run_scoped3A_154, %dma_start3A_175] : memref<4x128xi32, #tpu.memory_space<vmem>> -> memref<1x128xi32, #tpu.memory_space<vmem>>
          %dma_start3A_177 = tpu.memref_squeeze %dma_start3A_176 : memref<1x128xi32, #tpu.memory_space<vmem>> -> memref<128xi32, #tpu.memory_space<vmem>>
          %dma_start3A_178 = arith.constant 0 : i32
          %dma_start3A_179 = arith.constant 0 : i32
          %dma_start3A_180 = tpu.memref_slice %arg23[%dma_start3A_178, %dma_start3A_179] : memref<512x16xf32, #tpu.memory_space<vmem_shared>> -> memref<512x16xf32, #tpu.memory_space<vmem_shared>>
          tpu.enqueue_indirect_dma source(%dma_start3A_174 : memref<128x16xf32, #tpu.memory_space<vmem>>) target(%dma_start3A_180 : memref<512x16xf32, #tpu.memory_space<vmem_shared>>) offsets(%dma_start3A_177 : memref<128xi32, #tpu.memory_space<vmem>>) semaphore(%run_scoped3A_171 : memref<!tpu.dma_semaphore, #tpu.memory_space<semaphore_mem>>) {add = true}
          %dma_wait3A = arith.constant 384 : i32
          %dma_wait3A_181 = arith.constant 0 : i32
          %dma_wait3A_182 = tpu.memref_slice %arg9[%dma_wait3A, %dma_wait3A_181] : memref<512x16xf32, #tpu.memory_space<vmem>> -> memref<128x16xf32, #tpu.memory_space<vmem>>
          %dma_wait3A_183 = arith.constant 0 : i32
          %dma_wait3A_184 = tpu.memref_slice %arg10[%run_scoped3A_154, %dma_wait3A_183] : memref<4x128xi32, #tpu.memory_space<vmem>> -> memref<1x128xi32, #tpu.memory_space<vmem>>
          %dma_wait3A_185 = tpu.memref_squeeze %dma_wait3A_184 : memref<1x128xi32, #tpu.memory_space<vmem>> -> memref<128xi32, #tpu.memory_space<vmem>>
          %dma_wait3A_186 = arith.constant 0 : i32
          %dma_wait3A_187 = arith.constant 0 : i32
          %dma_wait3A_188 = tpu.memref_slice %arg23[%dma_wait3A_186, %dma_wait3A_187] : memref<512x16xf32, #tpu.memory_space<vmem_shared>> -> memref<512x16xf32, #tpu.memory_space<vmem_shared>>
          tpu.wait_indirect_dma semaphore(%run_scoped3A_171 : memref<!tpu.dma_semaphore, #tpu.memory_space<semaphore_mem>>) src(%dma_wait3A_182 : memref<128x16xf32, #tpu.memory_space<vmem>>) dst(%dma_wait3A_188 : memref<512x16xf32, #tpu.memory_space<vmem_shared>>)
          tpu.yield
        }) : () -> ()
        %barrier3A_155 = arith.constant 0 : index
        tpu.barrier barrier_id(%barrier3A_155)
        %scan3A_156 = arith.constant 0 : i32
        %scan3A_157 = arith.constant 0 : i32
        %scan3A_158 = arith.constant 8 : i32
        %scan3A_159 = arith.addi %scan3A_157, %scan3A_158 : i32
        %scan3A_160 = arith.constant 1 : i32
        %scan3A_161 = scf.for %scan3A_171 = %scan3A_157 to %scan3A_159 step %scan3A_160 iter_args(%scan3A_172 = %scan3A_156) -> (i32)  : i32 {
          %mul3A_173 = arith.constant 512 : i32
          %mul3A_174 = arith.muli %arg1, %mul3A_173 : i32
          %mul3A_175 = arith.constant 64 : i32
          %mul3A_176 = arith.muli %scan3A_171, %mul3A_175 : i32
          %add3A_177 = arith.addi %mul3A_174, %mul3A_176 : i32
          %mul3A_178 = arith.constant 8192 : i32
          %mul3A_179 = arith.muli %add3A_74, %mul3A_178 : i32
          %add3A_180 = arith.addi %mul3A_179, %add3A_177 : i32
          "tpu.region"() ({
            %run_scoped3A_182 = tpu.sem_alloc : memref<!tpu.dma_semaphore, #tpu.memory_space<semaphore_mem>>
            %dma_start3A_183 = arith.constant 0 : i32
            %dma_start3A_184 = tpu.memref_slice %arg4[%add3A_180, %dma_start3A_183] : memref<262144x96xf32, #tpu.memory_space<hbm>> -> memref<64x96xf32, #tpu.memory_space<hbm>>
            %dma_start3A_185 = arith.constant 0 : i32
            %dma_start3A_186 = tpu.memref_slice %arg22[%add3A_177, %dma_start3A_185] : memref<8200x96xf32, #tpu.memory_space<vmem_shared>> -> memref<64x96xf32, #tpu.memory_space<vmem_shared>>
            tpu.enqueue_dma source(%dma_start3A_186 : memref<64x96xf32, #tpu.memory_space<vmem_shared>>) target(%dma_start3A_184 : memref<64x96xf32, #tpu.memory_space<hbm>>) target_semaphore(%run_scoped3A_182 : memref<!tpu.dma_semaphore, #tpu.memory_space<semaphore_mem>>)
            %dma_wait3A = arith.constant 0 : i32
            %dma_wait3A_187 = tpu.memref_slice %arg4[%add3A_180, %dma_wait3A] : memref<262144x96xf32, #tpu.memory_space<hbm>> -> memref<64x96xf32, #tpu.memory_space<hbm>>
            %dma_wait3A_188 = arith.constant 0 : i32
            %dma_wait3A_189 = tpu.memref_slice %arg22[%add3A_177, %dma_wait3A_188] : memref<8200x96xf32, #tpu.memory_space<vmem_shared>> -> memref<64x96xf32, #tpu.memory_space<vmem_shared>>
            tpu.wait_dma2 semaphore(%run_scoped3A_182 : memref<!tpu.dma_semaphore, #tpu.memory_space<semaphore_mem>>) src(%dma_wait3A_189 : memref<64x96xf32, #tpu.memory_space<vmem_shared>>) dst(%dma_wait3A_187 : memref<64x96xf32, #tpu.memory_space<hbm>>)
            tpu.yield
          }) : () -> ()
          %scan3A_181 = arith.constant 0 : i32
          scf.yield %scan3A_181 : i32
        }
        %scan3A_162 = arith.constant 8 : i32
        %mul3A_163 = arith.constant 32 : i32
        %mul3A_164 = arith.muli %arg1, %mul3A_163 : i32
        %mul3A_165 = arith.constant 512 : i32
        %mul3A_166 = arith.muli %add3A_74, %mul3A_165 : i32
        %mul3A_167 = arith.constant 32 : i32
        %mul3A_168 = arith.muli %arg1, %mul3A_167 : i32
        %add3A_169 = arith.addi %mul3A_166, %mul3A_168 : i32
        "tpu.region"() ({
          %run_scoped3A_171 = tpu.sem_alloc : memref<!tpu.dma_semaphore, #tpu.memory_space<semaphore_mem>>
          %dma_start3A_172 = arith.constant 0 : i32
          %dma_start3A_173 = tpu.memref_slice %arg5[%add3A_169, %dma_start3A_172] : memref<16384x16xf32, #tpu.memory_space<hbm>> -> memref<32x16xf32, #tpu.memory_space<hbm>>
          %dma_start3A_174 = arith.constant 0 : i32
          %dma_start3A_175 = tpu.memref_slice %arg23[%mul3A_164, %dma_start3A_174] : memref<512x16xf32, #tpu.memory_space<vmem_shared>> -> memref<32x16xf32, #tpu.memory_space<vmem_shared>>
          tpu.enqueue_dma source(%dma_start3A_175 : memref<32x16xf32, #tpu.memory_space<vmem_shared>>) target(%dma_start3A_173 : memref<32x16xf32, #tpu.memory_space<hbm>>) target_semaphore(%run_scoped3A_171 : memref<!tpu.dma_semaphore, #tpu.memory_space<semaphore_mem>>)
          %dma_wait3A = arith.constant 0 : i32
          %dma_wait3A_176 = tpu.memref_slice %arg5[%add3A_169, %dma_wait3A] : memref<16384x16xf32, #tpu.memory_space<hbm>> -> memref<32x16xf32, #tpu.memory_space<hbm>>
          %dma_wait3A_177 = arith.constant 0 : i32
          %dma_wait3A_178 = tpu.memref_slice %arg23[%mul3A_164, %dma_wait3A_177] : memref<512x16xf32, #tpu.memory_space<vmem_shared>> -> memref<32x16xf32, #tpu.memory_space<vmem_shared>>
          tpu.wait_dma2 semaphore(%run_scoped3A_171 : memref<!tpu.dma_semaphore, #tpu.memory_space<semaphore_mem>>) src(%dma_wait3A_178 : memref<32x16xf32, #tpu.memory_space<vmem_shared>>) dst(%dma_wait3A_176 : memref<32x16xf32, #tpu.memory_space<hbm>>)
          tpu.yield
        }) : () -> ()
        %scan3A_170 = arith.constant 0 : i32
        scf.yield %scan3A_170 : i32
      }
      %scan3A_68 = arith.constant 4 : i32
      %scan3A_69 = arith.constant 0 : i32
      scf.yield %scan3A_69 : i32
    }
    %scan3A_34 = arith.constant 4 : i32
    return
  }
}

module attributes {stable_mosaic.version = 14 : i64} {
  func.func @_div_body(%arg0: i32, %arg1: memref<2048x96xf32, #tpu.memory_space<vmem>>, %arg2: memref<2048x1xf32, #tpu.memory_space<vmem>>, %arg3: memref<2048x96xf32, #tpu.memory_space<vmem>>) attributes {dimension_semantics = [#tpu.dimension_semantics<arbitrary>], iteration_bounds = array<i64: 128>, scalar_prefetch = 0 : i64, scratch_operands = 0 : i64, tpu.core_type = #tpu.core_type<tc>, window_params = [{transform_indices = @transform_0, window_bounds = array<i64: 2048, 96>}, {transform_indices = @transform_1, window_bounds = array<i64: 2048, 1>}, {transform_indices = @transform_2, window_bounds = array<i64: 2048, 96>}]} {
    %get3A = arith.constant 0 : index
    %get3A_0 = arith.constant 0 : index
    %get3A_1 = vector.load %arg1[%get3A, %get3A_0] : memref<2048x96xf32, #tpu.memory_space<vmem>>, vector<2048x96xf32>
    %get3A_2 = arith.constant 0 : index
    %get3A_3 = arith.constant 0 : index
    %get3A_4 = vector.load %arg2[%get3A_2, %get3A_3] : memref<2048x1xf32, #tpu.memory_space<vmem>>, vector<2048x1xf32>
    %max3A = arith.constant 1.000000e+00 : f32
    %max3A_5 = vector.broadcast %max3A : f32 to vector<2048x1xf32>
    %max3A_6 = arith.maximumf %get3A_4, %max3A_5 : vector<2048x1xf32>
    %div3A = vector.broadcast %max3A_6 : vector<2048x1xf32> to vector<2048x96xf32>
    %div3A_7 = arith.divf %get3A_1, %div3A : vector<2048x96xf32>
    %swap3A = arith.constant 0 : index
    %swap3A_8 = arith.constant 0 : index
    %swap3A_9 = vector.load %arg3[%swap3A, %swap3A_8] : memref<2048x96xf32, #tpu.memory_space<vmem>>, vector<2048x96xf32>
    tpu.vector_store %arg3[%swap3A, %swap3A_8], %div3A_7 {strides = array<i32>} : memref<2048x96xf32, #tpu.memory_space<vmem>>, vector<2048x96xf32>,
    return
  }
  func.func @transform_0(%arg0: i32) -> (i32, i32) {
    %c0_i32 = arith.constant 0 : i32
    %c0_i32_0 = arith.constant 0 : i32
    return %arg0, %c0_i32 : i32, i32
  }
  func.func @transform_1(%arg0: i32) -> (i32, i32) {
    %c0_i32 = arith.constant 0 : i32
    %c0_i32_0 = arith.constant 0 : i32
    return %arg0, %c0_i32 : i32, i32
  }
  func.func @transform_2(%arg0: i32) -> (i32, i32) {
    %c0_i32 = arith.constant 0 : i32
    %c0_i32_0 = arith.constant 0 : i32
    return %arg0, %c0_i32 : i32, i32
  }
}

</mosaic_0001>

<sc_bundles>
// kernel: kernel.4.cloned.1.call-start
scs
__scs_entry_jumppad:
0x0: {  	(pc) =	sbr.rel $0x88, $3  }
0x1: {  	(tag) =	ssettag $0x0;
	lr =	simm.s32 $0x1  }
0x2: {  	[smem:$0x3F9F] =	sst lr;
	_ =	strace $0xD0000000  }
0x3: {  	_ = 	snop  }
0x4: {  	_ = 	snop  }
0x5: {  	_ = 	snop  }
0x6: {  	_ = 	snop  }
0x7: {  	_ = 	snop  }
__scs_overlays_trampoline_lowered:
0x8: {  	[smem:$0x3FAE] =	sst s0  }
0x9: {  	[smem:$0x3FAF] =	sst s1  }
0xa: {  	[smem:$0x3FB0] =	sst s2  }
0xb: {  	[smem:$0x3FB1] =	sst s3  }
0xc: {  	[smem:$0x3FB2] =	sst s4  }
0xd: {  	[smem:$0x3FB3] =	sst s5  }
0xe: {  	[smem:$0x3FB4] =	sst s6  }
0xf: {  	[smem:$0x3FB5] =	sst s7  }
0x10: {  	[smem:$0x3FB6] =	sst s8  }
0x11: {  	[smem:$0x3FB7] =	sst s9;
	s0 =	simm.s32 @!p0 $0x0  }
0x12: {  	s1 =	sld [smem:$0x3F9D];
	s0 =	simm.s32 @p0 $0x1  }
0x13: {  	[smem:$0x3FB8] =	sst s0;
	s0 =	simm.s32 @!p1 $0x0  }
0x14: {  	s2 =	sld [smem:$0x3F9C];
	s0 =	simm.s32 @p1 $0x1  }
0x15: {  	[smem:$0x3FB9] =	sst s0;
	s0 =	simm.s32 @!p2 $0x0  }
0x16: {  	s3 =	sld [smem:$0x3FDB];
	s0 =	simm.s32 @p2 $0x1  }
0x17: {  	s4 =	simm.s32 $0x1BF5;
	[smem:$0x3FBB] =	sst s0  }
0x18: {  	s0 =	sld [smem:$0x3F9E];
	_ =	swait.ge [sflag:s4], $0x0  }
0x19: {  	s7 =	sld [smem:$0x3F9F]  }
0x1a: {  	s8 =	sadd.s32 $0xFFFFE003, lr  }
0x1b: {  	s9 =	sadd.s32 $0xFFFFFEF7, lr;
	s5 =	simm.s32 $0xFFFFFFFF;
	p2 =	slt.u32 s8, $0xFFFFF086  }
0x1c: {  	p1 =	slt.u32 s9, $0xF7A;
	s5 =	simm.s32 @!p2 $0x0  }
0x1d: {  	s5 =	simm.s32 @p1 $0x1;
	p0 =	seq.s32 s7, s2  }
0x1e: {  	s7 =	smul.u32 @!p0 $0xF7A, s2;
	p2 =	seq.s32 @!p0 s5, $0x0  }
0x1f: {  	s9 =	smul.u32 $0xF7A, s1;
	s8 =	simm.s32 @!p0 $0x1BF5;
	p2 =	por !p2, p0  }
0x20: {  	[sflag:s8] =	ssyncset.s32 @!p0 $0xFFFFF086;
	s6 =	sadd.s32 @!p0 s3, s7;
	s7 =	simm.s32 @!p0 $0x108  }
0x21: {  	s3 =	sadd.s32 s3, s9;
	s6 =	sadd.s32 @!p0 $0x88, s6;
	s7 =	simm.s32 @p2 $0x1082  }
0x22: {  	[simem:s7], [sflag:s8] =	dma.local @!p0 [hbm:s6], $0xF7A  }
0x23: {  	s9 =	sor.u32 $0xD0000000, s2;
	s6 =	simm.s32 $0x108;
	_ =	swait.ge @!p0 [sflag:s8], $0x0  }
0x24: {  	s3 =	sadd.s32 $0x88, s3;
	s6 =	simm.s32 @!p1 $0x1082;
	[sflag:s4] =	ssyncset.s32 $0xFFFFF086  }
0x25: {  	[simem:s6], [sflag:s4] =	dma.local [hbm:s3], $0xF7A  }
0x26: {  	[smem:$0x3F9F] =	sst s1;
	(tag) =	ssettag s2;
	_ =	strace s9  }
0x27: {  	s1 =	sld [smem:$0x3FAF]  }
0x28: {  	s2 =	sld [smem:$0x3FB0]  }
0x29: {  	s4 =	sld [smem:$0x3FB2]  }
0x2a: {  	p0 =	seq.s32 s5, $0x0;
	s5 =	sld [smem:$0x3FB3]  }
0x2b: {  	s6 =	sld [smem:$0x3FB4]  }
0x2c: {  	s7 =	sld [smem:$0x3FB5]  }
0x2d: {  	s3 =	simm.s32 $0x108;
	s8 =	sld [smem:$0x3FB6]  }
0x2e: {  	s3 =	simm.s32 @!p0 $0x1082;
	s9 =	sld [smem:$0x3FB7]  }
0x2f: {  	lr =	sadd.s32 s0, s3;
	s0 =	sld [smem:$0x3FAE]  }
0x30: {  	s3 =	sld [smem:$0x3FB1]  }
0x31: {  	[smem:$0x3FBA] =	sst s10  }
0x32: {  	s10 =	sld [smem:$0x3FB8];
	_ =	sdelay $0x3  }
0x33: {  	p0 =	seq.s32 s10, $0x1;
	s10 =	sld [smem:$0x3FBA];
	_ =	sdelay $0x3  }
0x34: {  	[smem:$0x3FBA] =	sst s10  }
0x35: {  	s10 =	sld [smem:$0x3FB9];
	_ =	sdelay $0x3  }
0x36: {  	p1 =	seq.s32 s10, $0x1;
	s10 =	sld [smem:$0x3FBA];
	_ =	sdelay $0x3  }
0x37: {  	[smem:$0x3FBA] =	sst s10  }
0x38: {  	s10 =	sld [smem:$0x3FBB]  }
0x39: {  	_ = 	snop;
	(pc) =	sbr.ind lr, $3  }
0x3a: {  	_ = 	snop  }
0x3b: {  	_ = 	snop  }
0x3c: {  	p2 =	seq.s32 s10, $0x1;
	s10 =	sld [smem:$0x3FBA]  }
0x3d: {  	_ =	shalt  }
0x3e: {  	_ =	shalt  }
0x3f: {  	_ =	shalt  }
0x40: {  	_ =	shalt  }
0x41: {  	_ =	shalt  }
0x42: {  	_ =	shalt  }
0x43: {  	_ =	shalt  }
0x44: {  	_ =	shalt  }
0x45: {  	_ =	shalt  }
0x46: {  	_ =	shalt  }
0x47: {  	_ =	shalt  }
0x48: {  	_ =	shalt  }
0x49: {  	_ =	shalt  }
0x4a: {  	_ =	shalt  }
0x4b: {  	_ =	shalt  }
0x4c: {  	_ =	shalt  }
0x4d: {  	_ =	shalt  }
0x4e: {  	_ =	shalt  }
0x4f: {  	_ =	shalt  }
0x50: {  	_ =	shalt  }
0x51: {  	_ =	shalt  }
0x52: {  	_ =	shalt  }
0x53: {  	_ =	shalt  }
0x54: {  	_ =	shalt  }
0x55: {  	_ =	shalt  }
0x56: {  	_ =	shalt  }
0x57: {  	_ =	shalt  }
0x58: {  	_ =	shalt  }
0x59: {  	_ =	shalt  }
0x5a: {  	_ =	shalt  }
0x5b: {  	_ =	shalt  }
0x5c: {  	_ =	shalt  }
0x5d: {  	_ =	shalt  }
0x5e: {  	_ =	shalt  }
0x5f: {  	_ =	shalt  }
0x60: {  	_ =	shalt  }
0x61: {  	_ =	shalt  }
0x62: {  	_ =	shalt  }
0x63: {  	_ =	shalt  }
0x64: {  	_ =	shalt  }
0x65: {  	_ =	shalt  }
0x66: {  	_ =	shalt  }
0x67: {  	_ =	shalt  }
0x68: {  	_ =	shalt  }
0x69: {  	_ =	shalt  }
0x6a: {  	_ =	shalt  }
0x6b: {  	_ =	shalt  }
0x6c: {  	_ =	shalt  }
0x6d: {  	_ =	shalt  }
0x6e: {  	_ =	shalt  }
0x6f: {  	_ =	shalt  }
0x70: {  	_ =	shalt  }
0x71: {  	_ =	shalt  }
0x72: {  	_ =	shalt  }
0x73: {  	_ =	shalt  }
0x74: {  	_ =	shalt  }
0x75: {  	_ =	shalt  }
0x76: {  	_ =	shalt  }
0x77: {  	_ =	shalt  }
0x78: {  	_ =	shalt  }
0x79: {  	_ =	shalt  }
0x7a: {  	_ =	shalt  }
0x7b: {  	_ =	shalt  }
0x7c: {  	_ =	shalt  }
0x7d: {  	_ =	shalt  }
0x7e: {  	_ =	shalt  }
0x7f: {  	_ =	shalt  }
0x80: {  	_ =	shalt  }
0x81: {  	_ =	shalt  }
0x82: {  	_ =	shalt  }
0x83: {  	_ =	shalt  }
0x84: {  	_ =	shalt  }
0x85: {  	_ =	shalt  }
0x86: {  	_ =	shalt  }
0x87: {  	_ =	shalt  }
.Lfunc_end0:
.L_simem_size_0:
called_computation_lowered:
.L_overlay_start_0:
0x88: {  	s2 =	sld [smem:$0x3FD9]  }
0x89: {  	s3 =	sld [smem:$0x3FFE];
	_ =	sdelay $0x1  }
0x8a: {  	s1 =	srdreg.scid  }
0x8b: {  	s0 =	sand.u32 $0x1, s1  }
0x8c: {  	s17 =	sshll.u32 s0, $0xA;
	s2 =	sadd.s32 s3, s2  }
0x8d: {  	s2 =	sadd.s32 s2, s17  }
0x8e: {  	[smem:$0x3FC6] =	sst s2  }
0x8f: {  	_ = 	snop  }
0x90: {  	s2 =	sld [smem:$0x3FC8]  }
0x91: {  	s18 =	sld [smem:$0x3FD0];
	(tm) =	ssettm $0x1  }
0x92: {  	s4 =	sld [smem:$0x3FFB];
	_ =	sdelay $0x3  }
0x93: {  	_ =	strace s4  }
0x94: {  	s4 =	sld [smem:$0x3FFC];
	_ =	sdelay $0x3  }
0x95: {  	_ =	strace s4  }
0x96: {  	s4 =	sld [smem:$0x3FFD];
	_ =	sdelay $0x3  }
0x97: {  	_ =	strace s4  }
0x98: {  	_ =	strace $0x8FFFFFFF  }
0x99: {  	s19 =	sld [smem:$0x3FDB];
	_ =	sdelay $0x1  }
0x9a: {  	s5 =	simm.s32 $_scs_section_size  }
0x9b: {  	s6 =	simm.s32 $_size__tile_overlayer_lowered;
	s7 =	simm.s32 $_tile_overlayer_lowered  }
0x9c: {  	s22 =	simm.s32 $0x1BFF;
	s21 =	sshll.u32 s7, $0x1;
	s4 =	sadd.s32 s5, s19  }
0x9d: {  	s8 =	simm.s32 $0x0;
	s20 =	sshll.u32 s6, $0x1;
	s6 =	sadd.s32 s21, s4  }
0x9e: {  	[timem:s8], [sflag:s22] =	dma.local [hbm:s6], s20  }
0x9f: {  	_ =	swait.ge [sflag:s22], s20  }
0xa0: {  	s5 =	ssub.s32 $0x0, s20;
	[sflag:s22] =	ssyncset.done $0x0  }
0xa1: {  	[sflag:s22] =	ssyncadd.s32 s5;
	_ =	sdelay $0x1  }
0xa2: {  	s23 =	simm.s32 $0x1B8B  }
0xa3: {  	_ =	swait.ge [sflag:s23], $0x1  }
0xa4: {  	[sflag:s23] =	ssyncset.done $0x0  }
0xa5: {  	s25 =	simm.s32 $0x1B8E;
	s24 =	sld [smem:$0x3FFE];
	[sflag:s23] =	ssyncadd.s32 $0xFFFFFFFF  }
0xa6: {  	s26 =	simm.s32 $execute0_lowered;
	[smem:$0x3FD2] =	sst s25  }
0xa7: {  	s6 =	sshll.u32 s26, $0x1;
	_ =	strace $0x80000046;
	[dreg:$0x1] =	wrdreg $0xFFFFFFFF  }
0xa8: {  	s28 =	simm.s32 $_size_execute0_lowered;
	s4 =	sadd.s32 s4, s6;
	[dreg:$0x0] =	wrdreg $0x0  }
0xa9: {  	s6 =	sshll.u32 s28, $0x1;
	[dreg:$0x2] =	wrdreg s4  }
0xaa: {  	[dreg:$0x3] =	wrdreg s6  }
0xab: {  	[dreg:$0x4] =	wrdreg $0xC0  }
0xac: {  	_ =	task [dreg:s8], $0x5FFFF  }
0xad: {  	[dreg:$0x1] =	wrdreg $0xFFFFFFFF  }
0xae: {  	[dreg:$0x0] =	wrdreg $0x60  }
0xaf: {  	[dreg:$0x2] =	wrdreg s24  }
0xb0: {  	[dreg:$0x3] =	wrdreg s2  }
0xb1: {  	[dreg:$0x4] =	wrdreg s18  }
0xb2: {  	[dreg:$0x5] =	wrdreg $0x12F100  }
0xb3: {  	[dreg:$0x6] =	wrdreg $0x131100  }
0xb4: {  	[dreg:$0x7] =	wrdreg $0x1F1400  }
0xb5: {  	[dreg:$0x8] =	wrdreg $0x9  }
0xb6: {  	_ =	task.clear_ibuf [dreg:s8], $0x9FFFF;
	_ =	strace $0x90000046  }
0xb7: {  	s29 =	simm.s32 $0x9;
	_ =	strace $0x80000048  }
0xb8: {  	_ =	swait.ge [sflag:s29], $0x1  }
0xb9: {  	[sflag:s29] =	ssyncadd.s32 $0xFFFFFFFF  }
0xba: {  	_ =	strace $0x90000048  }
0xbb: {  	_ =	sfence  }
0xbc: {  	s30 =	sld [smem:$0x0];
	_ =	sdelay $0x2  }
0xbd: {  	s31 =	sshll.u32 s1, $0xD;
	s1 =	sshrl.u32 s1, $0x2  }
0xbe: {  	s3 =	sand.u32 $0x4000, s31;
	s1 =	sadd.s32 s1, s30  }
0xbf: {  	s0 =	sor.u32 s3, s0;
	s1 =	sshll.u32 s1, $0x11  }
0xc0: {  	s0 =	sor.u32 s1, s0  }
0xc1: {  	s0 =	sadd.s32 $0x8F2B, s0  }
0xc2: {  	[sflag:s0] =	ssyncadd.remote.s32 $0x1  }
0xc3: {  	_ =	sfence.sel $0xFFFF  }
0xc4: {  	[dreg:$0x0] =	wrdreg $0xFFFFFFFF;
	(pc) =	sbr.abs _section_cstart, $3  }
0xc5: {  	[dreg:$0x1] =	wrdreg $0xFFFFFFFF  }
0xc6: {  	_ =	task.clear_ibuf [dreg:s8], $0x2FFFF;
	_ =	strace $0x9FFFFFFF  }
0xc7: {  	(tm) =	ssettm $0x7FFFFFFF  }
tec
execute0_lowered:
.L_overlay_start_1:
0x0: {  	(tag) =	ssettag $0x1  }
0x1: {  	s0 =	rddreg [dreg:$0x0]  }
0x2: {  	s13 =	rddreg [dreg:$0x1]  }
0x3: {  	s2 =	rddreg [dreg:$0x2]  }
0x4: {  	s11 =	rddreg [dreg:$0x3]  }
0x5: {  	s4 =	rddreg [dreg:$0x4]  }
0x6: {  	s5 =	rddreg [dreg:$0x5];
	s16 =	simm.s32 $0x0  }
0x7: {  	s1 =	srdreg.scid;
	s12 =	stileid.u32;
	s28 =	simm.s32 $0xFD10  }
0x8: {  	s29 =	simm.s32 $0x80;
	[smem:$0x7FF] =	sst s16;
	s1 =	sand.u32 $0x1, s1  }
0x9: {  	s8 =	sadd.s32 $0x800A00, s0;
	s6 =	sshll.u32 s12, $0x6;
	s7 =	smul.u32 $0x30000, s12  }
0xa: {  	s15 =	sshll.u32 s12, $0x9;
	s18 =	sshll.u32 s12, $0xC;
	_ =	strace $0x80000047  }
0xb: {  	s3 =	ssub.s32 $0x2, s1;
	[dreg:$0x8] =	wrdreg s6;
	s0 =	sadd.s32 s6, s0  }
0xc: {  	s1 =	sshll.u32 s1, $0x2;
	s20 =	sor.u32 $0x40, s15;
	[dreg:$0x9] =	wrdreg s15  }
0xd: {  	s23 =	sor.u32 $0x80, s15;
	s26 =	sor.u32 $0xC0, s15;
	[dreg:$0xa] =	wrdreg s1  }
0xe: {  	s30 =	sor.u32 $0x100, s15;
	s31 =	sor.u32 $0x140, s15;
	[dreg:$0xb] =	wrdreg s20  }
0xf: {  	s9 =	sor.u32 $0x180, s15;
	s21 =	smul.u32 $0x180, s20;
	[dreg:$0xf] =	wrdreg s23  }
0x10: {  	s10 =	sor.u32 $0x1C0, s15;
	s25 =	smul.u32 $0x180, s23;
	[dreg:$0x10] =	wrdreg s26  }
0x11: {  	s17 =	sshrl.u32 s3, $0x1;
	[dreg:$0x11] =	wrdreg s30;
	s6 =	smul.u32 $0x180, s30  }
0x12: {  	s19 =	sshrl.u32 s7, $0x2;
	[dreg:$0x12] =	wrdreg s31;
	s7 =	smul.u32 $0x180, s31  }
0x13: {  	s1 =	sadd.s32 s13, s18;
	[dreg:$0x13] =	wrdreg s9;
	s9 =	smul.u32 $0x180, s9  }
0x14: {  	s0 =	sadd.s32 $0xA00, s0;
	[dreg:$0x14] =	wrdreg s10;
	s10 =	smul.u32 $0x180, s10  }
0x15: {  	s3 =	ssub.s32 s3, s17;
	[dreg:$0xc] =	wrdreg s1;
	s14 =	sadd.s32 s19, s4  }
0x16: {  	[dreg:$0xd] =	wrdreg s0;
	s22 =	smax.u32 s3, $0x1;
	s24 =	sshrl.u32 s21, $0x2  }
0x17: {  	s3 =	smul.u32 $0x180, s26;
	s1 =	sshrl.u32 s25, $0x2;
	s6 =	sshrl.u32 s6, $0x2  }
0x18: {  	s7 =	sshrl.u32 s7, $0x2;
	s9 =	sshrl.u32 s9, $0x2;
	s10 =	sshrl.u32 s10, $0x2  }
0x19: {  	s21 =	sadd.s32 s15, s11;
	s23 =	sadd.s32 $0x3000, s14;
	[dreg:$0xe] =	wrdreg s22  }
0x1a: {  	s25 =	sadd.s32 $0x6000, s14;
	s26 =	sadd.s32 $0x7800, s14;
	[dreg:$0x1d] =	wrdreg s21  }
0x1b: {  	s30 =	sadd.s32 $0x9000, s14;
	s31 =	sadd.s32 $0xA800, s14;
	[dreg:$0x1f] =	wrdreg s23  }
0x1c: {  	s0 =	sadd.s32 s24, s4;
	s1 =	sadd.s32 s1, s4;
	[smem:$0x7FA] =	sst s25  }
0x1d: {  	s6 =	sadd.s32 s6, s4;
	s7 =	sadd.s32 s7, s4;
	[smem:$0x7FB] =	sst s26  }
0x1e: {  	s9 =	sadd.s32 s9, s4;
	s10 =	sadd.s32 s10, s4;
	[smem:$0x7FC] =	sst s30  }
0x1f: {  	s22 =	sadd.s32 $0x1800, s14;
	s24 =	sadd.s32 $0x4800, s14;
	[smem:$0x7FD] =	sst s31  }
0x20: {  	s21 =	simm.s32 $0xB410;
	s23 =	simm.s32 $0xCC10;
	s25 =	simm.s32 $0xE510  }
0x21: {  	s26 =	simm.s32 $0xE450;
	s3 =	sshrl.u32 s3, $0x2;
	[dreg:$0x1e] =	wrdreg s22  }
0x22: {  	s0 =	sshrl.u32 s0, $0x3;
	s1 =	sshrl.u32 s1, $0x3;
	[smem:$0x7F9] =	sst s24  }
0x23: {  	s17 =	sshrl.u32 s6, $0x3;
	s18 =	sshrl.u32 s7, $0x3;
	[dreg:$0x15] =	wrdreg s0  }
0x24: {  	s19 =	sshrl.u32 s9, $0x3;
	s20 =	sshrl.u32 s10, $0x3;
	[dreg:$0x16] =	wrdreg s1  }
0x25: {  	s9 =	simm.s32 $0x4;
	s10 =	simm.s32 $0x3;
	[dreg:$0x18] =	wrdreg s17  }
0x26: {  	s22 =	simm.s32 $0xB350;
	s24 =	simm.s32 $0xE410;
	[dreg:$0x19] =	wrdreg s18  }
.Ltmp0:
0x27: {  	s3 =	sadd.s32 s3, s4;
	[dreg:$0x1a] =	wrdreg s19;
	(pc) =	sbr.rel .LBB2_1-.Ltmp0, $4  }
0x28: {  	[dreg:$0x1b] =	wrdreg s20;
	s1 =	sshll.u32 s12, $0xF;
	s12 =	simm.s32 $0x1000  }
0x29: {  	s17 =	simm.s32 $0x11510;
	s18 =	simm.s32 $0x9010;
	s19 =	simm.s32 $0x40  }
0x2a: {  	v1 =	vimm.f32 $0.0e+00;
	v2 =	vlaneseq.u32;
	v3 =	vimm.s32 $0x0;
	s20 =	simm.s32 $0xB310;
	s3 =	sshrl.u32 s3, $0x3;
	[dreg:$0x1c] =	wrdreg s1  }
0x2b: {  	v4 =	vimm.s32 $0xFFFFFFFF;
	v5 =	vimm.f32 $1.000000000e+00;
	v0 =	vmov s1;
	[dreg:$0x17] =	wrdreg s3;
	s3 =	sadd.s32 s15, s5;
	s15 =	simm.s32 $0x9110  }
.LBB2_26:
0x2c: {  	s16 =	rddreg [dreg:$0x7]  }
0x2d: {  	s0 =	rddreg [dreg:$0xe];
	s16 =	sadd.s32 $0x1, s16  }
0x2e: {  	p0 =	sne.s32 s16, s0  }
.Ltmp1:
0x2f: {  	_ = 	snop;
	(pc) =	sbr.rel @!p0 .LBB2_27-.Ltmp1, $1  }
0x30: {  	_ =	sdelay $0x3  }
.LBB2_1:
0x31: {  	s0 =	simm.s32 $0x0  }
0x32: {  	[tilespmem:s0+$0x11560] =	vst v1  }
0x33: {  	[tilespmem:s0+$0x11510] =	vst v1  }
0x34: {  	[tilespmem:s0+$0x11520] =	vst v1  }
0x35: {  	[tilespmem:s0+$0x11530] =	vst v1  }
0x36: {  	s6 =	simm.s32 $0x180;
	[tilespmem:s0+$0x11540] =	vst v1  }
.LBB2_2:
0x37: {  	p0 =	sne.s32 s6, $0x5E80;
	[tilespmem:s0+$0x11550] =	vst v1;
	s0 =	sshra.s32 s6, $0x2;
	s6 =	sadd.s32 $0x180, s6  }
.Ltmp2:
0x38: {  	[tilespmem:s0+$0x11560] =	vst v1;
	(pc) =	sbr.rel @p0 .LBB2_2-.Ltmp2, $4  }
0x39: {  	[tilespmem:s0+$0x11510] =	vst v1  }
0x3a: {  	[tilespmem:s0+$0x11520] =	vst v1  }
0x3b: {  	[tilespmem:s0+$0x11530] =	vst v1  }
0x3c: {  	[tilespmem:s0+$0x11540] =	vst v1  }
0x3d: {  	[tilespmem:s0+$0x11550] =	vst v1  }
0x3e: {  	[tilespmem:$0x12D10] =	vst v1  }
0x3f: {  	[tilespmem:$0x12D20] =	vst v1  }
0x40: {  	[tilespmem:$0x12D30] =	vst v1  }
0x41: {  	[tilespmem:$0x12D40] =	vst v1  }
0x42: {  	[tilespmem:$0x12D50] =	vst v1  }
0x43: {  	[tilespmem:$0x12D60] =	vst v1  }
0x44: {  	[tilespmem:$0x12D70] =	vst v1  }
0x45: {  	[tilespmem:$0x12D80] =	vst v1  }
0x46: {  	[tilespmem:$0x12D90] =	vst v1  }
0x47: {  	[tilespmem:$0x12DA0] =	vst v1  }
0x48: {  	[tilespmem:$0x12DB0] =	vst v1  }
0x49: {  	[tilespmem:$0x12DC0] =	vst v1  }
0x4a: {  	[tilespmem:$0x12DD0] =	vst v1  }
0x4b: {  	[tilespmem:$0x12DE0] =	vst v1  }
0x4c: {  	[tilespmem:$0x12DF0] =	vst v1  }
0x4d: {  	[tilespmem:$0x12E00] =	vst v1  }
0x4e: {  	[tilespmem:$0x12E10] =	vst v1  }
0x4f: {  	[tilespmem:$0x12E20] =	vst v1  }
0x50: {  	[tilespmem:$0x12E30] =	vst v1  }
0x51: {  	[tilespmem:$0x12E40] =	vst v1  }
0x52: {  	[tilespmem:$0x12E50] =	vst v1  }
0x53: {  	[tilespmem:$0x12E60] =	vst v1  }
0x54: {  	[tilespmem:$0x12E70] =	vst v1  }
0x55: {  	[tilespmem:$0x12E80] =	vst v1  }
0x56: {  	[tilespmem:$0x12E90] =	vst v1  }
0x57: {  	[tilespmem:$0x12EA0] =	vst v1  }
0x58: {  	[tilespmem:$0x12EB0] =	vst v1  }
0x59: {  	[tilespmem:$0x12EC0] =	vst v1  }
0x5a: {  	[tilespmem:$0x12ED0] =	vst v1  }
0x5b: {  	[tilespmem:$0x12EE0] =	vst v1  }
0x5c: {  	[dreg:$0x7] =	wrdreg s16;
	[tilespmem:$0x12EF0] =	vst v1  }
0x5d: {  	s16 =	rddreg [dreg:$0x1d];
	s6 =	simm.s32 $0x12D10;
	[tilespmem:$0x12F00] =	vst v1  }
0x5e: {  	[spmem:s16] =	stream.linear.scatter [tilespmem:s6], [sflag:$0x4], $0x200, $0x38;
	[tilespmem:$0x1F340] =	vst v63  }
0x5f: {  	_ =	swait.ge [sflag:s9], $0x200  }
0x60: {  	[sflag:s9] =	ssyncset.done $0x0  }
0x61: {  	s30 =	simm.s32 $0x60;
	[sflag:s9] =	ssyncadd.s32 $0xFFFFFE00  }
0x62: {  	s0 =	simm.s32 $0xB150;
	s7 =	simm.s32 $0x0;
	v6 =	vor.u32 s30, v2;
	[bflag:$0x0] =	sbarrier.arrive $0xFFFF  }
0x63: {  	s31 =	simm.s32 $0x10;
	v7 =	vor.u32 s7, v2;
	[tilespmem:s0+$0x20] =	vst v6  }
0x64: {  	s7 =	simm.s32 $0x20;
	[tilespmem:s0+$0xFFFFFFC0] =	vst v7;
	v6 =	vor.u32 s31, v2  }
0x65: {  	s16 =	simm.s32 $0x30;
	[tilespmem:s0+$0xFFFFFFD0] =	vst v6;
	v6 =	vor.u32 s7, v2  }
0x66: {  	s30 =	simm.s32 $0x40;
	[tilespmem:s0+$0xFFFFFFE0] =	vst v6;
	v6 =	vor.u32 s16, v2  }
0x67: {  	s31 =	simm.s32 $0x50;
	[tilespmem:s0+$0xFFFFFFF0] =	vst v6;
	v6 =	vor.u32 s30, v2  }
0x68: {  	s11 =	simm.s32 $0x70;
	[tilespmem:s0+$0x0] =	vst v6;
	v6 =	vor.u32 s31, v2  }
0x69: {  	s6 =	simm.s32 $0xF0;
	s7 =	simm.s32 $0x170;
	s16 =	simm.s32 $0xE0;
	[tilespmem:s0+$0x10] =	vst v6;
	v6 =	vor.u32 s11, v2  }
.LBB2_4:
0x6a: {  	p0 =	seq.s32 s7, $0x1F0;
	s11 =	sadd.s32 $0xFFFFFF90, s6;
	v7 =	vor.u32 s16, v2;
	[tilespmem:s0+$0x30] =	vst v6;
	s0 =	sadd.s32 $0x80, s0  }
0x6b: {  	v6 =	vor.u32 s11, v2;
	s11 =	sadd.s32 $0xFFFFFFA0, s6;
	[tilespmem:s0+$0x20] =	vst v7  }
0x6c: {  	[tilespmem:s0+$0xFFFFFFC0] =	vst v6;
	v6 =	vor.u32 s11, v2;
	s11 =	sadd.s32 $0xFFFFFFB0, s6  }
.Ltmp3:
0x6d: {  	[tilespmem:s0+$0xFFFFFFD0] =	vst v6;
	v6 =	vor.u32 s11, v2;
	s11 =	sadd.s32 $0xFFFFFFC0, s6;
	(pc) =	sbr.rel @!p0 .LBB2_4-.Ltmp3, $4  }
0x6e: {  	[tilespmem:s0+$0xFFFFFFE0] =	vst v6;
	v6 =	vor.u32 s11, v2;
	s11 =	sadd.s32 $0xFFFFFFD0, s6  }
0x6f: {  	[tilespmem:s0+$0xFFFFFFF0] =	vst v6;
	v6 =	vor.u32 s11, v2;
	s11 =	sadd.s32 $0xFFFFFFE0, s6  }
0x70: {  	[tilespmem:s0+$0x0] =	vst v6;
	v6 =	vor.u32 s11, v2  }
0x71: {  	s16 =	sadd.s32 $0xFFFFFFF0, s7;
	[tilespmem:s0+$0x10] =	vst v6;
	v6 =	vor.u32 s6, v2;
	s6 =	smov.u32 s7;
	s7 =	sadd.s32 $0x80, s7  }
0x72: {  	s7 =	sadd.s32 $0xFFFFFF90, s6;
	v7 =	vor.u32 s16, v2;
	[tilespmem:s0+$0x30] =	vst v6;
	s0 =	sadd.s32 $0x80, s0  }
0x73: {  	s31 =	sadd.s32 $0xFFFFFFA0, s6;
	v6 =	vor.u32 s7, v2;
	[tilespmem:s0+$0x20] =	vst v7  }
0x74: {  	s11 =	sadd.s32 $0xFFFFFFB0, s6;
	[tilespmem:s0+$0xFFFFFFC0] =	vst v6;
	v6 =	vor.u32 s31, v2  }
0x75: {  	s16 =	sadd.s32 $0xFFFFFFC0, s6;
	[tilespmem:s0+$0xFFFFFFD0] =	vst v6;
	v6 =	vor.u32 s11, v2  }
.Ltmp4:
0x76: {  	s30 =	sadd.s32 $0xFFFFFFD0, s6;
	[tilespmem:s0+$0xFFFFFFE0] =	vst v6;
	v6 =	vor.u32 s16, v2;
	(pc) =	sbr.rel .LBB2_6-.Ltmp4, $4  }
0x77: {  	s31 =	sadd.s32 $0xFFFFFFE0, s6;
	[tilespmem:s0+$0xFFFFFFF0] =	vst v6;
	v6 =	vor.u32 s30, v2  }
0x78: {  	[tilespmem:s0+$0x0] =	vst v6;
	v6 =	vor.u32 s31, v2  }
0x79: {  	[tilespmem:s0+$0x10] =	vst v6;
	v6 =	vor.u32 s6, v2  }
0x7a: {  	s7 =	simm.s32 $0x0;
	[tilespmem:s0+$0x30] =	vst v6  }
.LBB2_25:
0x7b: {  	s7 =	sld [smem:$0x7F8];
	_ =	sdelay $0x2  }
0x7c: {  	s7 =	sadd.s32 $0x1, s7  }
0x7d: {  	p0 =	sne.s32 s7, $0x4  }
.Ltmp5:
0x7e: {  	_ = 	snop;
	(pc) =	sbr.rel @!p0 .LBB2_26-.Ltmp5, $3  }
0x7f: {  	_ =	sdelay $0x1  }
0x80: {  	s13 =	rddreg [dreg:$0x1]  }
0x81: {  	s1 =	rddreg [dreg:$0x1c]  }
.LBB2_6:
0x82: {  	s0 =	rddreg [dreg:$0xc]  }
0x83: {  	s6 =	simm.s32 $0x0;
	s31 =	rddreg [dreg:$0xa]  }
0x84: {  	[tilespmem:s6], [sflag:$0x3] =	stream.linear.gather [hbm4b:s0+s6], $0x800, $0x38;
	[tilespmem:$0x1F340] =	vst v63  }
0x85: {  	[smem:$0x7F8] =	sst s7;
	p0 =	por $0x0, $0x0;
	s0 =	sadd.s32 s31, s7  }
0x86: {  	s11 =	simm.s32 $0x0;
	s6 =	simm.s32 $0x0;
	s7 =	simm.s32 $0x0;
	v6 =	vmov s0  }
.LBB2_8:
0x87: {  	s16 =	smov.u32 s7;
	s30 =	simm.s32 $0x1  }
0x88: {  	s7 =	sadd.s32 $0x1, s7;
	s30 =	simm.s32 @!p0 $0x0;
	p1 =	seq.s32 s16, $0xF  }
0x89: {  	_ =	swait.ge [sflag:s10], $0x800;
	s16 =	sshll.u32 s30, $0xB;
	s30 =	sshll.u32 @!p1 s7, $0xB  }
0x8a: {  	[sflag:s10] =	ssyncset.done $0x0;
	s31 =	sadd.s32 @!p1 s1, s30;
	v7 =	vmov s16  }
0x8b: {  	[sflag:s10] =	ssyncadd.s32 $0xFFFFF800;
	s16 =	sshrl.u32 @!p1 s31, $0x3  }
0x8c: {  	s30 =	sand.u32 @!p1 $0x800, s30;
	s31 =	simm.s32 @!p1 $0x0;
	s16 =	sadd.s32 @!p1 s13, s16  }
0x8d: {  	[tilespmem:s30], [sflag:$0x3] =	stream.linear.gather @!p1 [hbm4b:s16+s31], $0x800, $0x38;
	[tilespmem:$0x1F340] =	vst v63  }
0x8e: {  	s16 =	simm.s32 $0x0  }
0x8f: {  	v8 =	vld.idx.msk [tilespmem:v7+s16+$0x0 ss:$0x1], $0xffff;
	_ =	sdelay $0x4  }
0x90: {  	v9 =	vshra.s32 v8, $0xF  }
0x91: {  	vm0 =	veq.s32 v9, v6  }
0x92: {  	v9 =	vsel vm0, $0x1, v3  }
0x93: {  	(xrf0) =	vadd.scan.msk.s32 $0xffff, v9;
	_ =	sdelay $0x2  }
0x94: {  	v63 =	vmov s11  }
0x95: {  	v9 =	vadd.s32 $0xFFFFFFFF, v63  }
0x96: {  	v9 =	vbroadcast v9, $0x0  }
0x97: {  	v10, _, _ =	vpop (xrf0)  }
0x98: {  	v9 =	vadd.s32 v10, v9;
	(v2sf) =	vpush v10, $0xF  }
0x99: {  	v8 =	vshll.u32 v8, $0xF  }
0x9a: {  	v8 =	vand.u32 $0x3FFF8000, v8  }
0x9b: {  	v8 =	vor.u32 s6, v8  }
0x9c: {  	v8 =	vor.u32 v2, v8  }
0x9d: {  	s31 =	simm.s32 $0x10;
	s30 =	simm.s32 $0x80;
	s16 =	smov.u32 s6;
	[tilespmem:v9+s12+$0x0] =	vst.idx.msk vm0, v8  }
.LBB2_9:
0x9e: {  	p1 =	seq.s32 s30, $0x1FC0;
	v8 =	vld.idx.msk [tilespmem:v7+s31+$0x0 ss:$0x1], $0xffff;
	_ =	sdelay $0x5  }
0x9f: {  	v9 =	vshra.s32 v8, $0xF;
	v8 =	vshll.u32 v8, $0xF  }
0xa0: {  	vm0 =	veq.s32 v9, v6  }
0xa1: {  	v9 =	vsel vm0, $0x1, v3  }
0xa2: {  	(xrf0) =	vadd.scan.msk.s32 $0xffff, v9;
	s31 =	spop (v2sf)  }
0xa3: {  	s11 =	sadd.s32 s11, s31  }
0xa4: {  	v9 =	vmov s11  }
0xa5: {  	v9 =	vadd.s32 $0xFFFFFFFF, v9  }
0xa6: {  	v9 =	vbroadcast v9, $0x0;
	_ =	sdelay $0x1  }
0xa7: {  	v10, _, _ =	vpop (xrf0)  }
0xa8: {  	v9 =	vadd.s32 v10, v9;
	(v2sf) =	vpush v10, $0xF  }
.Ltmp6:
0xa9: {  	(pc) =	sbr.rel @!p1 .LBB2_9-.Ltmp6, $4  }
0xaa: {  	s16 =	sadd.s32 $0x10, s16;
	v8 =	vand.u32 $0x3FFF8000, v8  }
0xab: {  	v8 =	vor.u32 s16, v8  }
0xac: {  	v8 =	vor.u32 v2, v8  }
0xad: {  	s31 =	sshra.s32 s30, $0x2;
	s30 =	sadd.s32 $0x40, s30;
	[tilespmem:v9+s12+$0x0] =	vst.idx.msk vm0, v8  }
0xae: {  	_ =	sdelay $0x3  }
0xaf: {  	v7 =	vld.idx.msk [tilespmem:v7+s31+$0x0 ss:$0x1], $0xffff;
	_ =	sdelay $0x4  }
0xb0: {  	v8 =	vshra.s32 v7, $0xF  }
0xb1: {  	vm0 =	veq.s32 v8, v6  }
0xb2: {  	v8 =	vsel vm0, $0x1, v3  }
0xb3: {  	(xrf0) =	vadd.scan.msk.s32 $0xffff, v8;
	_ =	sdelay $0x5  }
0xb4: {  	v8, _, _ =	vpop (xrf0)  }
0xb5: {  	(v2sf) =	vpush v8, $0xF;
	_ =	sdelay $0x4  }
0xb6: {  	s30 =	spop (v2sf)  }
0xb7: {  	s11 =	sadd.s32 s11, s30  }
0xb8: {  	v9 =	vmov s11  }
0xb9: {  	v9 =	vadd.s32 $0xFFFFFFFF, v9  }
0xba: {  	v9 =	vbroadcast v9, $0x0;
	_ =	sdelay $0x1  }
0xbb: {  	v8 =	vadd.s32 v8, v9  }
0xbc: {  	v7 =	vshll.u32 v7, $0xF  }
0xbd: {  	s16 =	sadd.s32 $0x10, s16;
	v7 =	vand.u32 $0x3FFF8000, v7  }
0xbe: {  	v7 =	vor.u32 s16, v7  }
0xbf: {  	v7 =	vor.u32 v2, v7;
	s31 =	spop (v2sf)  }
0xc0: {  	[tilespmem:v8+s12+$0x0] =	vst.idx.msk vm0, v7;
	s11 =	sadd.s32 s11, s31  }
0xc1: {  	p1 =	seq.s32 s7, $0x10  }
.Ltmp7:
0xc2: {  	_ = 	snop;
	(pc) =	sbr.rel @!p1 .LBB2_8-.Ltmp7, $2  }
0xc3: {  	_ =	sdelay $0x2  }
0xc4: {  	s6 =	sadd.s32 $0x800, s6;
	p0 =	por !p0, !p0  }
0xc5: {  	v6 =	vadd.s32 s11, v2  }
.Ltmp8:
0xc6: {  	_ = 	snop;
	(pc) =	sbr.rel .LBB2_12-.Ltmp8, $4  }
0xc7: {  	_ = 	snop  }
0xc8: {  	s6 =	sadd.s32 $0xF, s11  }
0xc9: {  	s31 =	sshll.u32 s0, $0x2;
	s1 =	sshra.s32 s6, $0x4  }
0xca: {  	s6 =	simm.s32 $0x0;
	[smem:$0x7F7] =	sst s1;
	p0 =	slt.s32 s1, $0x1;
	[tilespmem:v6+s12+$0x0] =	vst.idx.msk $0xffff, v4  }
.LBB2_23:
0xcb: {  	s0 =	simm.s32 @!p2 $0x2  }
0xcc: {  	_ =	swait.ge @!p2 [sflag:s0], $0x3000  }
0xcd: {  	[sflag:s0] =	ssyncset.done @!p2 $0x0  }
0xce: {  	[sflag:s0] =	ssyncadd.s32 @!p2 $0xFFFFD000  }
0xcf: {  	v6 =	vld [tilespmem:$0x9010];
	_ =	sdelay $0x1  }
0xd0: {  	v7 =	vld [tilespmem:$0x9020];
	_ =	sdelay $0x1  }
0xd1: {  	v8 =	vld [tilespmem:$0x9030]  }
0xd2: {  	v9 =	vand.u32 $0x7FFF, v6  }
0xd3: {  	v10 =	vld [tilespmem:$0x9040];
	vm0 =	vgt.s32 v6, $0xFFFFFFFF;
	v6 =	vshra.s32 v6, $0xF;
	v9 =	vor.u32 v0, v9  }
0xd4: {  	v59 =	vand.u32 $0x7FFF, v7;
	v6 =	vnsel vm0, $0x2000, v6;
	[tilespmem:$0xE410] =	vst v9  }
0xd5: {  	v60 =	vld [tilespmem:$0x9050];
	vm9 =	vgt.s32 v7, $0xFFFFFFFF;
	[tilespmem:$0xE490] =	vst v6;
	v6 =	vshra.s32 v7, $0xF;
	v7 =	vor.u32 v0, v59  }
0xd6: {  	v6 =	vnsel vm9, $0x2000, v6;
	[tilespmem:$0xE420] =	vst v7;
	v7 =	vand.u32 $0x7FFF, v8  }
0xd7: {  	v61 =	vld [tilespmem:$0x9060];
	vm10 =	vgt.s32 v8, $0xFFFFFFFF;
	[tilespmem:$0xE4A0] =	vst v6;
	v6 =	vshra.s32 v8, $0xF;
	v7 =	vor.u32 v0, v7  }
0xd8: {  	v6 =	vnsel vm10, $0x2000, v6;
	[tilespmem:$0xE430] =	vst v7;
	v7 =	vand.u32 $0x7FFF, v10  }
0xd9: {  	v62 =	vld [tilespmem:$0x9070];
	vm11 =	vgt.s32 v10, $0xFFFFFFFF;
	[tilespmem:$0xE4B0] =	vst v6;
	v6 =	vshra.s32 v10, $0xF;
	v7 =	vor.u32 v0, v7  }
0xda: {  	v6 =	vnsel vm11, $0x2000, v6;
	[tilespmem:$0xE440] =	vst v7;
	v7 =	vand.u32 $0x7FFF, v60  }
0xdb: {  	v63 =	vld [tilespmem:$0x9080];
	vm12 =	vgt.s32 v60, $0xFFFFFFFF;
	[tilespmem:$0xE4C0] =	vst v6;
	v6 =	vshra.s32 v60, $0xF;
	v7 =	vor.u32 v0, v7  }
0xdc: {  	v6 =	vnsel vm12, $0x2000, v6;
	[tilespmem:$0xE450] =	vst v7;
	v7 =	vand.u32 $0x7FFF, v61  }
0xdd: {  	vm13 =	vgt.s32 v61, $0xFFFFFFFF;
	[tilespmem:$0xE4D0] =	vst v6;
	v6 =	vshra.s32 v61, $0xF;
	v7 =	vor.u32 v0, v7  }
0xde: {  	v6 =	vnsel vm13, $0x2000, v6;
	[tilespmem:$0xE460] =	vst v7;
	v7 =	vand.u32 $0x7FFF, v62  }
0xdf: {  	vm14 =	vgt.s32 v62, $0xFFFFFFFF;
	[tilespmem:$0xE4E0] =	vst v6;
	v6 =	vshra.s32 v62, $0xF;
	v7 =	vor.u32 v0, v7  }
0xe0: {  	v6 =	vnsel vm14, $0x2000, v6;
	[tilespmem:$0xE470] =	vst v7;
	v7 =	vand.u32 $0x7FFF, v63  }
0xe1: {  	vm15 =	vgt.s32 v63, $0xFFFFFFFF;
	[tilespmem:$0xE4F0] =	vst v6;
	v6 =	vshra.s32 v63, $0xF;
	v7 =	vor.u32 v0, v7  }
0xe2: {  	p2 =	slt.s32 s16, $0x1;
	v6 =	vnsel vm15, $0x2000, v6;
	[tilespmem:$0xE480] =	vst v7  }
0xe3: {  	s0 =	simm.s32 @!p2 $0x1;
	[tilespmem:$0xE500] =	vst v6  }
0xe4: {  	_ =	swait.ge @!p2 [sflag:s0], $0x1800  }
0xe5: {  	[sflag:s0] =	ssyncset.done @!p2 $0x0  }
0xe6: {  	[sflag:s0] =	ssyncadd.s32 @!p2 $0xFFFFE800  }
0xe7: {  	_ =	swait.ge @!p2 [sflag:s0], $0x1800  }
0xe8: {  	s1 =	simm.s32 @!p2 $0xB390;
	[sflag:s0] =	ssyncset.done @!p2 $0x0  }
0xe9: {  	s7 =	simm.s32 @!p2 $0xB410;
	[sflag:s0] =	ssyncadd.s32 @!p2 $0xFFFFE800;
	s0 =	simm.s32 @!p2 $0x80  }
0xea: {  	[spmem:s4] =	stream.indirect.scatter.add.f32 @!p2 [tilespmem:s7], [sflag:$0x2], $0x60, s1, s0, $0xb8;
	[tilespmem:$0x1F340] =	vst v63  }
0xeb: {  	_ = 	snop  }
0xec: {  	[tilespmem:s25], [sflag:$0x1] =	stream.indirect.gather [hbm4b:s8+s19], $0x60, s24, s19, $0xb8;
	[tilespmem:$0x1F340] =	vst v63  }
0xed: {  	_ = 	snop  }
0xee: {  	[tilespmem:s28], [sflag:$0x1] =	stream.indirect.gather [hbm4b:s8+s19], $0x60, s26, s19, $0xb8;
	[tilespmem:$0x1F340] =	vst v63  }
.LBB2_24:
0xef: {  	s0 =	simm.s32 $0x1  }
0xf0: {  	s0 =	simm.s32 @!p1 $0x0  }
0xf1: {  	s0 =	sadd.s32 s0, s16  }
0xf2: {  	s1 =	sand.u32 $0x1, s0  }
0xf3: {  	p1 =	slt.s32 s0, $0x1;
	p3 =	seq.s32 s1, $0x1  }
0xf4: {  	p2 =	por !p3, p1  }
0xf5: {  	s7 =	simm.s32 @!p2 $0x1  }
0xf6: {  	_ =	swait.ge @!p2 [sflag:s7], $0x1800  }
0xf7: {  	[sflag:s7] =	ssyncset.done @!p2 $0x0  }
0xf8: {  	[sflag:s7] =	ssyncadd.s32 @!p2 $0xFFFFE800  }
0xf9: {  	s11 =	simm.s32 @!p2 $0xB390;
	p4 =	slt.u32 @!p2 s0, $0x2;
	_ =	swait.ge @!p2 [sflag:s7], $0x1800  }
0xfa: {  	s13 =	simm.s32 @!p2 $0xB410;
	p3 =	por @!p1 p4, !p3;
	[sflag:s7] =	ssyncset.done @!p2 $0x0  }
0xfb: {  	p3 =	por p3, p1;
	[sflag:s7] =	ssyncadd.s32 @!p2 $0xFFFFE800;
	s7 =	simm.s32 @!p2 $0x80  }
0xfc: {  	[spmem:s4] =	stream.indirect.scatter.add.f32 @!p2 [tilespmem:s13], [sflag:$0x2], $0x60, s11, s7, $0xb8;
	[tilespmem:$0x1F340] =	vst v63  }
0xfd: {  	s7 =	simm.s32 @!p3 $0x2  }
0xfe: {  	_ =	swait.ge @!p3 [sflag:s7], $0x3000  }
0xff: {  	[sflag:s7] =	ssyncset.done @!p3 $0x0  }
0x100: {  	[sflag:s7] =	ssyncadd.s32 @!p3 $0xFFFFD000;
	s7 =	simm.s32 @!p2 $0x2  }
0x101: {  	p4 =	sne.s32 @!p1 s1, $0x0;
	_ =	swait.ge @!p2 [sflag:s7], $0x3000  }
0x102: {  	p3 =	por p4, p1;
	[sflag:s7] =	ssyncset.done @!p2 $0x0  }
0x103: {  	s1 =	simm.s32 @!p3 $0x1;
	[sflag:s7] =	ssyncadd.s32 @!p2 $0xFFFFD000  }
0x104: {  	_ =	swait.ge @!p3 [sflag:s1], $0x1800  }
0x105: {  	[sflag:s1] =	ssyncset.done @!p3 $0x0  }
0x106: {  	p2 =	slt.u32 @!p3 s0, $0x2;
	[sflag:s1] =	ssyncadd.s32 @!p3 $0xFFFFE800  }
0x107: {  	s11 =	simm.s32 @!p3 $0xE510;
	p2 =	por @!p1 p2, p4;
	_ =	swait.ge @!p3 [sflag:s1], $0x1800  }
0x108: {  	s7 =	simm.s32 @!p3 $0xE490;
	p1 =	por p2, p1;
	[sflag:s1] =	ssyncset.done @!p3 $0x0  }
0x109: {  	s0 =	simm.s32 @!p1 $0x2;
	[sflag:s1] =	ssyncadd.s32 @!p3 $0xFFFFE800;
	s1 =	simm.s32 @!p3 $0x80  }
0x10a: {  	[spmem:s4] =	stream.indirect.scatter.add.f32 @!p3 [tilespmem:s11], [sflag:$0x2], $0x60, s7, s1, $0xb8;
	[tilespmem:$0x1F340] =	vst v63  }
0x10b: {  	_ =	swait.ge @!p1 [sflag:s0], $0x3000  }
0x10c: {  	[sflag:s0] =	ssyncset.done @!p1 $0x0  }
0x10d: {  	[sflag:s0] =	ssyncadd.s32 @!p1 $0xFFFFD000;
	s0 =	simm.s32 @!p3 $0x2  }
0x10e: {  	_ =	swait.ge @!p3 [sflag:s0], $0x3000  }
0x10f: {  	[sflag:s0] =	ssyncset.done @!p3 $0x0  }
0x110: {  	s7 =	simm.s32 $0xB110;
	[sflag:s0] =	ssyncadd.s32 @!p3 $0xFFFFD000  }
0x111: {  	[spmem:s5] =	stream.indirect.scatter.add.f32 [tilespmem:s15], [sflag:$0x4], $0x10, s7, s29, $0xb8;
	[tilespmem:$0x1F340] =	vst v63  }
0x112: {  	_ =	swait.ge [sflag:s9], $0x800  }
0x113: {  	[sflag:s9] =	ssyncset.done $0x0  }
0x114: {  	s13 =	simm.s32 $0x9910;
	s11 =	simm.s32 $0xB190;
	[sflag:s9] =	ssyncadd.s32 $0xFFFFF800  }
0x115: {  	[spmem:s5] =	stream.indirect.scatter.add.f32 [tilespmem:s13], [sflag:$0x4], $0x10, s11, s29, $0xb8;
	[tilespmem:$0x1F340] =	vst v63  }
0x116: {  	_ =	swait.ge [sflag:s9], $0x800  }
0x117: {  	[sflag:s9] =	ssyncset.done $0x0  }
0x118: {  	s30 =	simm.s32 $0xA110;
	s16 =	simm.s32 $0xB210;
	[sflag:s9] =	ssyncadd.s32 $0xFFFFF800  }
0x119: {  	[spmem:s5] =	stream.indirect.scatter.add.f32 [tilespmem:s30], [sflag:$0x4], $0x10, s16, s29, $0xb8;
	[tilespmem:$0x1F340] =	vst v63  }
0x11a: {  	_ =	swait.ge [sflag:s9], $0x800  }
0x11b: {  	[sflag:s9] =	ssyncset.done $0x0  }
0x11c: {  	s7 =	simm.s32 $0xB290;
	s11 =	simm.s32 $0xA910;
	[sflag:s9] =	ssyncadd.s32 $0xFFFFF800  }
0x11d: {  	[spmem:s5] =	stream.indirect.scatter.add.f32 [tilespmem:s11], [sflag:$0x4], $0x10, s7, s29, $0xb8;
	[tilespmem:$0x1F340] =	vst v63  }
0x11e: {  	s0 =	sadd.s32 s31, s6;
	_ =	swait.ge [sflag:s9], $0x800  }
0x11f: {  	s1 =	sshll.u32 s0, $0xD;
	[sflag:s9] =	ssyncset.done $0x0;
	s13 =	rddreg [dreg:$0x9]  }
0x120: {  	s7 =	sor.u32 s1, s13;
	[sflag:s9] =	ssyncadd.s32 $0xFFFFF800  }
0x121: {  	s7 =	smul.u32 $0xC, s7;
	[bflag:$0x0] =	sbarrier.arrive $0xFFFF  }
0x122: {  	s16 =	rddreg [dreg:$0x8]  }
0x123: {  	s30 =	sshrl.u32 s14, $0x3;
	s7 =	sadd.s32 s2, s7;
	s11 =	sor.u32 $0x1C04, s16  }
0x124: {  	[hbm:s7], [sflag:s11] =	dma.local [spmem:s30], $0x300  }
0x125: {  	s7 =	rddreg [dreg:$0xb]  }
0x126: {  	s7 =	sor.u32 s1, s7  }
0x127: {  	_ =	swait.ge [sflag:s9], $0x300;
	s7 =	smul.u32 $0xC, s7  }
0x128: {  	[sflag:s9] =	ssyncset.done $0x0  }
0x129: {  	s16 =	rddreg [dreg:$0x15];
	[sflag:s9] =	ssyncadd.s32 $0xFFFFFD00;
	s7 =	sadd.s32 s2, s7  }
0x12a: {  	[hbm:s7], [sflag:s11] =	dma.local [spmem:s16], $0x300  }
0x12b: {  	s7 =	rddreg [dreg:$0xf]  }
0x12c: {  	s7 =	sor.u32 s1, s7  }
0x12d: {  	_ =	swait.ge [sflag:s9], $0x300;
	s7 =	smul.u32 $0xC, s7  }
0x12e: {  	[sflag:s9] =	ssyncset.done $0x0  }
0x12f: {  	s30 =	rddreg [dreg:$0x16];
	[sflag:s9] =	ssyncadd.s32 $0xFFFFFD00;
	s7 =	sadd.s32 s2, s7  }
0x130: {  	[hbm:s7], [sflag:s11] =	dma.local [spmem:s30], $0x300  }
0x131: {  	s7 =	rddreg [dreg:$0x10]  }
0x132: {  	s7 =	sor.u32 s1, s7  }
0x133: {  	_ =	swait.ge [sflag:s9], $0x300;
	s7 =	smul.u32 $0xC, s7  }
0x134: {  	[sflag:s9] =	ssyncset.done $0x0  }
0x135: {  	s16 =	rddreg [dreg:$0x17];
	[sflag:s9] =	ssyncadd.s32 $0xFFFFFD00;
	s7 =	sadd.s32 s2, s7  }
0x136: {  	[hbm:s7], [sflag:s11] =	dma.local [spmem:s16], $0x300  }
0x137: {  	s7 =	rddreg [dreg:$0x11]  }
0x138: {  	s7 =	sor.u32 s1, s7  }
0x139: {  	_ =	swait.ge [sflag:s9], $0x300;
	s7 =	smul.u32 $0xC, s7  }
0x13a: {  	[sflag:s9] =	ssyncset.done $0x0  }
0x13b: {  	s30 =	rddreg [dreg:$0x18];
	[sflag:s9] =	ssyncadd.s32 $0xFFFFFD00;
	s7 =	sadd.s32 s2, s7  }
0x13c: {  	[hbm:s7], [sflag:s11] =	dma.local [spmem:s30], $0x300  }
0x13d: {  	s7 =	rddreg [dreg:$0x12]  }
0x13e: {  	s7 =	sor.u32 s1, s7  }
0x13f: {  	_ =	swait.ge [sflag:s9], $0x300;
	s7 =	smul.u32 $0xC, s7  }
0x140: {  	[sflag:s9] =	ssyncset.done $0x0  }
0x141: {  	s16 =	rddreg [dreg:$0x19];
	[sflag:s9] =	ssyncadd.s32 $0xFFFFFD00;
	s7 =	sadd.s32 s2, s7  }
0x142: {  	[hbm:s7], [sflag:s11] =	dma.local [spmem:s16], $0x300  }
0x143: {  	s7 =	rddreg [dreg:$0x13]  }
0x144: {  	s7 =	sor.u32 s1, s7  }
0x145: {  	_ =	swait.ge [sflag:s9], $0x300;
	s7 =	smul.u32 $0xC, s7  }
0x146: {  	[sflag:s9] =	ssyncset.done $0x0  }
0x147: {  	s30 =	rddreg [dreg:$0x1a];
	[sflag:s9] =	ssyncadd.s32 $0xFFFFFD00;
	s7 =	sadd.s32 s2, s7  }
0x148: {  	[hbm:s7], [sflag:s11] =	dma.local [spmem:s30], $0x300  }
0x149: {  	s7 =	rddreg [dreg:$0x14]  }
0x14a: {  	s1 =	sor.u32 s1, s7  }
0x14b: {  	_ =	swait.ge [sflag:s9], $0x300;
	s1 =	smul.u32 $0xC, s1  }
0x14c: {  	s6 =	sadd.s32 $0x1, s6;
	[sflag:s9] =	ssyncset.done $0x0  }
0x14d: {  	s13 =	rddreg [dreg:$0x1b];
	[sflag:s9] =	ssyncadd.s32 $0xFFFFFD00;
	s1 =	sadd.s32 s2, s1  }
0x14e: {  	[hbm:s1], [sflag:s11] =	dma.local [spmem:s13], $0x300  }
0x14f: {  	s0 =	sshll.u32 s0, $0xA;
	p1 =	sne.s32 s6, $0x4;
	_ =	swait.ge [sflag:s9], $0x300  }
0x150: {  	s30 =	sshrl.u32 s3, $0x3;
	[sflag:s9] =	ssyncset.done $0x0;
	s16 =	rddreg [dreg:$0xd]  }
.Ltmp9:
0x151: {  	[sflag:s9] =	ssyncadd.s32 $0xFFFFFD00;
	s0 =	sadd.s32 s0, s16;
	(pc) =	sbr.rel @!p1 .LBB2_25-.Ltmp9, $4  }
0x152: {  	[hbm:s0], [sflag:s11] =	dma.local [spmem:s30], $0x40  }
0x153: {  	_ =	swait.ge [sflag:s9], $0x40  }
0x154: {  	[sflag:s9] =	ssyncset.done $0x0  }
0x155: {  	[sflag:s9] =	ssyncadd.s32 $0xFFFFFFC0  }
.LBB2_12:
0x156: {  	s0 =	rddreg [dreg:$0x3]  }
0x157: {  	[tilespmem:s15], [sflag:$0x4] =	stream.linear.gather [spmem:s0], $0x2000, $0x38;
	[tilespmem:$0x1F340] =	vst v63  }
0x158: {  	_ =	swait.ge [sflag:s9], $0x2000  }
0x159: {  	[sflag:s9] =	ssyncset.done $0x0  }
0x15a: {  	[sflag:s9] =	ssyncadd.s32 $0xFFFFE000  }
0x15b: {  	[spmem:s14] =	stream.linear.scatter [tilespmem:s17], [sflag:$0x4], $0x1800, $0x38;
	[tilespmem:$0x1F340] =	vst v63  }
0x15c: {  	_ =	swait.ge [sflag:s9], $0x1800  }
0x15d: {  	[sflag:s9] =	ssyncset.done $0x0  }
0x15e: {  	s30 =	rddreg [dreg:$0x1e];
	[sflag:s9] =	ssyncadd.s32 $0xFFFFE800  }
0x15f: {  	[spmem:s30] =	stream.linear.scatter [tilespmem:s17], [sflag:$0x4], $0x1800, $0x38;
	[tilespmem:$0x1F340] =	vst v63  }
0x160: {  	_ =	swait.ge [sflag:s9], $0x1800  }
0x161: {  	[sflag:s9] =	ssyncset.done $0x0  }
0x162: {  	s1 =	rddreg [dreg:$0x1f];
	[sflag:s9] =	ssyncadd.s32 $0xFFFFE800  }
0x163: {  	[spmem:s1] =	stream.linear.scatter [tilespmem:s17], [sflag:$0x4], $0x1800, $0x38;
	[tilespmem:$0x1F340] =	vst v63  }
0x164: {  	_ =	swait.ge [sflag:s9], $0x1800  }
0x165: {  	s7 =	sld [smem:$0x7F9]  }
0x166: {  	[sflag:s9] =	ssyncset.done $0x0  }
0x167: {  	[sflag:s9] =	ssyncadd.s32 $0xFFFFE800  }
0x168: {  	[spmem:s7] =	stream.linear.scatter [tilespmem:s17], [sflag:$0x4], $0x1800, $0x38;
	[tilespmem:$0x1F340] =	vst v63  }
0x169: {  	_ =	swait.ge [sflag:s9], $0x1800  }
0x16a: {  	s11 =	sld [smem:$0x7FA]  }
0x16b: {  	[sflag:s9] =	ssyncset.done $0x0  }
0x16c: {  	[sflag:s9] =	ssyncadd.s32 $0xFFFFE800  }
0x16d: {  	[spmem:s11] =	stream.linear.scatter [tilespmem:s17], [sflag:$0x4], $0x1800, $0x38;
	[tilespmem:$0x1F340] =	vst v63  }
0x16e: {  	_ =	swait.ge [sflag:s9], $0x1800  }
0x16f: {  	s13 =	sld [smem:$0x7FB]  }
0x170: {  	[sflag:s9] =	ssyncset.done $0x0  }
0x171: {  	[sflag:s9] =	ssyncadd.s32 $0xFFFFE800  }
0x172: {  	[spmem:s13] =	stream.linear.scatter [tilespmem:s17], [sflag:$0x4], $0x1800, $0x38;
	[tilespmem:$0x1F340] =	vst v63  }
0x173: {  	_ =	swait.ge [sflag:s9], $0x1800  }
0x174: {  	s16 =	sld [smem:$0x7FC]  }
0x175: {  	[sflag:s9] =	ssyncset.done $0x0  }
0x176: {  	[sflag:s9] =	ssyncadd.s32 $0xFFFFE800  }
0x177: {  	[spmem:s16] =	stream.linear.scatter [tilespmem:s17], [sflag:$0x4], $0x1800, $0x38;
	[tilespmem:$0x1F340] =	vst v63  }
0x178: {  	_ =	swait.ge [sflag:s9], $0x1800  }
0x179: {  	s30 =	sld [smem:$0x7FD]  }
0x17a: {  	[sflag:s9] =	ssyncset.done $0x0  }
0x17b: {  	[sflag:s9] =	ssyncadd.s32 $0xFFFFE800  }
0x17c: {  	[spmem:s30] =	stream.linear.scatter [tilespmem:s17], [sflag:$0x4], $0x1800, $0x38;
	[tilespmem:$0x1F340] =	vst v63  }
0x17d: {  	_ =	swait.ge [sflag:s9], $0x1800  }
0x17e: {  	[sflag:s9] =	ssyncset.done $0x0  }
0x17f: {  	[sflag:s9] =	ssyncadd.s32 $0xFFFFE800  }
0x180: {  	[spmem:s3] =	stream.linear.scatter [tilespmem:s15], [sflag:$0x4], $0x200, $0x38;
	[tilespmem:$0x1F340] =	vst v63  }
.Ltmp10:
0x181: {  	_ =	swait.ge [sflag:s9], $0x200;
	(pc) =	sbr.rel @p0 .LBB2_20-.Ltmp10, $4  }
0x182: {  	[sflag:s9] =	ssyncset.done $0x0  }
0x183: {  	[sflag:s9] =	ssyncadd.s32 $0xFFFFFE00  }
0x184: {  	[bflag:$0x0] =	sbarrier.arrive $0xFFFF  }
0x185: {  	s0 =	simm.s32 $0x0;
	s16 =	simm.s32 $0x0  }
.Ltmp11:
0x186: {  	(pc) =	sbr.rel .LBB2_14-.Ltmp11, $3  }
0x187: {  	_ =	sdelay $0x1  }
0x188: {  	s0 =	simm.s32 $0x0  }
0x189: {  	v6 =	vmov s6;
	s7 =	simm.s32 $0x1000;
	s30 =	sld [smem:$0x7F7];
	s16 =	simm.s32 $0x0  }
.LBB2_17:
0x18a: {  	s1 =	simm.s32 @!p1 $0x2  }
0x18b: {  	_ =	swait.ge @!p1 [sflag:s1], $0x3000  }
0x18c: {  	[sflag:s1] =	ssyncset.done @!p1 $0x0  }
0x18d: {  	[sflag:s1] =	ssyncadd.s32 @!p1 $0xFFFFD000  }
0x18e: {  	v7 =	vld [tilespmem:$0x9010];
	_ =	sdelay $0x1  }
0x18f: {  	v8 =	vld [tilespmem:$0x9020];
	_ =	sdelay $0x1  }
0x190: {  	v9 =	vld [tilespmem:$0x9030]  }
0x191: {  	v10 =	vand.u32 $0x7FFF, v7  }
0x192: {  	v11 =	vld [tilespmem:$0x9040];
	vm0 =	vgt.s32 v7, $0xFFFFFFFF;
	v7 =	vshra.s32 v7, $0xF;
	v10 =	vor.u32 v0, v10  }
0x193: {  	v59 =	vand.u32 $0x7FFF, v8;
	v7 =	vnsel vm0, $0x2000, v7;
	[tilespmem:$0xE410] =	vst v10  }
0x194: {  	v60 =	vld [tilespmem:$0x9050];
	vm9 =	vgt.s32 v8, $0xFFFFFFFF;
	[tilespmem:$0xE490] =	vst v7;
	v7 =	vshra.s32 v8, $0xF;
	v8 =	vor.u32 v0, v59  }
0x195: {  	v7 =	vnsel vm9, $0x2000, v7;
	[tilespmem:$0xE420] =	vst v8;
	v8 =	vand.u32 $0x7FFF, v9  }
0x196: {  	v61 =	vld [tilespmem:$0x9060];
	vm10 =	vgt.s32 v9, $0xFFFFFFFF;
	[tilespmem:$0xE4A0] =	vst v7;
	v7 =	vshra.s32 v9, $0xF;
	v8 =	vor.u32 v0, v8  }
0x197: {  	v7 =	vnsel vm10, $0x2000, v7;
	[tilespmem:$0xE430] =	vst v8;
	v8 =	vand.u32 $0x7FFF, v11  }
0x198: {  	v62 =	vld [tilespmem:$0x9070];
	vm11 =	vgt.s32 v11, $0xFFFFFFFF;
	[tilespmem:$0xE4B0] =	vst v7;
	v7 =	vshra.s32 v11, $0xF;
	v8 =	vor.u32 v0, v8  }
0x199: {  	v7 =	vnsel vm11, $0x2000, v7;
	[tilespmem:$0xE440] =	vst v8;
	v8 =	vand.u32 $0x7FFF, v60  }
0x19a: {  	v63 =	vld [tilespmem:$0x9080];
	vm12 =	vgt.s32 v60, $0xFFFFFFFF;
	[tilespmem:$0xE4C0] =	vst v7;
	v7 =	vshra.s32 v60, $0xF;
	v8 =	vor.u32 v0, v8  }
0x19b: {  	v7 =	vnsel vm12, $0x2000, v7;
	[tilespmem:$0xE450] =	vst v8;
	v8 =	vand.u32 $0x7FFF, v61  }
0x19c: {  	vm13 =	vgt.s32 v61, $0xFFFFFFFF;
	[tilespmem:$0xE4D0] =	vst v7;
	v7 =	vshra.s32 v61, $0xF;
	v8 =	vor.u32 v0, v8  }
0x19d: {  	v7 =	vnsel vm13, $0x2000, v7;
	[tilespmem:$0xE460] =	vst v8;
	v8 =	vand.u32 $0x7FFF, v62  }
0x19e: {  	vm14 =	vgt.s32 v62, $0xFFFFFFFF;
	[tilespmem:$0xE4E0] =	vst v7;
	v7 =	vshra.s32 v62, $0xF;
	v8 =	vor.u32 v0, v8  }
0x19f: {  	v7 =	vnsel vm14, $0x2000, v7;
	[tilespmem:$0xE470] =	vst v8;
	v8 =	vand.u32 $0x7FFF, v63  }
0x1a0: {  	vm15 =	vgt.s32 v63, $0xFFFFFFFF;
	[tilespmem:$0xE4F0] =	vst v7;
	v7 =	vshra.s32 v63, $0xF;
	v8 =	vor.u32 v0, v8  }
0x1a1: {  	p1 =	slt.s32 s16, $0x1;
	v7 =	vnsel vm15, $0x2000, v7;
	[tilespmem:$0xE480] =	vst v8  }
0x1a2: {  	s1 =	simm.s32 @!p1 $0x1;
	[tilespmem:$0xE500] =	vst v7  }
0x1a3: {  	_ =	swait.ge @!p1 [sflag:s1], $0x1800  }
0x1a4: {  	[sflag:s1] =	ssyncset.done @!p1 $0x0  }
0x1a5: {  	[sflag:s1] =	ssyncadd.s32 @!p1 $0xFFFFE800  }
0x1a6: {  	_ =	swait.ge @!p1 [sflag:s1], $0x1800  }
0x1a7: {  	s11 =	simm.s32 @!p1 $0xB390;
	[sflag:s1] =	ssyncset.done @!p1 $0x0  }
0x1a8: {  	s13 =	simm.s32 @!p1 $0xB410;
	[sflag:s1] =	ssyncadd.s32 @!p1 $0xFFFFE800;
	s1 =	simm.s32 @!p1 $0x80  }
0x1a9: {  	[spmem:s4] =	stream.indirect.scatter.add.f32 @!p1 [tilespmem:s13], [sflag:$0x2], $0x60, s11, s1, $0xb8;
	[tilespmem:$0x1F340] =	vst v63  }
0x1aa: {  	_ = 	snop  }
0x1ab: {  	[tilespmem:s25], [sflag:$0x1] =	stream.indirect.gather [hbm4b:s8+s19], $0x60, s24, s19, $0xb8;
	[tilespmem:$0x1F340] =	vst v63  }
0x1ac: {  	_ = 	snop  }
0x1ad: {  	[tilespmem:s28], [sflag:$0x1] =	stream.indirect.gather [hbm4b:s8+s19], $0x60, s26, s19, $0xb8;
	[tilespmem:$0x1F340] =	vst v63  }
.LBB2_18:
0x1ae: {  	v7 =	vld [tilespmem:$0x9090];
	_ =	sdelay $0x4  }
0x1af: {  	[tilespmem:$0x9010] =	vst v7  }
.LBB2_19:
0x1b0: {  	s30 =	sadd.s32 $0xFFFFFFFF, s30  }
0x1b1: {  	p2 =	seq.s32 s30, $0x0  }
.Ltmp12:
0x1b2: {  	_ = 	snop;
	(pc) =	sbr.rel @p2 .LBB2_20-.Ltmp12, $4  }
0x1b3: {  	_ = 	snop  }
0x1b4: {  	p1 =	sgt.s32 s0, $0x7F;
	s1 =	simm.s32 $0x1  }
0x1b5: {  	s11 =	sadd.s32 $0xFFFFFF80, s0;
	s1 =	simm.s32 @!p1 $0x0  }
0x1b6: {  	s7 =	sadd.s32 $0x10, s7;
	s0 =	smov.u32 @p1 s11;
	s16 =	sadd.s32 s1, s16  }
.LBB2_14:
0x1b7: {  	v7 =	vld [tilespmem:s7+$0x0];
	_ =	sdelay $0x4  }
0x1b8: {  	v8 =	vshra.s32 v7, $0x1C  }
0x1b9: {  	vm1 =	vgt.s32 v7, $0xFFFFFFFF;
	vm0 =	veq.s32 v8, v6  }
0x1ba: {  	vm0 =	vmand vm1, vm0  }
0x1bb: {  	v8 =	vsel vm0, $0x1, v3  }
0x1bc: {  	(xrf0) =	vadd.scan.msk.s32 $0xffff, v8;
	_ =	sdelay $0x5  }
0x1bd: {  	v8, _, _ =	vpop (xrf0)  }
0x1be: {  	(v2sf) =	vpush v8, $0xF;
	_ =	sdelay $0xc  }
0x1bf: {  	v9 =	vmov s0  }
0x1c0: {  	v9 =	vadd.s32 $0xFFFFFFFF, v9  }
0x1c1: {  	v9 =	vbroadcast v9, $0x0;
	v10 =	vshrl.u32 v7, $0xF;
	s13 =	spop (v2sf)  }
0x1c2: {  	v10 =	vand.u32 $0x1FFF, v10;
	s0 =	sadd.s32 s0, s13  }
0x1c3: {  	v8 =	vadd.s32 v8, v9;
	p1 =	slt.s32 s0, $0x80  }
.Ltmp13:
0x1c4: {  	_ = 	snop;
	(pc) =	sbr.rel @p1 .LBB2_19-.Ltmp13, $3  }
0x1c5: {  	_ =	sdelay $0x1  }
0x1c6: {  	v7 =	vand.u32 $0xFFFFFFF, v7;
	[tilespmem:v10+s15+$0x0] =	vst.idx.add.f32.msk vm0, v5  }
0x1c7: {  	[tilespmem:v8+s18+$0x0] =	vst.idx.msk vm0, v7  }
0x1c8: {  	s13 =	sand.u32 $0x1, s16  }
0x1c9: {  	p2 =	seq.s32 s13, $0x1  }
.Ltmp14:
0x1ca: {  	_ = 	snop;
	(pc) =	sbr.rel @p2 .LBB2_17-.Ltmp14, $2  }
0x1cb: {  	_ =	sdelay $0x2  }
0x1cc: {  	p1 =	slt.s32 s16, $0x2  }
0x1cd: {  	s13 =	simm.s32 @!p1 $0x2  }
0x1ce: {  	_ =	swait.ge @!p1 [sflag:s13], $0x3000  }
0x1cf: {  	[sflag:s13] =	ssyncset.done @!p1 $0x0  }
0x1d0: {  	[sflag:s13] =	ssyncadd.s32 @!p1 $0xFFFFD000  }
0x1d1: {  	v7 =	vld [tilespmem:$0x9010];
	_ =	sdelay $0x1  }
0x1d2: {  	v8 =	vld [tilespmem:$0x9020];
	_ =	sdelay $0x1  }
0x1d3: {  	v9 =	vld [tilespmem:$0x9030]  }
0x1d4: {  	v10 =	vand.u32 $0x7FFF, v7  }
0x1d5: {  	v11 =	vld [tilespmem:$0x9040];
	vm0 =	vgt.s32 v7, $0xFFFFFFFF;
	v7 =	vshra.s32 v7, $0xF;
	v10 =	vor.u32 v0, v10  }
0x1d6: {  	v59 =	vand.u32 $0x7FFF, v8;
	v7 =	vnsel vm0, $0x2000, v7;
	[tilespmem:$0xB310] =	vst v10  }
0x1d7: {  	v60 =	vld [tilespmem:$0x9050];
	vm9 =	vgt.s32 v8, $0xFFFFFFFF;
	[tilespmem:$0xB390] =	vst v7;
	v7 =	vshra.s32 v8, $0xF;
	v8 =	vor.u32 v0, v59  }
0x1d8: {  	v7 =	vnsel vm9, $0x2000, v7;
	[tilespmem:$0xB320] =	vst v8;
	v8 =	vand.u32 $0x7FFF, v9  }
0x1d9: {  	v61 =	vld [tilespmem:$0x9060];
	vm10 =	vgt.s32 v9, $0xFFFFFFFF;
	[tilespmem:$0xB3A0] =	vst v7;
	v7 =	vshra.s32 v9, $0xF;
	v8 =	vor.u32 v0, v8  }
0x1da: {  	v7 =	vnsel vm10, $0x2000, v7;
	[tilespmem:$0xB330] =	vst v8;
	v8 =	vand.u32 $0x7FFF, v11  }
0x1db: {  	v62 =	vld [tilespmem:$0x9070];
	vm11 =	vgt.s32 v11, $0xFFFFFFFF;
	[tilespmem:$0xB3B0] =	vst v7;
	v7 =	vshra.s32 v11, $0xF;
	v8 =	vor.u32 v0, v8  }
0x1dc: {  	v7 =	vnsel vm11, $0x2000, v7;
	[tilespmem:$0xB340] =	vst v8;
	v8 =	vand.u32 $0x7FFF, v60  }
0x1dd: {  	v63 =	vld [tilespmem:$0x9080];
	vm12 =	vgt.s32 v60, $0xFFFFFFFF;
	[tilespmem:$0xB3C0] =	vst v7;
	v7 =	vshra.s32 v60, $0xF;
	v8 =	vor.u32 v0, v8  }
0x1de: {  	v7 =	vnsel vm12, $0x2000, v7;
	[tilespmem:$0xB350] =	vst v8;
	v8 =	vand.u32 $0x7FFF, v61  }
0x1df: {  	vm13 =	vgt.s32 v61, $0xFFFFFFFF;
	[tilespmem:$0xB3D0] =	vst v7;
	v7 =	vshra.s32 v61, $0xF;
	v8 =	vor.u32 v0, v8  }
0x1e0: {  	v7 =	vnsel vm13, $0x2000, v7;
	[tilespmem:$0xB360] =	vst v8;
	v8 =	vand.u32 $0x7FFF, v62  }
0x1e1: {  	vm14 =	vgt.s32 v62, $0xFFFFFFFF;
	[tilespmem:$0xB3E0] =	vst v7;
	v7 =	vshra.s32 v62, $0xF;
	v8 =	vor.u32 v0, v8  }
0x1e2: {  	v7 =	vnsel vm14, $0x2000, v7;
	[tilespmem:$0xB370] =	vst v8;
	v8 =	vand.u32 $0x7FFF, v63  }
0x1e3: {  	vm15 =	vgt.s32 v63, $0xFFFFFFFF;
	[tilespmem:$0xB3F0] =	vst v7;
	v7 =	vshra.s32 v63, $0xF;
	v8 =	vor.u32 v0, v8  }
0x1e4: {  	p1 =	slt.s32 s16, $0x1;
	v7 =	vnsel vm15, $0x2000, v7;
	[tilespmem:$0xB380] =	vst v8  }
0x1e5: {  	s13 =	simm.s32 @!p1 $0x1;
	[tilespmem:$0xB400] =	vst v7  }
0x1e6: {  	_ =	swait.ge @!p1 [sflag:s13], $0x1800  }
0x1e7: {  	[sflag:s13] =	ssyncset.done @!p1 $0x0  }
0x1e8: {  	[sflag:s13] =	ssyncadd.s32 @!p1 $0xFFFFE800  }
0x1e9: {  	_ =	swait.ge @!p1 [sflag:s13], $0x1800  }
0x1ea: {  	s1 =	simm.s32 @!p1 $0xE490;
	[sflag:s13] =	ssyncset.done @!p1 $0x0  }
0x1eb: {  	s11 =	simm.s32 @!p1 $0xE510;
	[sflag:s13] =	ssyncadd.s32 @!p1 $0xFFFFE800;
	s13 =	simm.s32 @!p1 $0x80  }
0x1ec: {  	[spmem:s4] =	stream.indirect.scatter.add.f32 @!p1 [tilespmem:s11], [sflag:$0x2], $0x60, s1, s13, $0xb8;
	[tilespmem:$0x1F340] =	vst v63  }
.Ltmp15:
0x1ed: {  	_ = 	snop;
	(pc) =	sbr.rel .LBB2_18-.Ltmp15, $4  }
0x1ee: {  	_ = 	snop  }
0x1ef: {  	[tilespmem:s21], [sflag:$0x1] =	stream.indirect.gather [hbm4b:s8+s19], $0x60, s20, s19, $0xb8;
	[tilespmem:$0x1F340] =	vst v63  }
0x1f0: {  	_ = 	snop  }
0x1f1: {  	[tilespmem:s23], [sflag:$0x1] =	stream.indirect.gather [hbm4b:s8+s19], $0x60, s22, s19, $0xb8;
	[tilespmem:$0x1F340] =	vst v63  }
.LBB2_20:
0x1f2: {  	v6 =	vadd.s32 s0, v2;
	s7 =	sadd.s32 $0x10, s0  }
0x1f3: {  	s13 =	sadd.s32 $0x20, s0;
	v7 =	vadd.s32 s7, v2  }
0x1f4: {  	s30 =	sadd.s32 $0x30, s0;
	v8 =	vadd.s32 s13, v2  }
0x1f5: {  	s1 =	sadd.s32 $0x40, s0;
	v9 =	vadd.s32 s30, v2  }
0x1f6: {  	s11 =	sadd.s32 $0x50, s0;
	v10 =	vadd.s32 s1, v2  }
0x1f7: {  	s13 =	sadd.s32 $0x60, s0;
	[tilespmem:v6+s18+$0x0] =	vst.idx.msk $0xffff, v4;
	v6 =	vadd.s32 s11, v2  }
0x1f8: {  	s30 =	sadd.s32 $0x70, s0;
	[tilespmem:v7+s18+$0x0] =	vst.idx.msk $0xffff, v4;
	v7 =	vadd.s32 s13, v2  }
0x1f9: {  	p1 =	sgt.s32 s0, $0x0;
	v63 =	vadd.s32 s30, v2;
	[tilespmem:v8+s18+$0x0] =	vst.idx.msk $0xffff, v4  }
.Ltmp16:
0x1fa: {  	[tilespmem:v9+s18+$0x0] =	vst.idx.msk $0xffff, v4;
	(pc) =	sbr.rel @!p1 .LBB2_24-.Ltmp16, $4  }
0x1fb: {  	[tilespmem:v10+s18+$0x0] =	vst.idx.msk $0xffff, v4  }
0x1fc: {  	[tilespmem:v6+s18+$0x0] =	vst.idx.msk $0xffff, v4  }
0x1fd: {  	[tilespmem:v7+s18+$0x0] =	vst.idx.msk $0xffff, v4  }
0x1fe: {  	[tilespmem:v63+s18+$0x0] =	vst.idx.msk $0xffff, v4  }
0x1ff: {  	s0 =	sand.u32 $0x1, s16  }
0x200: {  	p3 =	seq.s32 s0, $0x1  }
.Ltmp17:
0x201: {  	_ = 	snop;
	(pc) =	sbr.rel @p3 .LBB2_23-.Ltmp17, $2  }
0x202: {  	_ =	sdelay $0x2  }
0x203: {  	p2 =	slt.s32 s16, $0x2  }
0x204: {  	s0 =	simm.s32 @!p2 $0x2  }
0x205: {  	_ =	swait.ge @!p2 [sflag:s0], $0x3000  }
0x206: {  	[sflag:s0] =	ssyncset.done @!p2 $0x0  }
0x207: {  	[sflag:s0] =	ssyncadd.s32 @!p2 $0xFFFFD000  }
0x208: {  	v6 =	vld [tilespmem:$0x9010];
	_ =	sdelay $0x1  }
0x209: {  	v7 =	vld [tilespmem:$0x9020];
	_ =	sdelay $0x1  }
0x20a: {  	v8 =	vld [tilespmem:$0x9030]  }
0x20b: {  	v9 =	vand.u32 $0x7FFF, v6  }
0x20c: {  	v10 =	vld [tilespmem:$0x9040];
	vm0 =	vgt.s32 v6, $0xFFFFFFFF;
	v6 =	vshra.s32 v6, $0xF;
	v9 =	vor.u32 v0, v9  }
0x20d: {  	v59 =	vand.u32 $0x7FFF, v7;
	v6 =	vnsel vm0, $0x2000, v6;
	[tilespmem:$0xB310] =	vst v9  }
0x20e: {  	v60 =	vld [tilespmem:$0x9050];
	vm9 =	vgt.s32 v7, $0xFFFFFFFF;
	[tilespmem:$0xB390] =	vst v6;
	v6 =	vshra.s32 v7, $0xF;
	v7 =	vor.u32 v0, v59  }
0x20f: {  	v6 =	vnsel vm9, $0x2000, v6;
	[tilespmem:$0xB320] =	vst v7;
	v7 =	vand.u32 $0x7FFF, v8  }
0x210: {  	v61 =	vld [tilespmem:$0x9060];
	vm10 =	vgt.s32 v8, $0xFFFFFFFF;
	[tilespmem:$0xB3A0] =	vst v6;
	v6 =	vshra.s32 v8, $0xF;
	v7 =	vor.u32 v0, v7  }
0x211: {  	v6 =	vnsel vm10, $0x2000, v6;
	[tilespmem:$0xB330] =	vst v7;
	v7 =	vand.u32 $0x7FFF, v10  }
0x212: {  	v62 =	vld [tilespmem:$0x9070];
	vm11 =	vgt.s32 v10, $0xFFFFFFFF;
	[tilespmem:$0xB3B0] =	vst v6;
	v6 =	vshra.s32 v10, $0xF;
	v7 =	vor.u32 v0, v7  }
0x213: {  	v6 =	vnsel vm11, $0x2000, v6;
	[tilespmem:$0xB340] =	vst v7;
	v7 =	vand.u32 $0x7FFF, v60  }
0x214: {  	v63 =	vld [tilespmem:$0x9080];
	vm12 =	vgt.s32 v60, $0xFFFFFFFF;
	[tilespmem:$0xB3C0] =	vst v6;
	v6 =	vshra.s32 v60, $0xF;
	v7 =	vor.u32 v0, v7  }
0x215: {  	v6 =	vnsel vm12, $0x2000, v6;
	[tilespmem:$0xB350] =	vst v7;
	v7 =	vand.u32 $0x7FFF, v61  }
0x216: {  	vm13 =	vgt.s32 v61, $0xFFFFFFFF;
	[tilespmem:$0xB3D0] =	vst v6;
	v6 =	vshra.s32 v61, $0xF;
	v7 =	vor.u32 v0, v7  }
0x217: {  	v6 =	vnsel vm13, $0x2000, v6;
	[tilespmem:$0xB360] =	vst v7;
	v7 =	vand.u32 $0x7FFF, v62  }
0x218: {  	vm14 =	vgt.s32 v62, $0xFFFFFFFF;
	[tilespmem:$0xB3E0] =	vst v6;
	v6 =	vshra.s32 v62, $0xF;
	v7 =	vor.u32 v0, v7  }
0x219: {  	v6 =	vnsel vm14, $0x2000, v6;
	[tilespmem:$0xB370] =	vst v7;
	v7 =	vand.u32 $0x7FFF, v63  }
0x21a: {  	vm15 =	vgt.s32 v63, $0xFFFFFFFF;
	[tilespmem:$0xB3F0] =	vst v6;
	v6 =	vshra.s32 v63, $0xF;
	v7 =	vor.u32 v0, v7  }
0x21b: {  	p2 =	slt.s32 s16, $0x1;
	v6 =	vnsel vm15, $0x2000, v6;
	[tilespmem:$0xB380] =	vst v7  }
0x21c: {  	s0 =	simm.s32 @!p2 $0x1;
	[tilespmem:$0xB400] =	vst v6  }
0x21d: {  	_ =	swait.ge @!p2 [sflag:s0], $0x1800  }
0x21e: {  	[sflag:s0] =	ssyncset.done @!p2 $0x0  }
0x21f: {  	[sflag:s0] =	ssyncadd.s32 @!p2 $0xFFFFE800  }
0x220: {  	_ =	swait.ge @!p2 [sflag:s0], $0x1800  }
0x221: {  	s1 =	simm.s32 @!p2 $0xE490;
	[sflag:s0] =	ssyncset.done @!p2 $0x0  }
0x222: {  	s7 =	simm.s32 @!p2 $0xE510;
	[sflag:s0] =	ssyncadd.s32 @!p2 $0xFFFFE800;
	s0 =	simm.s32 @!p2 $0x80  }
0x223: {  	[spmem:s4] =	stream.indirect.scatter.add.f32 @!p2 [tilespmem:s7], [sflag:$0x2], $0x60, s1, s0, $0xb8;
	[tilespmem:$0x1F340] =	vst v63  }
.Ltmp18:
0x224: {  	_ = 	snop;
	(pc) =	sbr.rel .LBB2_24-.Ltmp18, $4  }
0x225: {  	_ = 	snop  }
0x226: {  	[tilespmem:s21], [sflag:$0x1] =	stream.indirect.gather [hbm4b:s8+s19], $0x60, s20, s19, $0xb8;
	[tilespmem:$0x1F340] =	vst v63  }
0x227: {  	_ = 	snop  }
0x228: {  	[tilespmem:s23], [sflag:$0x1] =	stream.indirect.gather [hbm4b:s8+s19], $0x60, s22, s19, $0xb8;
	[tilespmem:$0x1F340] =	vst v63  }
.LBB2_27:
0x229: {  	_ =	sfence.sel $0x180000  }
0x22a: {  	[bflag:$0x0] =	sbarrier.arrive $0xFFFF  }
0x22b: {  	_ =	strace $0x90000047  }
0x22c: {  	s0 =	stileid.u32;
	[bflag:$0x2] =	sbarrier.arrive $0xFFFF  }
0x22d: {  	p0 =	sne.s32 s0, $0x0;
	s0 =	rddreg [dreg:$0x6]  }
0x22e: {  	s0 =	sadd.s32 @!p0 $0x100000, s0  }
0x22f: {  	[sflag:s0] =	ssyncadd.tile.s32 @!p0 $0x1;
	_ =	shalt  }
.Lfunc_end2:
_tile_overlayer_lowered:
.L_overlay_start_2:
0x230: {  	(tag) =	ssettag $0x2  }
0x231: {  	s0 =	rddreg [dreg:$0x0];
	s2 =	stileid.u32  }
0x232: {  	s1 =	rddreg [dreg:$0x1];
	p0 =	sne.s32 s2, $0x0  }
0x233: {  	s3 =	rddreg [dreg:$0x2];
	[bflag:$0x3] =	sbarrier.arrive $0xFFFF;
	s2 =	simm.s32 @!p0 $0x1C04  }
0x234: {  	[timem:s3], [sflag:s2] =	dma.local @!p0 [hbm:s0], s1  }
0x235: {  	s0 =	simm.s32 @!p0 $0x4  }
0x236: {  	_ =	swait.ge @!p0 [sflag:s0], s1  }
0x237: {  	s1 =	ssub.s32 @!p0 $0x0, s1;
	[sflag:s0] =	ssyncset.done @!p0 $0x0  }
0x238: {  	[sflag:s0] =	ssyncadd.s32 @!p0 s1  }
0x239: {  	[bflag:$0x3] =	sbarrier.arrive $0xFFFF  }
0x23a: {  	_ =	shalt  }

</sc_bundles>
